<compile_context>
chip_gen: v7x
topology: tpu7x:2x2x1
jax: 0.10.2.dev20260603
libtpu: 0.0.44.dev20260713+nightly
codegen_flags: <defaults>
</compile_context>

<pallas_src>
import functools
import math

import numpy as np
import jax
import jax.numpy as jnp
from jax import lax
from jax.experimental import pallas as pl
from jax.experimental.pallas import tpu as pltpu
from jax.experimental.pallas import tpu_sc as plsc

B, S, H, R, K, A = 4, 2048, 2048, 64, 8, 32
HD = 64

SC_S = 256
TC_S = S - SC_S
CH = 256
CPB = TC_S // CH
NCHUNK = B * CPB
NBUF = 12

NC, NS, L = 2, 16, 16
NW = NC * NS
CW = 128
NCB = H // CW
NRH = NW // NCB
NR = SC_S // NRH


def _hadamard_np(n):
    if n == 1:
        return np.array([[1.0]], dtype=np.float64)
    h = _hadamard_np(n // 2)
    top = np.concatenate([h, h], axis=1)
    bot = np.concatenate([h, -h], axis=1)
    return np.concatenate([top, bot], axis=0) / math.sqrt(n)


_HMAT_T = np.ascontiguousarray(_hadamard_np(HD).T.astype(np.float32))



def _sc_body(hid_ref, out_ref, buf_ref, outv_ref, sems):
    wid = lax.axis_index("s") * NC + lax.axis_index("c")
    col0 = pl.multiple_of((wid % NCB) * CW, CW)
    row0 = pl.multiple_of(TC_S + (wid // NCB) * NR, 8)

    for b in range(B):
        pltpu.make_async_copy(
            hid_ref.at[b, pl.ds(row0, NR), pl.ds(col0, CW)],
            buf_ref.at[b], sems.at[b]).start()

    for b in range(B):
        pltpu.make_async_copy(
            hid_ref.at[b, pl.ds(row0, NR), pl.ds(col0, CW)],
            buf_ref.at[b], sems.at[b]).wait()

        def body(r, accs):
            return tuple(
                accs[cc] + buf_ref[b, r, pl.ds(cc * L, L)] for cc in range(CW // L))

        accs = tuple(jnp.zeros((L,), jnp.float32) for _ in range(CW // L))
        accs = lax.fori_loop(0, NR, body, accs)
        for cc in range(CW // L):
            outv_ref[b, pl.ds(cc * L, L)] = accs[cc]

    pltpu.sync_copy(outv_ref, out_ref.at[wid // NCB, :, pl.ds(col0, CW)])


def _sc_partial(hidden_states):
    kern = functools.partial(
        pl.kernel,
        out_type=jax.ShapeDtypeStruct((NRH, B, H), jnp.float32),
        mesh=plsc.VectorSubcoreMesh(core_axis_name="c", subcore_axis_name="s"),
        scratch_types=[
            pltpu.VMEM((B, NR, CW), jnp.float32),
            pltpu.VMEM((B, CW), jnp.float32),
            pltpu.SemaphoreType.DMA((B,)),
        ],
    )(_sc_body)
    return kern(hidden_states)



def _stream_kernel(hid_ref, out_ref, buf_ref, insem):
    def start_in(c):
        pltpu.make_async_copy(
            hid_ref.at[c // CPB, pl.ds((c % CPB) * CH, CH), :],
            buf_ref.at[c % NBUF], insem.at[c % NBUF]).start()

    for c in range(NBUF):
        start_in(c)

    for b in range(B):
        acc = None
        for j in range(CPB):
            c = b * CPB + j
            pltpu.make_async_copy(
                hid_ref.at[c // CPB, pl.ds((c % CPB) * CH, CH), :],
                buf_ref.at[c % NBUF], insem.at[c % NBUF]).wait()
            part = jnp.sum(buf_ref[c % NBUF].reshape(CH // 8, 8, H), axis=0)
            acc = part if acc is None else acc + part
            if c + NBUF < NCHUNK:
                start_in(c + NBUF)
        out_ref[b] = acc



def _finish_kernel(tcp_ref, scp_ref, act_ref, hmt_ref, w1_ref, b1_ref, lng_ref,
                   lnb_ref, w2_ref, b2_ref, ml_ref, rs_ref, out_ref):
    iota_l = lax.broadcasted_iota(jnp.int32, (R, R), 1)
    iota_s = lax.broadcasted_iota(jnp.int32, (R, R), 0)

    for b in range(B):
        pooled = (jnp.sum(tcp_ref[b], axis=0, keepdims=True)
                  + scp_ref[0, pl.ds(b, 1), :]
                  + scp_ref[1, pl.ds(b, 1), :]) * (1.0 / S)
        h = lax.dot_general(
            pooled, w1_ref[...], (((1,), (1,)), ((), ())),
            precision=lax.Precision.HIGHEST,
            preferred_element_type=jnp.float32) + b1_ref[...]
        mu = jnp.mean(h, axis=-1, keepdims=True)
        var = jnp.mean((h - mu) ** 2, axis=-1, keepdims=True)
        h = (h - mu) * lax.rsqrt(var + 1e-5) * lng_ref[...] + lnb_ref[...]
        h = h * 0.5 * (1.0 + lax.erf(h * (1.0 / math.sqrt(2.0))))
        logits = lax.dot_general(
            h, w2_ref[...], (((1,), (0,)), ((), ())),
            precision=lax.Precision.HIGHEST,
            preferred_element_type=jnp.float32) + b2_ref[...]
        combined = logits + ml_ref[...]

        col = jnp.broadcast_to(combined, (R, R))
        row = jnp.transpose(combined).reshape(R, 1)
        beats = (row > col) | ((row == col) & (iota_s < iota_l))
        rank = jnp.sum(beats.astype(jnp.float32), axis=0, keepdims=True)
        mask = (rank < K).astype(jnp.float32)

        w = mask * rs_ref[...]

        mw = hmt_ref[...] * w
        out_ref[b] = lax.dot_general(
            mw, act_ref[b], (((1,), (0,)), ((), ())),
            precision=lax.Precision.HIGHEST,
            preferred_element_type=jnp.float32)


def kernel(rank_activations, hidden_states, W1, b1, ln_g, ln_b, W2, b2, mask_logits, rank_scales):
    hmt = jnp.asarray(_HMAT_T)

    sc_partial = _sc_partial(hidden_states)

    tc_partial = pl.pallas_call(
        _stream_kernel,
        in_specs=[pl.BlockSpec(memory_space=pl.ANY)],
        out_specs=pl.BlockSpec((B, 8, H), lambda: (0, 0, 0)),
        out_shape=jax.ShapeDtypeStruct((B, 8, H), jnp.float32),
        scratch_shapes=[
            pltpu.VMEM((NBUF, CH, H), jnp.float32),
            pltpu.SemaphoreType.DMA((NBUF,)),
        ],
    )(hidden_states)

    out = pl.pallas_call(
        _finish_kernel,
        in_specs=[
            pl.BlockSpec((B, 8, H), lambda: (0, 0, 0)),
            pl.BlockSpec((NRH, B, H), lambda: (0, 0, 0)),
            pl.BlockSpec((B, R, S), lambda: (0, 0, 0)),
            pl.BlockSpec((HD, HD), lambda: (0, 0)),
            pl.BlockSpec((A, H), lambda: (0, 0)),
            pl.BlockSpec((1, A), lambda: (0, 0)),
            pl.BlockSpec((1, A), lambda: (0, 0)),
            pl.BlockSpec((1, A), lambda: (0, 0)),
            pl.BlockSpec((A, R), lambda: (0, 0)),
            pl.BlockSpec((1, R), lambda: (0, 0)),
            pl.BlockSpec((1, R), lambda: (0, 0)),
            pl.BlockSpec((1, R), lambda: (0, 0)),
        ],
        out_specs=pl.BlockSpec((B, R, S), lambda: (0, 0, 0)),
        out_shape=jax.ShapeDtypeStruct((B, R, S), jnp.float32),
    )(
        tc_partial, sc_partial, rank_activations.transpose(0, 2, 1), hmt, W1,
        b1.reshape(1, A), ln_g.reshape(1, A), ln_b.reshape(1, A),
        jnp.transpose(W2), b2.reshape(1, R), mask_logits.reshape(1, R),
        rank_scales.reshape(1, R),
    )
    return out.transpose(0, 2, 1)

# --- scband reference (transcript-rebuilt; emitter-appended) ---
"""Pipeline reference for scband-sparse-mask-controller-57226144252249 (READ-ONLY COPY).

The authoritative reference and input builder live on the scoring server;
editing this copy changes nothing except your own understanding.
"""

import jax, jax.numpy as jnp
import numpy as np
import math

B, S, H, R, K, A = 4, 2048, 2048, 64, 8, 32
HD = 64  # hadamard dim = max(16, 2**ceil(log2(R)))


def _hadamard(n):
    # Faithful replication of the torch recursive construction (divides by sqrt(n) at every level)
    if n == 1:
        return np.array([[1.0]], dtype=np.float64)
    h = _hadamard(n // 2)
    top = np.concatenate([h, h], axis=1)
    bot = np.concatenate([h, -h], axis=1)
    return np.concatenate([top, bot], axis=0) / math.sqrt(n)


def setup_inputs(seed: int = 0) -> dict:
    key = jax.random.key(seed)
    ks = jax.random.split(key, 6)
    return {
        "rank_activations": jax.random.normal(ks[0], (B, S, R), dtype=jnp.float32),
        "hidden_states": jax.random.normal(ks[1], (B, S, H), dtype=jnp.float32),
        "W1": jax.random.normal(ks[2], (A, H), dtype=jnp.float32) * 0.02,
        "b1": jnp.zeros((A,), jnp.float32),
        "ln_g": jnp.ones((A,), jnp.float32),
        "ln_b": jnp.zeros((A,), jnp.float32),
        "W2": jax.random.normal(ks[3], (R, A), dtype=jnp.float32) * 0.02,
        "b2": jnp.zeros((R,), jnp.float32),
        "mask_logits": jax.random.normal(ks[4], (R,), dtype=jnp.float32) * 0.1,
        "rank_scales": jnp.ones((R,), jnp.float32),
    }


def reference(rank_activations, hidden_states, W1, b1, ln_g, ln_b, W2, b2, mask_logits, rank_scales):
    # Eval-mode path of SparseMaskController.apply_sparse_mask (deterministic, no Gumbel noise / EMA update)
    Hmat = jnp.asarray(_hadamard(HD), jnp.float32)
    pooled = hidden_states.mean(axis=1)  # [B, H]
    h = pooled @ W1.T + b1
    mu = h.mean(axis=-1, keepdims=True)
    var = h.var(axis=-1, keepdims=True)
    h = (h - mu) / jnp.sqrt(var + 1e-5) * ln_g + ln_b
    h = jax.nn.gelu(h, approximate=False)
    instance_logits = h @ W2.T + b2  # [B, R]
    combined = instance_logits + mask_logits[None, :]
    _, idx = jax.lax.top_k(combined, K)  # [B, K]
    mask = jnp.zeros((B, R), jnp.float32).at[jnp.arange(B)[:, None], idx].set(1.0)
    masked = rank_activations * mask[:, None, :]
    scaled = masked * rank_scales[None, None, :]
    pad = HD - scaled.shape[-1]
    if pad > 0:
        padded = jnp.concatenate([scaled, jnp.zeros(scaled.shape[:-1] + (pad,), scaled.dtype)], axis=-1)
    else:
        padded = scaled[:, :, :HD]
    flat = padded.reshape(-1, HD)
    transformed = (flat @ Hmat.T).reshape(padded.shape)
    final = transformed[:, :, :R]
    return final

if __name__ == "__main__":
    import jax
    _d = setup_inputs()
    print(jax.jit(kernel)(*tuple(_d.values())))

</pallas_src>

<mosaic_0001>
#map = affine_map<(d0, d1) -> (0, 0, 0)>
module attributes {stable_mosaic.version = 14 : i64} {
  func.func @_sc_body(%arg0: i32, %arg1: i32, %arg2: memref<4x2048x2048xf32, #tpu.memory_space<hbm>>, %arg3: memref<2x4x2048xf32, #tpu.memory_space<hbm>>, %arg4: memref<4x128x128xf32, #tpu.memory_space<vmem>>, %arg5: memref<4x128xf32, #tpu.memory_space<vmem>>, %arg6: memref<4x!tpu.dma_semaphore, #tpu.memory_space<semaphore_mem>>) attributes {dimension_semantics = [#tpu.dimension_semantics<core_parallel>, #tpu.dimension_semantics<subcore_parallel>], iteration_bounds = array<i64: 2, 16>, scalar_prefetch = 0 : i64, scratch_operands = 3 : i64, tpu.core_type = #tpu.core_type<sc_vector_subcore>, window_params = [{transform_indices = #map}, {transform_indices = #map}]} {
    %mul3A = arith.constant 2 : i32
    %mul3A_0 = arith.muli %arg1, %mul3A : i32
    %add3A = arith.addi %mul3A_0, %arg0 : i32
    %jit3A = arith.constant 16 : i32
    %eq3A = arith.constant 0 : i32
    %eq3A_1 = arith.cmpi eq, %jit3A, %eq3A : i32
    %jit3A_2 = arith.constant 1 : i32
    %select_n3A = arith.select %eq3A_1, %jit3A_2, %jit3A : i32
    %rem3A = arith.remsi %add3A, %select_n3A : i32
    %ne3A = arith.constant 0 : i32
    %ne3A_3 = arith.cmpi ne, %rem3A, %ne3A : i32
    %lt3A = arith.constant 0 : i32
    %lt3A_4 = arith.cmpi slt, %rem3A, %lt3A : i32
    %lt3A_5 = arith.constant 0 : i32
    %lt3A_6 = arith.cmpi slt, %select_n3A, %lt3A_5 : i32
    %ne3A_7 = arith.xori %lt3A_4, %lt3A_6 : i1
    %and3A = arith.andi %ne3A_7, %ne3A_3 : i1
    %add3A_8 = arith.addi %rem3A, %select_n3A : i32
    %select_n3A_9 = arith.select %and3A, %add3A_8, %rem3A : i32
    %mul3A_10 = arith.constant 128 : i32
    %mul3A_11 = arith.muli %select_n3A_9, %mul3A_10 : i32
    %multiple_of3A = tpu.assume_multiple %mul3A_11, 128 : i32
    %jit3A_12 = arith.constant 16 : i32
    %div3A = arith.divsi %add3A, %jit3A_12 : i32
    %sign3A = arith.constant 0 : i32
    %sign3A_13 = arith.cmpi sgt, %add3A, %sign3A : i32
    %sign3A_14 = arith.extui %sign3A_13 : i1 to i32
    %sign3A_15 = arith.constant 0 : i32
    %sign3A_16 = arith.cmpi slt, %add3A, %sign3A_15 : i32
    %sign3A_17 = arith.extui %sign3A_16 : i1 to i32
    %sign3A_18 = arith.subi %sign3A_14, %sign3A_17 : i32
    %sign3A_19 = arith.constant 0 : i32
    %sign3A_20 = arith.cmpi sgt, %jit3A_12, %sign3A_19 : i32
    %sign3A_21 = arith.extui %sign3A_20 : i1 to i32
    %sign3A_22 = arith.constant 0 : i32
    %sign3A_23 = arith.cmpi slt, %jit3A_12, %sign3A_22 : i32
    %sign3A_24 = arith.extui %sign3A_23 : i1 to i32
    %sign3A_25 = arith.subi %sign3A_21, %sign3A_24 : i32
    %ne3A_26 = arith.cmpi ne, %sign3A_18, %sign3A_25 : i32
    %rem3A_27 = arith.remsi %add3A, %jit3A_12 : i32
    %ne3A_28 = arith.constant 0 : i32
    %ne3A_29 = arith.cmpi ne, %rem3A_27, %ne3A_28 : i32
    %and3A_30 = arith.andi %ne3A_26, %ne3A_29 : i1
    %sub3A = arith.constant 1 : i32
    %sub3A_31 = arith.subi %div3A, %sub3A : i32
    %select_n3A_32 = arith.select %and3A_30, %sub3A_31, %div3A : i32
    %mul3A_33 = arith.constant 128 : i32
    %mul3A_34 = arith.muli %select_n3A_32, %mul3A_33 : i32
    %add3A_35 = arith.constant 1792 : i32
    %add3A_36 = arith.addi %add3A_35, %mul3A_34 : i32
    %multiple_of3A_37 = tpu.assume_multiple %add3A_36, 8 : i32
    %dma_start3A = arith.constant 0 : i32
    %dma_start3A_38 = arith.constant 0 : i32
    %dma_start3A_39 = arith.constant 0 : i32
    %dma_start3A_40 = arith.constant 0 : i32
    %dma_start3A_41 = arith.constant 0 : i32
    %dma_start3A_42 = tpu.memref_slice %arg4[%dma_start3A_38, %dma_start3A_40, %dma_start3A_41] : memref<4x128x128xf32, #tpu.memory_space<vmem>> -> memref<1x128x128xf32, #tpu.memory_space<vmem>>
    %dma_start3A_43 = tpu.memref_squeeze %dma_start3A_42 : memref<1x128x128xf32, #tpu.memory_space<vmem>> -> memref<128x128xf32, #tpu.memory_space<vmem>>
    %dma_start3A_44 = tpu.memref_slice %arg2[%dma_start3A, %multiple_of3A_37, %multiple_of3A] : memref<4x2048x2048xf32, #tpu.memory_space<hbm>> -> memref<1x128x128xf32, #tpu.memory_space<hbm>>
    %dma_start3A_45 = tpu.memref_squeeze %dma_start3A_44 : memref<1x128x128xf32, #tpu.memory_space<hbm>> -> memref<128x128xf32, #tpu.memory_space<hbm>>
    %dma_start3A_46 = tpu.memref_slice %arg6[%dma_start3A_39] : memref<4x!tpu.dma_semaphore, #tpu.memory_space<semaphore_mem>> -> memref<1x!tpu.dma_semaphore, #tpu.memory_space<semaphore_mem>>
    %dma_start3A_47 = tpu.memref_squeeze %dma_start3A_46 : memref<1x!tpu.dma_semaphore, #tpu.memory_space<semaphore_mem>> -> memref<!tpu.dma_semaphore, #tpu.memory_space<semaphore_mem>>
    %dma_start3A_48 = arith.constant 0 : i32
    %dma_start3A_49 = arith.constant 0 : i32
    %dma_start3A_50 = tpu.memref_slice %arg4[%dma_start3A_38, %dma_start3A_48, %dma_start3A_49] : memref<4x128x128xf32, #tpu.memory_space<vmem>> -> memref<1x128x128xf32, #tpu.memory_space<vmem>>
    %dma_start3A_51 = tpu.memref_squeeze %dma_start3A_50 : memref<1x128x128xf32, #tpu.memory_space<vmem>> -> memref<128x128xf32, #tpu.memory_space<vmem>>
    %dma_start3A_52 = tpu.memref_slice %arg2[%dma_start3A, %multiple_of3A_37, %multiple_of3A] : memref<4x2048x2048xf32, #tpu.memory_space<hbm>> -> memref<1x128x128xf32, #tpu.memory_space<hbm>>
    %dma_start3A_53 = tpu.memref_squeeze %dma_start3A_52 : memref<1x128x128xf32, #tpu.memory_space<hbm>> -> memref<128x128xf32, #tpu.memory_space<hbm>>
    tpu.enqueue_dma source(%dma_start3A_53 : memref<128x128xf32, #tpu.memory_space<hbm>>) target(%dma_start3A_51 : memref<128x128xf32, #tpu.memory_space<vmem>>) target_semaphore(%dma_start3A_47 : memref<!tpu.dma_semaphore, #tpu.memory_space<semaphore_mem>>)
    %dma_start3A_54 = arith.constant 1 : i32
    %dma_start3A_55 = arith.constant 1 : i32
    %dma_start3A_56 = arith.constant 1 : i32
    %dma_start3A_57 = arith.constant 0 : i32
    %dma_start3A_58 = arith.constant 0 : i32
    %dma_start3A_59 = tpu.memref_slice %arg4[%dma_start3A_55, %dma_start3A_57, %dma_start3A_58] : memref<4x128x128xf32, #tpu.memory_space<vmem>> -> memref<1x128x128xf32, #tpu.memory_space<vmem>>
    %dma_start3A_60 = tpu.memref_squeeze %dma_start3A_59 : memref<1x128x128xf32, #tpu.memory_space<vmem>> -> memref<128x128xf32, #tpu.memory_space<vmem>>
    %dma_start3A_61 = tpu.memref_slice %arg2[%dma_start3A_54, %multiple_of3A_37, %multiple_of3A] : memref<4x2048x2048xf32, #tpu.memory_space<hbm>> -> memref<1x128x128xf32, #tpu.memory_space<hbm>>
    %dma_start3A_62 = tpu.memref_squeeze %dma_start3A_61 : memref<1x128x128xf32, #tpu.memory_space<hbm>> -> memref<128x128xf32, #tpu.memory_space<hbm>>
    %dma_start3A_63 = tpu.memref_slice %arg6[%dma_start3A_56] : memref<4x!tpu.dma_semaphore, #tpu.memory_space<semaphore_mem>> -> memref<1x!tpu.dma_semaphore, #tpu.memory_space<semaphore_mem>>
    %dma_start3A_64 = tpu.memref_squeeze %dma_start3A_63 : memref<1x!tpu.dma_semaphore, #tpu.memory_space<semaphore_mem>> -> memref<!tpu.dma_semaphore, #tpu.memory_space<semaphore_mem>>
    %dma_start3A_65 = arith.constant 0 : i32
    %dma_start3A_66 = arith.constant 0 : i32
    %dma_start3A_67 = tpu.memref_slice %arg4[%dma_start3A_55, %dma_start3A_65, %dma_start3A_66] : memref<4x128x128xf32, #tpu.memory_space<vmem>> -> memref<1x128x128xf32, #tpu.memory_space<vmem>>
    %dma_start3A_68 = tpu.memref_squeeze %dma_start3A_67 : memref<1x128x128xf32, #tpu.memory_space<vmem>> -> memref<128x128xf32, #tpu.memory_space<vmem>>
    %dma_start3A_69 = tpu.memref_slice %arg2[%dma_start3A_54, %multiple_of3A_37, %multiple_of3A] : memref<4x2048x2048xf32, #tpu.memory_space<hbm>> -> memref<1x128x128xf32, #tpu.memory_space<hbm>>
    %dma_start3A_70 = tpu.memref_squeeze %dma_start3A_69 : memref<1x128x128xf32, #tpu.memory_space<hbm>> -> memref<128x128xf32, #tpu.memory_space<hbm>>
    tpu.enqueue_dma source(%dma_start3A_70 : memref<128x128xf32, #tpu.memory_space<hbm>>) target(%dma_start3A_68 : memref<128x128xf32, #tpu.memory_space<vmem>>) target_semaphore(%dma_start3A_64 : memref<!tpu.dma_semaphore, #tpu.memory_space<semaphore_mem>>)
    %dma_start3A_71 = arith.constant 2 : i32
    %dma_start3A_72 = arith.constant 2 : i32
    %dma_start3A_73 = arith.constant 2 : i32
    %dma_start3A_74 = arith.constant 0 : i32
    %dma_start3A_75 = arith.constant 0 : i32
    %dma_start3A_76 = tpu.memref_slice %arg4[%dma_start3A_72, %dma_start3A_74, %dma_start3A_75] : memref<4x128x128xf32, #tpu.memory_space<vmem>> -> memref<1x128x128xf32, #tpu.memory_space<vmem>>
    %dma_start3A_77 = tpu.memref_squeeze %dma_start3A_76 : memref<1x128x128xf32, #tpu.memory_space<vmem>> -> memref<128x128xf32, #tpu.memory_space<vmem>>
    %dma_start3A_78 = tpu.memref_slice %arg2[%dma_start3A_71, %multiple_of3A_37, %multiple_of3A] : memref<4x2048x2048xf32, #tpu.memory_space<hbm>> -> memref<1x128x128xf32, #tpu.memory_space<hbm>>
    %dma_start3A_79 = tpu.memref_squeeze %dma_start3A_78 : memref<1x128x128xf32, #tpu.memory_space<hbm>> -> memref<128x128xf32, #tpu.memory_space<hbm>>
    %dma_start3A_80 = tpu.memref_slice %arg6[%dma_start3A_73] : memref<4x!tpu.dma_semaphore, #tpu.memory_space<semaphore_mem>> -> memref<1x!tpu.dma_semaphore, #tpu.memory_space<semaphore_mem>>
    %dma_start3A_81 = tpu.memref_squeeze %dma_start3A_80 : memref<1x!tpu.dma_semaphore, #tpu.memory_space<semaphore_mem>> -> memref<!tpu.dma_semaphore, #tpu.memory_space<semaphore_mem>>
    %dma_start3A_82 = arith.constant 0 : i32
    %dma_start3A_83 = arith.constant 0 : i32
    %dma_start3A_84 = tpu.memref_slice %arg4[%dma_start3A_72, %dma_start3A_82, %dma_start3A_83] : memref<4x128x128xf32, #tpu.memory_space<vmem>> -> memref<1x128x128xf32, #tpu.memory_space<vmem>>
    %dma_start3A_85 = tpu.memref_squeeze %dma_start3A_84 : memref<1x128x128xf32, #tpu.memory_space<vmem>> -> memref<128x128xf32, #tpu.memory_space<vmem>>
    %dma_start3A_86 = tpu.memref_slice %arg2[%dma_start3A_71, %multiple_of3A_37, %multiple_of3A] : memref<4x2048x2048xf32, #tpu.memory_space<hbm>> -> memref<1x128x128xf32, #tpu.memory_space<hbm>>
    %dma_start3A_87 = tpu.memref_squeeze %dma_start3A_86 : memref<1x128x128xf32, #tpu.memory_space<hbm>> -> memref<128x128xf32, #tpu.memory_space<hbm>>
    tpu.enqueue_dma source(%dma_start3A_87 : memref<128x128xf32, #tpu.memory_space<hbm>>) target(%dma_start3A_85 : memref<128x128xf32, #tpu.memory_space<vmem>>) target_semaphore(%dma_start3A_81 : memref<!tpu.dma_semaphore, #tpu.memory_space<semaphore_mem>>)
    %dma_start3A_88 = arith.constant 3 : i32
    %dma_start3A_89 = arith.constant 3 : i32
    %dma_start3A_90 = arith.constant 3 : i32
    %dma_start3A_91 = arith.constant 0 : i32
    %dma_start3A_92 = arith.constant 0 : i32
    %dma_start3A_93 = tpu.memref_slice %arg4[%dma_start3A_89, %dma_start3A_91, %dma_start3A_92] : memref<4x128x128xf32, #tpu.memory_space<vmem>> -> memref<1x128x128xf32, #tpu.memory_space<vmem>>
    %dma_start3A_94 = tpu.memref_squeeze %dma_start3A_93 : memref<1x128x128xf32, #tpu.memory_space<vmem>> -> memref<128x128xf32, #tpu.memory_space<vmem>>
    %dma_start3A_95 = tpu.memref_slice %arg2[%dma_start3A_88, %multiple_of3A_37, %multiple_of3A] : memref<4x2048x2048xf32, #tpu.memory_space<hbm>> -> memref<1x128x128xf32, #tpu.memory_space<hbm>>
    %dma_start3A_96 = tpu.memref_squeeze %dma_start3A_95 : memref<1x128x128xf32, #tpu.memory_space<hbm>> -> memref<128x128xf32, #tpu.memory_space<hbm>>
    %dma_start3A_97 = tpu.memref_slice %arg6[%dma_start3A_90] : memref<4x!tpu.dma_semaphore, #tpu.memory_space<semaphore_mem>> -> memref<1x!tpu.dma_semaphore, #tpu.memory_space<semaphore_mem>>
    %dma_start3A_98 = tpu.memref_squeeze %dma_start3A_97 : memref<1x!tpu.dma_semaphore, #tpu.memory_space<semaphore_mem>> -> memref<!tpu.dma_semaphore, #tpu.memory_space<semaphore_mem>>
    %dma_start3A_99 = arith.constant 0 : i32
    %dma_start3A_100 = arith.constant 0 : i32
    %dma_start3A_101 = tpu.memref_slice %arg4[%dma_start3A_89, %dma_start3A_99, %dma_start3A_100] : memref<4x128x128xf32, #tpu.memory_space<vmem>> -> memref<1x128x128xf32, #tpu.memory_space<vmem>>
    %dma_start3A_102 = tpu.memref_squeeze %dma_start3A_101 : memref<1x128x128xf32, #tpu.memory_space<vmem>> -> memref<128x128xf32, #tpu.memory_space<vmem>>
    %dma_start3A_103 = tpu.memref_slice %arg2[%dma_start3A_88, %multiple_of3A_37, %multiple_of3A] : memref<4x2048x2048xf32, #tpu.memory_space<hbm>> -> memref<1x128x128xf32, #tpu.memory_space<hbm>>
    %dma_start3A_104 = tpu.memref_squeeze %dma_start3A_103 : memref<1x128x128xf32, #tpu.memory_space<hbm>> -> memref<128x128xf32, #tpu.memory_space<hbm>>
    tpu.enqueue_dma source(%dma_start3A_104 : memref<128x128xf32, #tpu.memory_space<hbm>>) target(%dma_start3A_102 : memref<128x128xf32, #tpu.memory_space<vmem>>) target_semaphore(%dma_start3A_98 : memref<!tpu.dma_semaphore, #tpu.memory_space<semaphore_mem>>)
    %dma_wait3A = arith.constant 0 : i32
    %dma_wait3A_105 = arith.constant 0 : i32
    %dma_wait3A_106 = arith.constant 0 : i32
    %dma_wait3A_107 = arith.constant 0 : i32
    %dma_wait3A_108 = arith.constant 0 : i32
    %dma_wait3A_109 = tpu.memref_slice %arg4[%dma_wait3A_105, %dma_wait3A_107, %dma_wait3A_108] : memref<4x128x128xf32, #tpu.memory_space<vmem>> -> memref<1x128x128xf32, #tpu.memory_space<vmem>>
    %dma_wait3A_110 = tpu.memref_squeeze %dma_wait3A_109 : memref<1x128x128xf32, #tpu.memory_space<vmem>> -> memref<128x128xf32, #tpu.memory_space<vmem>>
    %dma_wait3A_111 = tpu.memref_slice %arg2[%dma_wait3A, %multiple_of3A_37, %multiple_of3A] : memref<4x2048x2048xf32, #tpu.memory_space<hbm>> -> memref<1x128x128xf32, #tpu.memory_space<hbm>>
    %dma_wait3A_112 = tpu.memref_squeeze %dma_wait3A_111 : memref<1x128x128xf32, #tpu.memory_space<hbm>> -> memref<128x128xf32, #tpu.memory_space<hbm>>
    %dma_wait3A_113 = tpu.memref_slice %arg6[%dma_wait3A_106] : memref<4x!tpu.dma_semaphore, #tpu.memory_space<semaphore_mem>> -> memref<1x!tpu.dma_semaphore, #tpu.memory_space<semaphore_mem>>
    %dma_wait3A_114 = tpu.memref_squeeze %dma_wait3A_113 : memref<1x!tpu.dma_semaphore, #tpu.memory_space<semaphore_mem>> -> memref<!tpu.dma_semaphore, #tpu.memory_space<semaphore_mem>>
    %dma_wait3A_115 = arith.constant 0 : i32
    %dma_wait3A_116 = arith.constant 0 : i32
    %dma_wait3A_117 = tpu.memref_slice %arg4[%dma_wait3A_105, %dma_wait3A_115, %dma_wait3A_116] : memref<4x128x128xf32, #tpu.memory_space<vmem>> -> memref<1x128x128xf32, #tpu.memory_space<vmem>>
    %dma_wait3A_118 = tpu.memref_squeeze %dma_wait3A_117 : memref<1x128x128xf32, #tpu.memory_space<vmem>> -> memref<128x128xf32, #tpu.memory_space<vmem>>
    %dma_wait3A_119 = tpu.memref_slice %arg2[%dma_wait3A, %multiple_of3A_37, %multiple_of3A] : memref<4x2048x2048xf32, #tpu.memory_space<hbm>> -> memref<1x128x128xf32, #tpu.memory_space<hbm>>
    %dma_wait3A_120 = tpu.memref_squeeze %dma_wait3A_119 : memref<1x128x128xf32, #tpu.memory_space<hbm>> -> memref<128x128xf32, #tpu.memory_space<hbm>>
    tpu.wait_dma2 semaphore(%dma_wait3A_114 : memref<!tpu.dma_semaphore, #tpu.memory_space<semaphore_mem>>) src(%dma_wait3A_120 : memref<128x128xf32, #tpu.memory_space<hbm>>) dst(%dma_wait3A_118 : memref<128x128xf32, #tpu.memory_space<vmem>>)
    %broadcast_in_dim3A = arith.constant 0.000000e+00 : f32
    %broadcast_in_dim3A_121 = vector.broadcast %broadcast_in_dim3A : f32 to vector<16xf32>
    %broadcast_in_dim3A_122 = arith.constant 0.000000e+00 : f32
    %broadcast_in_dim3A_123 = vector.broadcast %broadcast_in_dim3A_122 : f32 to vector<16xf32>
    %broadcast_in_dim3A_124 = arith.constant 0.000000e+00 : f32
    %broadcast_in_dim3A_125 = vector.broadcast %broadcast_in_dim3A_124 : f32 to vector<16xf32>
    %broadcast_in_dim3A_126 = arith.constant 0.000000e+00 : f32
    %broadcast_in_dim3A_127 = vector.broadcast %broadcast_in_dim3A_126 : f32 to vector<16xf32>
    %broadcast_in_dim3A_128 = arith.constant 0.000000e+00 : f32
    %broadcast_in_dim3A_129 = vector.broadcast %broadcast_in_dim3A_128 : f32 to vector<16xf32>
    %broadcast_in_dim3A_130 = arith.constant 0.000000e+00 : f32
    %broadcast_in_dim3A_131 = vector.broadcast %broadcast_in_dim3A_130 : f32 to vector<16xf32>
    %broadcast_in_dim3A_132 = arith.constant 0.000000e+00 : f32
    %broadcast_in_dim3A_133 = vector.broadcast %broadcast_in_dim3A_132 : f32 to vector<16xf32>
    %broadcast_in_dim3A_134 = arith.constant 0.000000e+00 : f32
    %broadcast_in_dim3A_135 = vector.broadcast %broadcast_in_dim3A_134 : f32 to vector<16xf32>
    %scan3A = arith.constant 0 : i32
    %scan3A_136 = arith.constant 128 : i32
    %scan3A_137 = arith.addi %scan3A, %scan3A_136 : i32
    %scan3A_138 = arith.constant 1 : i32
    %scan3A_139:8 = scf.for %scan3A_473 = %scan3A to %scan3A_137 step %scan3A_138 iter_args(%scan3A_474 = %broadcast_in_dim3A_121, %scan3A_475 = %broadcast_in_dim3A_123, %scan3A_476 = %broadcast_in_dim3A_125, %scan3A_477 = %broadcast_in_dim3A_127, %scan3A_478 = %broadcast_in_dim3A_129, %scan3A_479 = %broadcast_in_dim3A_131, %scan3A_480 = %broadcast_in_dim3A_133, %scan3A_481 = %broadcast_in_dim3A_135) -> (vector<16xf32>, vector<16xf32>, vector<16xf32>, vector<16xf32>, vector<16xf32>, vector<16xf32>, vector<16xf32>, vector<16xf32>)  : i32 {
      %get3A = arith.constant 0 : i32
      %get3A_482 = arith.index_cast %get3A : i32 to index
      %get3A_483 = arith.index_cast %scan3A_473 : i32 to index
      %get3A_484 = arith.constant 0 : index
      %get3A_485 = tpu.vector_load %arg4[%get3A_482, %get3A_483, %get3A_484] {strides = array<i32>} : memref<4x128x128xf32, #tpu.memory_space<vmem>>, vector<1x1x16xf32>,
      %get3A_486 = vector.shape_cast %get3A_485 : vector<1x1x16xf32> to vector<16xf32>
      %add3A_487 = arith.addf %scan3A_474, %get3A_486 : vector<16xf32>
      %get3A_488 = arith.constant 0 : i32
      %get3A_489 = arith.index_cast %get3A_488 : i32 to index
      %get3A_490 = arith.index_cast %scan3A_473 : i32 to index
      %get3A_491 = arith.constant 16 : index
      %get3A_492 = tpu.vector_load %arg4[%get3A_489, %get3A_490, %get3A_491] {strides = array<i32>} : memref<4x128x128xf32, #tpu.memory_space<vmem>>, vector<1x1x16xf32>,
      %get3A_493 = vector.shape_cast %get3A_492 : vector<1x1x16xf32> to vector<16xf32>
      %add3A_494 = arith.addf %scan3A_475, %get3A_493 : vector<16xf32>
      %get3A_495 = arith.constant 0 : i32
      %get3A_496 = arith.index_cast %get3A_495 : i32 to index
      %get3A_497 = arith.index_cast %scan3A_473 : i32 to index
      %get3A_498 = arith.constant 32 : index
      %get3A_499 = tpu.vector_load %arg4[%get3A_496, %get3A_497, %get3A_498] {strides = array<i32>} : memref<4x128x128xf32, #tpu.memory_space<vmem>>, vector<1x1x16xf32>,
      %get3A_500 = vector.shape_cast %get3A_499 : vector<1x1x16xf32> to vector<16xf32>
      %add3A_501 = arith.addf %scan3A_476, %get3A_500 : vector<16xf32>
      %get3A_502 = arith.constant 0 : i32
      %get3A_503 = arith.index_cast %get3A_502 : i32 to index
      %get3A_504 = arith.index_cast %scan3A_473 : i32 to index
      %get3A_505 = arith.constant 48 : index
      %get3A_506 = tpu.vector_load %arg4[%get3A_503, %get3A_504, %get3A_505] {strides = array<i32>} : memref<4x128x128xf32, #tpu.memory_space<vmem>>, vector<1x1x16xf32>,
      %get3A_507 = vector.shape_cast %get3A_506 : vector<1x1x16xf32> to vector<16xf32>
      %add3A_508 = arith.addf %scan3A_477, %get3A_507 : vector<16xf32>
      %get3A_509 = arith.constant 0 : i32
      %get3A_510 = arith.index_cast %get3A_509 : i32 to index
      %get3A_511 = arith.index_cast %scan3A_473 : i32 to index
      %get3A_512 = arith.constant 64 : index
      %get3A_513 = tpu.vector_load %arg4[%get3A_510, %get3A_511, %get3A_512] {strides = array<i32>} : memref<4x128x128xf32, #tpu.memory_space<vmem>>, vector<1x1x16xf32>,
      %get3A_514 = vector.shape_cast %get3A_513 : vector<1x1x16xf32> to vector<16xf32>
      %add3A_515 = arith.addf %scan3A_478, %get3A_514 : vector<16xf32>
      %get3A_516 = arith.constant 0 : i32
      %get3A_517 = arith.index_cast %get3A_516 : i32 to index
      %get3A_518 = arith.index_cast %scan3A_473 : i32 to index
      %get3A_519 = arith.constant 80 : index
      %get3A_520 = tpu.vector_load %arg4[%get3A_517, %get3A_518, %get3A_519] {strides = array<i32>} : memref<4x128x128xf32, #tpu.memory_space<vmem>>, vector<1x1x16xf32>,
      %get3A_521 = vector.shape_cast %get3A_520 : vector<1x1x16xf32> to vector<16xf32>
      %add3A_522 = arith.addf %scan3A_479, %get3A_521 : vector<16xf32>
      %get3A_523 = arith.constant 0 : i32
      %get3A_524 = arith.index_cast %get3A_523 : i32 to index
      %get3A_525 = arith.index_cast %scan3A_473 : i32 to index
      %get3A_526 = arith.constant 96 : index
      %get3A_527 = tpu.vector_load %arg4[%get3A_524, %get3A_525, %get3A_526] {strides = array<i32>} : memref<4x128x128xf32, #tpu.memory_space<vmem>>, vector<1x1x16xf32>,
      %get3A_528 = vector.shape_cast %get3A_527 : vector<1x1x16xf32> to vector<16xf32>
      %add3A_529 = arith.addf %scan3A_480, %get3A_528 : vector<16xf32>
      %get3A_530 = arith.constant 0 : i32
      %get3A_531 = arith.index_cast %get3A_530 : i32 to index
      %get3A_532 = arith.index_cast %scan3A_473 : i32 to index
      %get3A_533 = arith.constant 112 : index
      %get3A_534 = tpu.vector_load %arg4[%get3A_531, %get3A_532, %get3A_533] {strides = array<i32>} : memref<4x128x128xf32, #tpu.memory_space<vmem>>, vector<1x1x16xf32>,
      %get3A_535 = vector.shape_cast %get3A_534 : vector<1x1x16xf32> to vector<16xf32>
      %add3A_536 = arith.addf %scan3A_481, %get3A_535 : vector<16xf32>
      scf.yield %add3A_487, %add3A_494, %add3A_501, %add3A_508, %add3A_515, %add3A_522, %add3A_529, %add3A_536 : vector<16xf32>, vector<16xf32>, vector<16xf32>, vector<16xf32>, vector<16xf32>, vector<16xf32>, vector<16xf32>, vector<16xf32>
    }
    %scan3A_140 = arith.constant 128 : i32
    %swap3A = arith.constant 0 : i32
    %swap3A_141 = arith.index_cast %swap3A : i32 to index
    %swap3A_142 = arith.constant 0 : index
    %swap3A_143 = tpu.vector_load %arg5[%swap3A_141, %swap3A_142] {strides = array<i32>} : memref<4x128xf32, #tpu.memory_space<vmem>>, vector<1x16xf32>,
    %swap3A_144 = vector.shape_cast %swap3A_143 : vector<1x16xf32> to vector<16xf32>
    %swap3A_145 = vector.shape_cast %scan3A_139#0 : vector<16xf32> to vector<1x16xf32>
    tpu.vector_store %arg5[%swap3A_141, %swap3A_142], %swap3A_145 {strides = array<i32>} : memref<4x128xf32, #tpu.memory_space<vmem>>, vector<1x16xf32>,
    %swap3A_146 = arith.constant 0 : i32
    %swap3A_147 = arith.index_cast %swap3A_146 : i32 to index
    %swap3A_148 = arith.constant 16 : index
    %swap3A_149 = tpu.vector_load %arg5[%swap3A_147, %swap3A_148] {strides = array<i32>} : memref<4x128xf32, #tpu.memory_space<vmem>>, vector<1x16xf32>,
    %swap3A_150 = vector.shape_cast %swap3A_149 : vector<1x16xf32> to vector<16xf32>
    %swap3A_151 = vector.shape_cast %scan3A_139#1 : vector<16xf32> to vector<1x16xf32>
    tpu.vector_store %arg5[%swap3A_147, %swap3A_148], %swap3A_151 {strides = array<i32>} : memref<4x128xf32, #tpu.memory_space<vmem>>, vector<1x16xf32>,
    %swap3A_152 = arith.constant 0 : i32
    %swap3A_153 = arith.index_cast %swap3A_152 : i32 to index
    %swap3A_154 = arith.constant 32 : index
    %swap3A_155 = tpu.vector_load %arg5[%swap3A_153, %swap3A_154] {strides = array<i32>} : memref<4x128xf32, #tpu.memory_space<vmem>>, vector<1x16xf32>,
    %swap3A_156 = vector.shape_cast %swap3A_155 : vector<1x16xf32> to vector<16xf32>
    %swap3A_157 = vector.shape_cast %scan3A_139#2 : vector<16xf32> to vector<1x16xf32>
    tpu.vector_store %arg5[%swap3A_153, %swap3A_154], %swap3A_157 {strides = array<i32>} : memref<4x128xf32, #tpu.memory_space<vmem>>, vector<1x16xf32>,
    %swap3A_158 = arith.constant 0 : i32
    %swap3A_159 = arith.index_cast %swap3A_158 : i32 to index
    %swap3A_160 = arith.constant 48 : index
    %swap3A_161 = tpu.vector_load %arg5[%swap3A_159, %swap3A_160] {strides = array<i32>} : memref<4x128xf32, #tpu.memory_space<vmem>>, vector<1x16xf32>,
    %swap3A_162 = vector.shape_cast %swap3A_161 : vector<1x16xf32> to vector<16xf32>
    %swap3A_163 = vector.shape_cast %scan3A_139#3 : vector<16xf32> to vector<1x16xf32>
    tpu.vector_store %arg5[%swap3A_159, %swap3A_160], %swap3A_163 {strides = array<i32>} : memref<4x128xf32, #tpu.memory_space<vmem>>, vector<1x16xf32>,
    %swap3A_164 = arith.constant 0 : i32
    %swap3A_165 = arith.index_cast %swap3A_164 : i32 to index
    %swap3A_166 = arith.constant 64 : index
    %swap3A_167 = tpu.vector_load %arg5[%swap3A_165, %swap3A_166] {strides = array<i32>} : memref<4x128xf32, #tpu.memory_space<vmem>>, vector<1x16xf32>,
    %swap3A_168 = vector.shape_cast %swap3A_167 : vector<1x16xf32> to vector<16xf32>
    %swap3A_169 = vector.shape_cast %scan3A_139#4 : vector<16xf32> to vector<1x16xf32>
    tpu.vector_store %arg5[%swap3A_165, %swap3A_166], %swap3A_169 {strides = array<i32>} : memref<4x128xf32, #tpu.memory_space<vmem>>, vector<1x16xf32>,
    %swap3A_170 = arith.constant 0 : i32
    %swap3A_171 = arith.index_cast %swap3A_170 : i32 to index
    %swap3A_172 = arith.constant 80 : index
    %swap3A_173 = tpu.vector_load %arg5[%swap3A_171, %swap3A_172] {strides = array<i32>} : memref<4x128xf32, #tpu.memory_space<vmem>>, vector<1x16xf32>,
    %swap3A_174 = vector.shape_cast %swap3A_173 : vector<1x16xf32> to vector<16xf32>
    %swap3A_175 = vector.shape_cast %scan3A_139#5 : vector<16xf32> to vector<1x16xf32>
    tpu.vector_store %arg5[%swap3A_171, %swap3A_172], %swap3A_175 {strides = array<i32>} : memref<4x128xf32, #tpu.memory_space<vmem>>, vector<1x16xf32>,
    %swap3A_176 = arith.constant 0 : i32
    %swap3A_177 = arith.index_cast %swap3A_176 : i32 to index
    %swap3A_178 = arith.constant 96 : index
    %swap3A_179 = tpu.vector_load %arg5[%swap3A_177, %swap3A_178] {strides = array<i32>} : memref<4x128xf32, #tpu.memory_space<vmem>>, vector<1x16xf32>,
    %swap3A_180 = vector.shape_cast %swap3A_179 : vector<1x16xf32> to vector<16xf32>
    %swap3A_181 = vector.shape_cast %scan3A_139#6 : vector<16xf32> to vector<1x16xf32>
    tpu.vector_store %arg5[%swap3A_177, %swap3A_178], %swap3A_181 {strides = array<i32>} : memref<4x128xf32, #tpu.memory_space<vmem>>, vector<1x16xf32>,
    %swap3A_182 = arith.constant 0 : i32
    %swap3A_183 = arith.index_cast %swap3A_182 : i32 to index
    %swap3A_184 = arith.constant 112 : index
    %swap3A_185 = tpu.vector_load %arg5[%swap3A_183, %swap3A_184] {strides = array<i32>} : memref<4x128xf32, #tpu.memory_space<vmem>>, vector<1x16xf32>,
    %swap3A_186 = vector.shape_cast %swap3A_185 : vector<1x16xf32> to vector<16xf32>
    %swap3A_187 = vector.shape_cast %scan3A_139#7 : vector<16xf32> to vector<1x16xf32>
    tpu.vector_store %arg5[%swap3A_183, %swap3A_184], %swap3A_187 {strides = array<i32>} : memref<4x128xf32, #tpu.memory_space<vmem>>, vector<1x16xf32>,
    %dma_wait3A_188 = arith.constant 1 : i32
    %dma_wait3A_189 = arith.constant 1 : i32
    %dma_wait3A_190 = arith.constant 1 : i32
    %dma_wait3A_191 = arith.constant 0 : i32
    %dma_wait3A_192 = arith.constant 0 : i32
    %dma_wait3A_193 = tpu.memref_slice %arg4[%dma_wait3A_189, %dma_wait3A_191, %dma_wait3A_192] : memref<4x128x128xf32, #tpu.memory_space<vmem>> -> memref<1x128x128xf32, #tpu.memory_space<vmem>>
    %dma_wait3A_194 = tpu.memref_squeeze %dma_wait3A_193 : memref<1x128x128xf32, #tpu.memory_space<vmem>> -> memref<128x128xf32, #tpu.memory_space<vmem>>
    %dma_wait3A_195 = tpu.memref_slice %arg2[%dma_wait3A_188, %multiple_of3A_37, %multiple_of3A] : memref<4x2048x2048xf32, #tpu.memory_space<hbm>> -> memref<1x128x128xf32, #tpu.memory_space<hbm>>
    %dma_wait3A_196 = tpu.memref_squeeze %dma_wait3A_195 : memref<1x128x128xf32, #tpu.memory_space<hbm>> -> memref<128x128xf32, #tpu.memory_space<hbm>>
    %dma_wait3A_197 = tpu.memref_slice %arg6[%dma_wait3A_190] : memref<4x!tpu.dma_semaphore, #tpu.memory_space<semaphore_mem>> -> memref<1x!tpu.dma_semaphore, #tpu.memory_space<semaphore_mem>>
    %dma_wait3A_198 = tpu.memref_squeeze %dma_wait3A_197 : memref<1x!tpu.dma_semaphore, #tpu.memory_space<semaphore_mem>> -> memref<!tpu.dma_semaphore, #tpu.memory_space<semaphore_mem>>
    %dma_wait3A_199 = arith.constant 0 : i32
    %dma_wait3A_200 = arith.constant 0 : i32
    %dma_wait3A_201 = tpu.memref_slice %arg4[%dma_wait3A_189, %dma_wait3A_199, %dma_wait3A_200] : memref<4x128x128xf32, #tpu.memory_space<vmem>> -> memref<1x128x128xf32, #tpu.memory_space<vmem>>
    %dma_wait3A_202 = tpu.memref_squeeze %dma_wait3A_201 : memref<1x128x128xf32, #tpu.memory_space<vmem>> -> memref<128x128xf32, #tpu.memory_space<vmem>>
    %dma_wait3A_203 = tpu.memref_slice %arg2[%dma_wait3A_188, %multiple_of3A_37, %multiple_of3A] : memref<4x2048x2048xf32, #tpu.memory_space<hbm>> -> memref<1x128x128xf32, #tpu.memory_space<hbm>>
    %dma_wait3A_204 = tpu.memref_squeeze %dma_wait3A_203 : memref<1x128x128xf32, #tpu.memory_space<hbm>> -> memref<128x128xf32, #tpu.memory_space<hbm>>
    tpu.wait_dma2 semaphore(%dma_wait3A_198 : memref<!tpu.dma_semaphore, #tpu.memory_space<semaphore_mem>>) src(%dma_wait3A_204 : memref<128x128xf32, #tpu.memory_space<hbm>>) dst(%dma_wait3A_202 : memref<128x128xf32, #tpu.memory_space<vmem>>)
    %broadcast_in_dim3A_205 = arith.constant 0.000000e+00 : f32
    %broadcast_in_dim3A_206 = vector.broadcast %broadcast_in_dim3A_205 : f32 to vector<16xf32>
    %broadcast_in_dim3A_207 = arith.constant 0.000000e+00 : f32
    %broadcast_in_dim3A_208 = vector.broadcast %broadcast_in_dim3A_207 : f32 to vector<16xf32>
    %broadcast_in_dim3A_209 = arith.constant 0.000000e+00 : f32
    %broadcast_in_dim3A_210 = vector.broadcast %broadcast_in_dim3A_209 : f32 to vector<16xf32>
    %broadcast_in_dim3A_211 = arith.constant 0.000000e+00 : f32
    %broadcast_in_dim3A_212 = vector.broadcast %broadcast_in_dim3A_211 : f32 to vector<16xf32>
    %broadcast_in_dim3A_213 = arith.constant 0.000000e+00 : f32
    %broadcast_in_dim3A_214 = vector.broadcast %broadcast_in_dim3A_213 : f32 to vector<16xf32>
    %broadcast_in_dim3A_215 = arith.constant 0.000000e+00 : f32
    %broadcast_in_dim3A_216 = vector.broadcast %broadcast_in_dim3A_215 : f32 to vector<16xf32>
    %broadcast_in_dim3A_217 = arith.constant 0.000000e+00 : f32
    %broadcast_in_dim3A_218 = vector.broadcast %broadcast_in_dim3A_217 : f32 to vector<16xf32>
    %broadcast_in_dim3A_219 = arith.constant 0.000000e+00 : f32
    %broadcast_in_dim3A_220 = vector.broadcast %broadcast_in_dim3A_219 : f32 to vector<16xf32>
    %scan3A_221 = arith.constant 0 : i32
    %scan3A_222 = arith.constant 128 : i32
    %scan3A_223 = arith.addi %scan3A_221, %scan3A_222 : i32
    %scan3A_224 = arith.constant 1 : i32
    %scan3A_225:8 = scf.for %scan3A_473 = %scan3A_221 to %scan3A_223 step %scan3A_224 iter_args(%scan3A_474 = %broadcast_in_dim3A_206, %scan3A_475 = %broadcast_in_dim3A_208, %scan3A_476 = %broadcast_in_dim3A_210, %scan3A_477 = %broadcast_in_dim3A_212, %scan3A_478 = %broadcast_in_dim3A_214, %scan3A_479 = %broadcast_in_dim3A_216, %scan3A_480 = %broadcast_in_dim3A_218, %scan3A_481 = %broadcast_in_dim3A_220) -> (vector<16xf32>, vector<16xf32>, vector<16xf32>, vector<16xf32>, vector<16xf32>, vector<16xf32>, vector<16xf32>, vector<16xf32>)  : i32 {
      %get3A = arith.constant 1 : i32
      %get3A_482 = arith.index_cast %get3A : i32 to index
      %get3A_483 = arith.index_cast %scan3A_473 : i32 to index
      %get3A_484 = arith.constant 0 : index
      %get3A_485 = tpu.vector_load %arg4[%get3A_482, %get3A_483, %get3A_484] {strides = array<i32>} : memref<4x128x128xf32, #tpu.memory_space<vmem>>, vector<1x1x16xf32>,
      %get3A_486 = vector.shape_cast %get3A_485 : vector<1x1x16xf32> to vector<16xf32>
      %add3A_487 = arith.addf %scan3A_474, %get3A_486 : vector<16xf32>
      %get3A_488 = arith.constant 1 : i32
      %get3A_489 = arith.index_cast %get3A_488 : i32 to index
      %get3A_490 = arith.index_cast %scan3A_473 : i32 to index
      %get3A_491 = arith.constant 16 : index
      %get3A_492 = tpu.vector_load %arg4[%get3A_489, %get3A_490, %get3A_491] {strides = array<i32>} : memref<4x128x128xf32, #tpu.memory_space<vmem>>, vector<1x1x16xf32>,
      %get3A_493 = vector.shape_cast %get3A_492 : vector<1x1x16xf32> to vector<16xf32>
      %add3A_494 = arith.addf %scan3A_475, %get3A_493 : vector<16xf32>
      %get3A_495 = arith.constant 1 : i32
      %get3A_496 = arith.index_cast %get3A_495 : i32 to index
      %get3A_497 = arith.index_cast %scan3A_473 : i32 to index
      %get3A_498 = arith.constant 32 : index
      %get3A_499 = tpu.vector_load %arg4[%get3A_496, %get3A_497, %get3A_498] {strides = array<i32>} : memref<4x128x128xf32, #tpu.memory_space<vmem>>, vector<1x1x16xf32>,
      %get3A_500 = vector.shape_cast %get3A_499 : vector<1x1x16xf32> to vector<16xf32>
      %add3A_501 = arith.addf %scan3A_476, %get3A_500 : vector<16xf32>
      %get3A_502 = arith.constant 1 : i32
      %get3A_503 = arith.index_cast %get3A_502 : i32 to index
      %get3A_504 = arith.index_cast %scan3A_473 : i32 to index
      %get3A_505 = arith.constant 48 : index
      %get3A_506 = tpu.vector_load %arg4[%get3A_503, %get3A_504, %get3A_505] {strides = array<i32>} : memref<4x128x128xf32, #tpu.memory_space<vmem>>, vector<1x1x16xf32>,
      %get3A_507 = vector.shape_cast %get3A_506 : vector<1x1x16xf32> to vector<16xf32>
      %add3A_508 = arith.addf %scan3A_477, %get3A_507 : vector<16xf32>
      %get3A_509 = arith.constant 1 : i32
      %get3A_510 = arith.index_cast %get3A_509 : i32 to index
      %get3A_511 = arith.index_cast %scan3A_473 : i32 to index
      %get3A_512 = arith.constant 64 : index
      %get3A_513 = tpu.vector_load %arg4[%get3A_510, %get3A_511, %get3A_512] {strides = array<i32>} : memref<4x128x128xf32, #tpu.memory_space<vmem>>, vector<1x1x16xf32>,
      %get3A_514 = vector.shape_cast %get3A_513 : vector<1x1x16xf32> to vector<16xf32>
      %add3A_515 = arith.addf %scan3A_478, %get3A_514 : vector<16xf32>
      %get3A_516 = arith.constant 1 : i32
      %get3A_517 = arith.index_cast %get3A_516 : i32 to index
      %get3A_518 = arith.index_cast %scan3A_473 : i32 to index
      %get3A_519 = arith.constant 80 : index
      %get3A_520 = tpu.vector_load %arg4[%get3A_517, %get3A_518, %get3A_519] {strides = array<i32>} : memref<4x128x128xf32, #tpu.memory_space<vmem>>, vector<1x1x16xf32>,
      %get3A_521 = vector.shape_cast %get3A_520 : vector<1x1x16xf32> to vector<16xf32>
      %add3A_522 = arith.addf %scan3A_479, %get3A_521 : vector<16xf32>
      %get3A_523 = arith.constant 1 : i32
      %get3A_524 = arith.index_cast %get3A_523 : i32 to index
      %get3A_525 = arith.index_cast %scan3A_473 : i32 to index
      %get3A_526 = arith.constant 96 : index
      %get3A_527 = tpu.vector_load %arg4[%get3A_524, %get3A_525, %get3A_526] {strides = array<i32>} : memref<4x128x128xf32, #tpu.memory_space<vmem>>, vector<1x1x16xf32>,
      %get3A_528 = vector.shape_cast %get3A_527 : vector<1x1x16xf32> to vector<16xf32>
      %add3A_529 = arith.addf %scan3A_480, %get3A_528 : vector<16xf32>
      %get3A_530 = arith.constant 1 : i32
      %get3A_531 = arith.index_cast %get3A_530 : i32 to index
      %get3A_532 = arith.index_cast %scan3A_473 : i32 to index
      %get3A_533 = arith.constant 112 : index
      %get3A_534 = tpu.vector_load %arg4[%get3A_531, %get3A_532, %get3A_533] {strides = array<i32>} : memref<4x128x128xf32, #tpu.memory_space<vmem>>, vector<1x1x16xf32>,
      %get3A_535 = vector.shape_cast %get3A_534 : vector<1x1x16xf32> to vector<16xf32>
      %add3A_536 = arith.addf %scan3A_481, %get3A_535 : vector<16xf32>
      scf.yield %add3A_487, %add3A_494, %add3A_501, %add3A_508, %add3A_515, %add3A_522, %add3A_529, %add3A_536 : vector<16xf32>, vector<16xf32>, vector<16xf32>, vector<16xf32>, vector<16xf32>, vector<16xf32>, vector<16xf32>, vector<16xf32>
    }
    %scan3A_226 = arith.constant 128 : i32
    %swap3A_227 = arith.constant 1 : i32
    %swap3A_228 = arith.index_cast %swap3A_227 : i32 to index
    %swap3A_229 = arith.constant 0 : index
    %swap3A_230 = tpu.vector_load %arg5[%swap3A_228, %swap3A_229] {strides = array<i32>} : memref<4x128xf32, #tpu.memory_space<vmem>>, vector<1x16xf32>,
    %swap3A_231 = vector.shape_cast %swap3A_230 : vector<1x16xf32> to vector<16xf32>
    %swap3A_232 = vector.shape_cast %scan3A_225#0 : vector<16xf32> to vector<1x16xf32>
    tpu.vector_store %arg5[%swap3A_228, %swap3A_229], %swap3A_232 {strides = array<i32>} : memref<4x128xf32, #tpu.memory_space<vmem>>, vector<1x16xf32>,
    %swap3A_233 = arith.constant 1 : i32
    %swap3A_234 = arith.index_cast %swap3A_233 : i32 to index
    %swap3A_235 = arith.constant 16 : index
    %swap3A_236 = tpu.vector_load %arg5[%swap3A_234, %swap3A_235] {strides = array<i32>} : memref<4x128xf32, #tpu.memory_space<vmem>>, vector<1x16xf32>,
    %swap3A_237 = vector.shape_cast %swap3A_236 : vector<1x16xf32> to vector<16xf32>
    %swap3A_238 = vector.shape_cast %scan3A_225#1 : vector<16xf32> to vector<1x16xf32>
    tpu.vector_store %arg5[%swap3A_234, %swap3A_235], %swap3A_238 {strides = array<i32>} : memref<4x128xf32, #tpu.memory_space<vmem>>, vector<1x16xf32>,
    %swap3A_239 = arith.constant 1 : i32
    %swap3A_240 = arith.index_cast %swap3A_239 : i32 to index
    %swap3A_241 = arith.constant 32 : index
    %swap3A_242 = tpu.vector_load %arg5[%swap3A_240, %swap3A_241] {strides = array<i32>} : memref<4x128xf32, #tpu.memory_space<vmem>>, vector<1x16xf32>,
    %swap3A_243 = vector.shape_cast %swap3A_242 : vector<1x16xf32> to vector<16xf32>
    %swap3A_244 = vector.shape_cast %scan3A_225#2 : vector<16xf32> to vector<1x16xf32>
    tpu.vector_store %arg5[%swap3A_240, %swap3A_241], %swap3A_244 {strides = array<i32>} : memref<4x128xf32, #tpu.memory_space<vmem>>, vector<1x16xf32>,
    %swap3A_245 = arith.constant 1 : i32
    %swap3A_246 = arith.index_cast %swap3A_245 : i32 to index
    %swap3A_247 = arith.constant 48 : index
    %swap3A_248 = tpu.vector_load %arg5[%swap3A_246, %swap3A_247] {strides = array<i32>} : memref<4x128xf32, #tpu.memory_space<vmem>>, vector<1x16xf32>,
    %swap3A_249 = vector.shape_cast %swap3A_248 : vector<1x16xf32> to vector<16xf32>
    %swap3A_250 = vector.shape_cast %scan3A_225#3 : vector<16xf32> to vector<1x16xf32>
    tpu.vector_store %arg5[%swap3A_246, %swap3A_247], %swap3A_250 {strides = array<i32>} : memref<4x128xf32, #tpu.memory_space<vmem>>, vector<1x16xf32>,
    %swap3A_251 = arith.constant 1 : i32
    %swap3A_252 = arith.index_cast %swap3A_251 : i32 to index
    %swap3A_253 = arith.constant 64 : index
    %swap3A_254 = tpu.vector_load %arg5[%swap3A_252, %swap3A_253] {strides = array<i32>} : memref<4x128xf32, #tpu.memory_space<vmem>>, vector<1x16xf32>,
    %swap3A_255 = vector.shape_cast %swap3A_254 : vector<1x16xf32> to vector<16xf32>
    %swap3A_256 = vector.shape_cast %scan3A_225#4 : vector<16xf32> to vector<1x16xf32>
    tpu.vector_store %arg5[%swap3A_252, %swap3A_253], %swap3A_256 {strides = array<i32>} : memref<4x128xf32, #tpu.memory_space<vmem>>, vector<1x16xf32>,
    %swap3A_257 = arith.constant 1 : i32
    %swap3A_258 = arith.index_cast %swap3A_257 : i32 to index
    %swap3A_259 = arith.constant 80 : index
    %swap3A_260 = tpu.vector_load %arg5[%swap3A_258, %swap3A_259] {strides = array<i32>} : memref<4x128xf32, #tpu.memory_space<vmem>>, vector<1x16xf32>,
    %swap3A_261 = vector.shape_cast %swap3A_260 : vector<1x16xf32> to vector<16xf32>
    %swap3A_262 = vector.shape_cast %scan3A_225#5 : vector<16xf32> to vector<1x16xf32>
    tpu.vector_store %arg5[%swap3A_258, %swap3A_259], %swap3A_262 {strides = array<i32>} : memref<4x128xf32, #tpu.memory_space<vmem>>, vector<1x16xf32>,
    %swap3A_263 = arith.constant 1 : i32
    %swap3A_264 = arith.index_cast %swap3A_263 : i32 to index
    %swap3A_265 = arith.constant 96 : index
    %swap3A_266 = tpu.vector_load %arg5[%swap3A_264, %swap3A_265] {strides = array<i32>} : memref<4x128xf32, #tpu.memory_space<vmem>>, vector<1x16xf32>,
    %swap3A_267 = vector.shape_cast %swap3A_266 : vector<1x16xf32> to vector<16xf32>
    %swap3A_268 = vector.shape_cast %scan3A_225#6 : vector<16xf32> to vector<1x16xf32>
    tpu.vector_store %arg5[%swap3A_264, %swap3A_265], %swap3A_268 {strides = array<i32>} : memref<4x128xf32, #tpu.memory_space<vmem>>, vector<1x16xf32>,
    %swap3A_269 = arith.constant 1 : i32
    %swap3A_270 = arith.index_cast %swap3A_269 : i32 to index
    %swap3A_271 = arith.constant 112 : index
    %swap3A_272 = tpu.vector_load %arg5[%swap3A_270, %swap3A_271] {strides = array<i32>} : memref<4x128xf32, #tpu.memory_space<vmem>>, vector<1x16xf32>,
    %swap3A_273 = vector.shape_cast %swap3A_272 : vector<1x16xf32> to vector<16xf32>
    %swap3A_274 = vector.shape_cast %scan3A_225#7 : vector<16xf32> to vector<1x16xf32>
    tpu.vector_store %arg5[%swap3A_270, %swap3A_271], %swap3A_274 {strides = array<i32>} : memref<4x128xf32, #tpu.memory_space<vmem>>, vector<1x16xf32>,
    %dma_wait3A_275 = arith.constant 2 : i32
    %dma_wait3A_276 = arith.constant 2 : i32
    %dma_wait3A_277 = arith.constant 2 : i32
    %dma_wait3A_278 = arith.constant 0 : i32
    %dma_wait3A_279 = arith.constant 0 : i32
    %dma_wait3A_280 = tpu.memref_slice %arg4[%dma_wait3A_276, %dma_wait3A_278, %dma_wait3A_279] : memref<4x128x128xf32, #tpu.memory_space<vmem>> -> memref<1x128x128xf32, #tpu.memory_space<vmem>>
    %dma_wait3A_281 = tpu.memref_squeeze %dma_wait3A_280 : memref<1x128x128xf32, #tpu.memory_space<vmem>> -> memref<128x128xf32, #tpu.memory_space<vmem>>
    %dma_wait3A_282 = tpu.memref_slice %arg2[%dma_wait3A_275, %multiple_of3A_37, %multiple_of3A] : memref<4x2048x2048xf32, #tpu.memory_space<hbm>> -> memref<1x128x128xf32, #tpu.memory_space<hbm>>
    %dma_wait3A_283 = tpu.memref_squeeze %dma_wait3A_282 : memref<1x128x128xf32, #tpu.memory_space<hbm>> -> memref<128x128xf32, #tpu.memory_space<hbm>>
    %dma_wait3A_284 = tpu.memref_slice %arg6[%dma_wait3A_277] : memref<4x!tpu.dma_semaphore, #tpu.memory_space<semaphore_mem>> -> memref<1x!tpu.dma_semaphore, #tpu.memory_space<semaphore_mem>>
    %dma_wait3A_285 = tpu.memref_squeeze %dma_wait3A_284 : memref<1x!tpu.dma_semaphore, #tpu.memory_space<semaphore_mem>> -> memref<!tpu.dma_semaphore, #tpu.memory_space<semaphore_mem>>
    %dma_wait3A_286 = arith.constant 0 : i32
    %dma_wait3A_287 = arith.constant 0 : i32
    %dma_wait3A_288 = tpu.memref_slice %arg4[%dma_wait3A_276, %dma_wait3A_286, %dma_wait3A_287] : memref<4x128x128xf32, #tpu.memory_space<vmem>> -> memref<1x128x128xf32, #tpu.memory_space<vmem>>
    %dma_wait3A_289 = tpu.memref_squeeze %dma_wait3A_288 : memref<1x128x128xf32, #tpu.memory_space<vmem>> -> memref<128x128xf32, #tpu.memory_space<vmem>>
    %dma_wait3A_290 = tpu.memref_slice %arg2[%dma_wait3A_275, %multiple_of3A_37, %multiple_of3A] : memref<4x2048x2048xf32, #tpu.memory_space<hbm>> -> memref<1x128x128xf32, #tpu.memory_space<hbm>>
    %dma_wait3A_291 = tpu.memref_squeeze %dma_wait3A_290 : memref<1x128x128xf32, #tpu.memory_space<hbm>> -> memref<128x128xf32, #tpu.memory_space<hbm>>
    tpu.wait_dma2 semaphore(%dma_wait3A_285 : memref<!tpu.dma_semaphore, #tpu.memory_space<semaphore_mem>>) src(%dma_wait3A_291 : memref<128x128xf32, #tpu.memory_space<hbm>>) dst(%dma_wait3A_289 : memref<128x128xf32, #tpu.memory_space<vmem>>)
    %broadcast_in_dim3A_292 = arith.constant 0.000000e+00 : f32
    %broadcast_in_dim3A_293 = vector.broadcast %broadcast_in_dim3A_292 : f32 to vector<16xf32>
    %broadcast_in_dim3A_294 = arith.constant 0.000000e+00 : f32
    %broadcast_in_dim3A_295 = vector.broadcast %broadcast_in_dim3A_294 : f32 to vector<16xf32>
    %broadcast_in_dim3A_296 = arith.constant 0.000000e+00 : f32
    %broadcast_in_dim3A_297 = vector.broadcast %broadcast_in_dim3A_296 : f32 to vector<16xf32>
    %broadcast_in_dim3A_298 = arith.constant 0.000000e+00 : f32
    %broadcast_in_dim3A_299 = vector.broadcast %broadcast_in_dim3A_298 : f32 to vector<16xf32>
    %broadcast_in_dim3A_300 = arith.constant 0.000000e+00 : f32
    %broadcast_in_dim3A_301 = vector.broadcast %broadcast_in_dim3A_300 : f32 to vector<16xf32>
    %broadcast_in_dim3A_302 = arith.constant 0.000000e+00 : f32
    %broadcast_in_dim3A_303 = vector.broadcast %broadcast_in_dim3A_302 : f32 to vector<16xf32>
    %broadcast_in_dim3A_304 = arith.constant 0.000000e+00 : f32
    %broadcast_in_dim3A_305 = vector.broadcast %broadcast_in_dim3A_304 : f32 to vector<16xf32>
    %broadcast_in_dim3A_306 = arith.constant 0.000000e+00 : f32
    %broadcast_in_dim3A_307 = vector.broadcast %broadcast_in_dim3A_306 : f32 to vector<16xf32>
    %scan3A_308 = arith.constant 0 : i32
    %scan3A_309 = arith.constant 128 : i32
    %scan3A_310 = arith.addi %scan3A_308, %scan3A_309 : i32
    %scan3A_311 = arith.constant 1 : i32
    %scan3A_312:8 = scf.for %scan3A_473 = %scan3A_308 to %scan3A_310 step %scan3A_311 iter_args(%scan3A_474 = %broadcast_in_dim3A_293, %scan3A_475 = %broadcast_in_dim3A_295, %scan3A_476 = %broadcast_in_dim3A_297, %scan3A_477 = %broadcast_in_dim3A_299, %scan3A_478 = %broadcast_in_dim3A_301, %scan3A_479 = %broadcast_in_dim3A_303, %scan3A_480 = %broadcast_in_dim3A_305, %scan3A_481 = %broadcast_in_dim3A_307) -> (vector<16xf32>, vector<16xf32>, vector<16xf32>, vector<16xf32>, vector<16xf32>, vector<16xf32>, vector<16xf32>, vector<16xf32>)  : i32 {
      %get3A = arith.constant 2 : i32
      %get3A_482 = arith.index_cast %get3A : i32 to index
      %get3A_483 = arith.index_cast %scan3A_473 : i32 to index
      %get3A_484 = arith.constant 0 : index
      %get3A_485 = tpu.vector_load %arg4[%get3A_482, %get3A_483, %get3A_484] {strides = array<i32>} : memref<4x128x128xf32, #tpu.memory_space<vmem>>, vector<1x1x16xf32>,
      %get3A_486 = vector.shape_cast %get3A_485 : vector<1x1x16xf32> to vector<16xf32>
      %add3A_487 = arith.addf %scan3A_474, %get3A_486 : vector<16xf32>
      %get3A_488 = arith.constant 2 : i32
      %get3A_489 = arith.index_cast %get3A_488 : i32 to index
      %get3A_490 = arith.index_cast %scan3A_473 : i32 to index
      %get3A_491 = arith.constant 16 : index
      %get3A_492 = tpu.vector_load %arg4[%get3A_489, %get3A_490, %get3A_491] {strides = array<i32>} : memref<4x128x128xf32, #tpu.memory_space<vmem>>, vector<1x1x16xf32>,
      %get3A_493 = vector.shape_cast %get3A_492 : vector<1x1x16xf32> to vector<16xf32>
      %add3A_494 = arith.addf %scan3A_475, %get3A_493 : vector<16xf32>
      %get3A_495 = arith.constant 2 : i32
      %get3A_496 = arith.index_cast %get3A_495 : i32 to index
      %get3A_497 = arith.index_cast %scan3A_473 : i32 to index
      %get3A_498 = arith.constant 32 : index
      %get3A_499 = tpu.vector_load %arg4[%get3A_496, %get3A_497, %get3A_498] {strides = array<i32>} : memref<4x128x128xf32, #tpu.memory_space<vmem>>, vector<1x1x16xf32>,
      %get3A_500 = vector.shape_cast %get3A_499 : vector<1x1x16xf32> to vector<16xf32>
      %add3A_501 = arith.addf %scan3A_476, %get3A_500 : vector<16xf32>
      %get3A_502 = arith.constant 2 : i32
      %get3A_503 = arith.index_cast %get3A_502 : i32 to index
      %get3A_504 = arith.index_cast %scan3A_473 : i32 to index
      %get3A_505 = arith.constant 48 : index
      %get3A_506 = tpu.vector_load %arg4[%get3A_503, %get3A_504, %get3A_505] {strides = array<i32>} : memref<4x128x128xf32, #tpu.memory_space<vmem>>, vector<1x1x16xf32>,
      %get3A_507 = vector.shape_cast %get3A_506 : vector<1x1x16xf32> to vector<16xf32>
      %add3A_508 = arith.addf %scan3A_477, %get3A_507 : vector<16xf32>
      %get3A_509 = arith.constant 2 : i32
      %get3A_510 = arith.index_cast %get3A_509 : i32 to index
      %get3A_511 = arith.index_cast %scan3A_473 : i32 to index
      %get3A_512 = arith.constant 64 : index
      %get3A_513 = tpu.vector_load %arg4[%get3A_510, %get3A_511, %get3A_512] {strides = array<i32>} : memref<4x128x128xf32, #tpu.memory_space<vmem>>, vector<1x1x16xf32>,
      %get3A_514 = vector.shape_cast %get3A_513 : vector<1x1x16xf32> to vector<16xf32>
      %add3A_515 = arith.addf %scan3A_478, %get3A_514 : vector<16xf32>
      %get3A_516 = arith.constant 2 : i32
      %get3A_517 = arith.index_cast %get3A_516 : i32 to index
      %get3A_518 = arith.index_cast %scan3A_473 : i32 to index
      %get3A_519 = arith.constant 80 : index
      %get3A_520 = tpu.vector_load %arg4[%get3A_517, %get3A_518, %get3A_519] {strides = array<i32>} : memref<4x128x128xf32, #tpu.memory_space<vmem>>, vector<1x1x16xf32>,
      %get3A_521 = vector.shape_cast %get3A_520 : vector<1x1x16xf32> to vector<16xf32>
      %add3A_522 = arith.addf %scan3A_479, %get3A_521 : vector<16xf32>
      %get3A_523 = arith.constant 2 : i32
      %get3A_524 = arith.index_cast %get3A_523 : i32 to index
      %get3A_525 = arith.index_cast %scan3A_473 : i32 to index
      %get3A_526 = arith.constant 96 : index
      %get3A_527 = tpu.vector_load %arg4[%get3A_524, %get3A_525, %get3A_526] {strides = array<i32>} : memref<4x128x128xf32, #tpu.memory_space<vmem>>, vector<1x1x16xf32>,
      %get3A_528 = vector.shape_cast %get3A_527 : vector<1x1x16xf32> to vector<16xf32>
      %add3A_529 = arith.addf %scan3A_480, %get3A_528 : vector<16xf32>
      %get3A_530 = arith.constant 2 : i32
      %get3A_531 = arith.index_cast %get3A_530 : i32 to index
      %get3A_532 = arith.index_cast %scan3A_473 : i32 to index
      %get3A_533 = arith.constant 112 : index
      %get3A_534 = tpu.vector_load %arg4[%get3A_531, %get3A_532, %get3A_533] {strides = array<i32>} : memref<4x128x128xf32, #tpu.memory_space<vmem>>, vector<1x1x16xf32>,
      %get3A_535 = vector.shape_cast %get3A_534 : vector<1x1x16xf32> to vector<16xf32>
      %add3A_536 = arith.addf %scan3A_481, %get3A_535 : vector<16xf32>
      scf.yield %add3A_487, %add3A_494, %add3A_501, %add3A_508, %add3A_515, %add3A_522, %add3A_529, %add3A_536 : vector<16xf32>, vector<16xf32>, vector<16xf32>, vector<16xf32>, vector<16xf32>, vector<16xf32>, vector<16xf32>, vector<16xf32>
    }
    %scan3A_313 = arith.constant 128 : i32
    %swap3A_314 = arith.constant 2 : i32
    %swap3A_315 = arith.index_cast %swap3A_314 : i32 to index
    %swap3A_316 = arith.constant 0 : index
    %swap3A_317 = tpu.vector_load %arg5[%swap3A_315, %swap3A_316] {strides = array<i32>} : memref<4x128xf32, #tpu.memory_space<vmem>>, vector<1x16xf32>,
    %swap3A_318 = vector.shape_cast %swap3A_317 : vector<1x16xf32> to vector<16xf32>
    %swap3A_319 = vector.shape_cast %scan3A_312#0 : vector<16xf32> to vector<1x16xf32>
    tpu.vector_store %arg5[%swap3A_315, %swap3A_316], %swap3A_319 {strides = array<i32>} : memref<4x128xf32, #tpu.memory_space<vmem>>, vector<1x16xf32>,
    %swap3A_320 = arith.constant 2 : i32
    %swap3A_321 = arith.index_cast %swap3A_320 : i32 to index
    %swap3A_322 = arith.constant 16 : index
    %swap3A_323 = tpu.vector_load %arg5[%swap3A_321, %swap3A_322] {strides = array<i32>} : memref<4x128xf32, #tpu.memory_space<vmem>>, vector<1x16xf32>,
    %swap3A_324 = vector.shape_cast %swap3A_323 : vector<1x16xf32> to vector<16xf32>
    %swap3A_325 = vector.shape_cast %scan3A_312#1 : vector<16xf32> to vector<1x16xf32>
    tpu.vector_store %arg5[%swap3A_321, %swap3A_322], %swap3A_325 {strides = array<i32>} : memref<4x128xf32, #tpu.memory_space<vmem>>, vector<1x16xf32>,
    %swap3A_326 = arith.constant 2 : i32
    %swap3A_327 = arith.index_cast %swap3A_326 : i32 to index
    %swap3A_328 = arith.constant 32 : index
    %swap3A_329 = tpu.vector_load %arg5[%swap3A_327, %swap3A_328] {strides = array<i32>} : memref<4x128xf32, #tpu.memory_space<vmem>>, vector<1x16xf32>,
    %swap3A_330 = vector.shape_cast %swap3A_329 : vector<1x16xf32> to vector<16xf32>
    %swap3A_331 = vector.shape_cast %scan3A_312#2 : vector<16xf32> to vector<1x16xf32>
    tpu.vector_store %arg5[%swap3A_327, %swap3A_328], %swap3A_331 {strides = array<i32>} : memref<4x128xf32, #tpu.memory_space<vmem>>, vector<1x16xf32>,
    %swap3A_332 = arith.constant 2 : i32
    %swap3A_333 = arith.index_cast %swap3A_332 : i32 to index
    %swap3A_334 = arith.constant 48 : index
    %swap3A_335 = tpu.vector_load %arg5[%swap3A_333, %swap3A_334] {strides = array<i32>} : memref<4x128xf32, #tpu.memory_space<vmem>>, vector<1x16xf32>,
    %swap3A_336 = vector.shape_cast %swap3A_335 : vector<1x16xf32> to vector<16xf32>
    %swap3A_337 = vector.shape_cast %scan3A_312#3 : vector<16xf32> to vector<1x16xf32>
    tpu.vector_store %arg5[%swap3A_333, %swap3A_334], %swap3A_337 {strides = array<i32>} : memref<4x128xf32, #tpu.memory_space<vmem>>, vector<1x16xf32>,
    %swap3A_338 = arith.constant 2 : i32
    %swap3A_339 = arith.index_cast %swap3A_338 : i32 to index
    %swap3A_340 = arith.constant 64 : index
    %swap3A_341 = tpu.vector_load %arg5[%swap3A_339, %swap3A_340] {strides = array<i32>} : memref<4x128xf32, #tpu.memory_space<vmem>>, vector<1x16xf32>,
    %swap3A_342 = vector.shape_cast %swap3A_341 : vector<1x16xf32> to vector<16xf32>
    %swap3A_343 = vector.shape_cast %scan3A_312#4 : vector<16xf32> to vector<1x16xf32>
    tpu.vector_store %arg5[%swap3A_339, %swap3A_340], %swap3A_343 {strides = array<i32>} : memref<4x128xf32, #tpu.memory_space<vmem>>, vector<1x16xf32>,
    %swap3A_344 = arith.constant 2 : i32
    %swap3A_345 = arith.index_cast %swap3A_344 : i32 to index
    %swap3A_346 = arith.constant 80 : index
    %swap3A_347 = tpu.vector_load %arg5[%swap3A_345, %swap3A_346] {strides = array<i32>} : memref<4x128xf32, #tpu.memory_space<vmem>>, vector<1x16xf32>,
    %swap3A_348 = vector.shape_cast %swap3A_347 : vector<1x16xf32> to vector<16xf32>
    %swap3A_349 = vector.shape_cast %scan3A_312#5 : vector<16xf32> to vector<1x16xf32>
    tpu.vector_store %arg5[%swap3A_345, %swap3A_346], %swap3A_349 {strides = array<i32>} : memref<4x128xf32, #tpu.memory_space<vmem>>, vector<1x16xf32>,
    %swap3A_350 = arith.constant 2 : i32
    %swap3A_351 = arith.index_cast %swap3A_350 : i32 to index
    %swap3A_352 = arith.constant 96 : index
    %swap3A_353 = tpu.vector_load %arg5[%swap3A_351, %swap3A_352] {strides = array<i32>} : memref<4x128xf32, #tpu.memory_space<vmem>>, vector<1x16xf32>,
    %swap3A_354 = vector.shape_cast %swap3A_353 : vector<1x16xf32> to vector<16xf32>
    %swap3A_355 = vector.shape_cast %scan3A_312#6 : vector<16xf32> to vector<1x16xf32>
    tpu.vector_store %arg5[%swap3A_351, %swap3A_352], %swap3A_355 {strides = array<i32>} : memref<4x128xf32, #tpu.memory_space<vmem>>, vector<1x16xf32>,
    %swap3A_356 = arith.constant 2 : i32
    %swap3A_357 = arith.index_cast %swap3A_356 : i32 to index
    %swap3A_358 = arith.constant 112 : index
    %swap3A_359 = tpu.vector_load %arg5[%swap3A_357, %swap3A_358] {strides = array<i32>} : memref<4x128xf32, #tpu.memory_space<vmem>>, vector<1x16xf32>,
    %swap3A_360 = vector.shape_cast %swap3A_359 : vector<1x16xf32> to vector<16xf32>
    %swap3A_361 = vector.shape_cast %scan3A_312#7 : vector<16xf32> to vector<1x16xf32>
    tpu.vector_store %arg5[%swap3A_357, %swap3A_358], %swap3A_361 {strides = array<i32>} : memref<4x128xf32, #tpu.memory_space<vmem>>, vector<1x16xf32>,
    %dma_wait3A_362 = arith.constant 3 : i32
    %dma_wait3A_363 = arith.constant 3 : i32
    %dma_wait3A_364 = arith.constant 3 : i32
    %dma_wait3A_365 = arith.constant 0 : i32
    %dma_wait3A_366 = arith.constant 0 : i32
    %dma_wait3A_367 = tpu.memref_slice %arg4[%dma_wait3A_363, %dma_wait3A_365, %dma_wait3A_366] : memref<4x128x128xf32, #tpu.memory_space<vmem>> -> memref<1x128x128xf32, #tpu.memory_space<vmem>>
    %dma_wait3A_368 = tpu.memref_squeeze %dma_wait3A_367 : memref<1x128x128xf32, #tpu.memory_space<vmem>> -> memref<128x128xf32, #tpu.memory_space<vmem>>
    %dma_wait3A_369 = tpu.memref_slice %arg2[%dma_wait3A_362, %multiple_of3A_37, %multiple_of3A] : memref<4x2048x2048xf32, #tpu.memory_space<hbm>> -> memref<1x128x128xf32, #tpu.memory_space<hbm>>
    %dma_wait3A_370 = tpu.memref_squeeze %dma_wait3A_369 : memref<1x128x128xf32, #tpu.memory_space<hbm>> -> memref<128x128xf32, #tpu.memory_space<hbm>>
    %dma_wait3A_371 = tpu.memref_slice %arg6[%dma_wait3A_364] : memref<4x!tpu.dma_semaphore, #tpu.memory_space<semaphore_mem>> -> memref<1x!tpu.dma_semaphore, #tpu.memory_space<semaphore_mem>>
    %dma_wait3A_372 = tpu.memref_squeeze %dma_wait3A_371 : memref<1x!tpu.dma_semaphore, #tpu.memory_space<semaphore_mem>> -> memref<!tpu.dma_semaphore, #tpu.memory_space<semaphore_mem>>
    %dma_wait3A_373 = arith.constant 0 : i32
    %dma_wait3A_374 = arith.constant 0 : i32
    %dma_wait3A_375 = tpu.memref_slice %arg4[%dma_wait3A_363, %dma_wait3A_373, %dma_wait3A_374] : memref<4x128x128xf32, #tpu.memory_space<vmem>> -> memref<1x128x128xf32, #tpu.memory_space<vmem>>
    %dma_wait3A_376 = tpu.memref_squeeze %dma_wait3A_375 : memref<1x128x128xf32, #tpu.memory_space<vmem>> -> memref<128x128xf32, #tpu.memory_space<vmem>>
    %dma_wait3A_377 = tpu.memref_slice %arg2[%dma_wait3A_362, %multiple_of3A_37, %multiple_of3A] : memref<4x2048x2048xf32, #tpu.memory_space<hbm>> -> memref<1x128x128xf32, #tpu.memory_space<hbm>>
    %dma_wait3A_378 = tpu.memref_squeeze %dma_wait3A_377 : memref<1x128x128xf32, #tpu.memory_space<hbm>> -> memref<128x128xf32, #tpu.memory_space<hbm>>
    tpu.wait_dma2 semaphore(%dma_wait3A_372 : memref<!tpu.dma_semaphore, #tpu.memory_space<semaphore_mem>>) src(%dma_wait3A_378 : memref<128x128xf32, #tpu.memory_space<hbm>>) dst(%dma_wait3A_376 : memref<128x128xf32, #tpu.memory_space<vmem>>)
    %broadcast_in_dim3A_379 = arith.constant 0.000000e+00 : f32
    %broadcast_in_dim3A_380 = vector.broadcast %broadcast_in_dim3A_379 : f32 to vector<16xf32>
    %broadcast_in_dim3A_381 = arith.constant 0.000000e+00 : f32
    %broadcast_in_dim3A_382 = vector.broadcast %broadcast_in_dim3A_381 : f32 to vector<16xf32>
    %broadcast_in_dim3A_383 = arith.constant 0.000000e+00 : f32
    %broadcast_in_dim3A_384 = vector.broadcast %broadcast_in_dim3A_383 : f32 to vector<16xf32>
    %broadcast_in_dim3A_385 = arith.constant 0.000000e+00 : f32
    %broadcast_in_dim3A_386 = vector.broadcast %broadcast_in_dim3A_385 : f32 to vector<16xf32>
    %broadcast_in_dim3A_387 = arith.constant 0.000000e+00 : f32
    %broadcast_in_dim3A_388 = vector.broadcast %broadcast_in_dim3A_387 : f32 to vector<16xf32>
    %broadcast_in_dim3A_389 = arith.constant 0.000000e+00 : f32
    %broadcast_in_dim3A_390 = vector.broadcast %broadcast_in_dim3A_389 : f32 to vector<16xf32>
    %broadcast_in_dim3A_391 = arith.constant 0.000000e+00 : f32
    %broadcast_in_dim3A_392 = vector.broadcast %broadcast_in_dim3A_391 : f32 to vector<16xf32>
    %broadcast_in_dim3A_393 = arith.constant 0.000000e+00 : f32
    %broadcast_in_dim3A_394 = vector.broadcast %broadcast_in_dim3A_393 : f32 to vector<16xf32>
    %scan3A_395 = arith.constant 0 : i32
    %scan3A_396 = arith.constant 128 : i32
    %scan3A_397 = arith.addi %scan3A_395, %scan3A_396 : i32
    %scan3A_398 = arith.constant 1 : i32
    %scan3A_399:8 = scf.for %scan3A_473 = %scan3A_395 to %scan3A_397 step %scan3A_398 iter_args(%scan3A_474 = %broadcast_in_dim3A_380, %scan3A_475 = %broadcast_in_dim3A_382, %scan3A_476 = %broadcast_in_dim3A_384, %scan3A_477 = %broadcast_in_dim3A_386, %scan3A_478 = %broadcast_in_dim3A_388, %scan3A_479 = %broadcast_in_dim3A_390, %scan3A_480 = %broadcast_in_dim3A_392, %scan3A_481 = %broadcast_in_dim3A_394) -> (vector<16xf32>, vector<16xf32>, vector<16xf32>, vector<16xf32>, vector<16xf32>, vector<16xf32>, vector<16xf32>, vector<16xf32>)  : i32 {
      %get3A = arith.constant 3 : i32
      %get3A_482 = arith.index_cast %get3A : i32 to index
      %get3A_483 = arith.index_cast %scan3A_473 : i32 to index
      %get3A_484 = arith.constant 0 : index
      %get3A_485 = tpu.vector_load %arg4[%get3A_482, %get3A_483, %get3A_484] {strides = array<i32>} : memref<4x128x128xf32, #tpu.memory_space<vmem>>, vector<1x1x16xf32>,
      %get3A_486 = vector.shape_cast %get3A_485 : vector<1x1x16xf32> to vector<16xf32>
      %add3A_487 = arith.addf %scan3A_474, %get3A_486 : vector<16xf32>
      %get3A_488 = arith.constant 3 : i32
      %get3A_489 = arith.index_cast %get3A_488 : i32 to index
      %get3A_490 = arith.index_cast %scan3A_473 : i32 to index
      %get3A_491 = arith.constant 16 : index
      %get3A_492 = tpu.vector_load %arg4[%get3A_489, %get3A_490, %get3A_491] {strides = array<i32>} : memref<4x128x128xf32, #tpu.memory_space<vmem>>, vector<1x1x16xf32>,
      %get3A_493 = vector.shape_cast %get3A_492 : vector<1x1x16xf32> to vector<16xf32>
      %add3A_494 = arith.addf %scan3A_475, %get3A_493 : vector<16xf32>
      %get3A_495 = arith.constant 3 : i32
      %get3A_496 = arith.index_cast %get3A_495 : i32 to index
      %get3A_497 = arith.index_cast %scan3A_473 : i32 to index
      %get3A_498 = arith.constant 32 : index
      %get3A_499 = tpu.vector_load %arg4[%get3A_496, %get3A_497, %get3A_498] {strides = array<i32>} : memref<4x128x128xf32, #tpu.memory_space<vmem>>, vector<1x1x16xf32>,
      %get3A_500 = vector.shape_cast %get3A_499 : vector<1x1x16xf32> to vector<16xf32>
      %add3A_501 = arith.addf %scan3A_476, %get3A_500 : vector<16xf32>
      %get3A_502 = arith.constant 3 : i32
      %get3A_503 = arith.index_cast %get3A_502 : i32 to index
      %get3A_504 = arith.index_cast %scan3A_473 : i32 to index
      %get3A_505 = arith.constant 48 : index
      %get3A_506 = tpu.vector_load %arg4[%get3A_503, %get3A_504, %get3A_505] {strides = array<i32>} : memref<4x128x128xf32, #tpu.memory_space<vmem>>, vector<1x1x16xf32>,
      %get3A_507 = vector.shape_cast %get3A_506 : vector<1x1x16xf32> to vector<16xf32>
      %add3A_508 = arith.addf %scan3A_477, %get3A_507 : vector<16xf32>
      %get3A_509 = arith.constant 3 : i32
      %get3A_510 = arith.index_cast %get3A_509 : i32 to index
      %get3A_511 = arith.index_cast %scan3A_473 : i32 to index
      %get3A_512 = arith.constant 64 : index
      %get3A_513 = tpu.vector_load %arg4[%get3A_510, %get3A_511, %get3A_512] {strides = array<i32>} : memref<4x128x128xf32, #tpu.memory_space<vmem>>, vector<1x1x16xf32>,
      %get3A_514 = vector.shape_cast %get3A_513 : vector<1x1x16xf32> to vector<16xf32>
      %add3A_515 = arith.addf %scan3A_478, %get3A_514 : vector<16xf32>
      %get3A_516 = arith.constant 3 : i32
      %get3A_517 = arith.index_cast %get3A_516 : i32 to index
      %get3A_518 = arith.index_cast %scan3A_473 : i32 to index
      %get3A_519 = arith.constant 80 : index
      %get3A_520 = tpu.vector_load %arg4[%get3A_517, %get3A_518, %get3A_519] {strides = array<i32>} : memref<4x128x128xf32, #tpu.memory_space<vmem>>, vector<1x1x16xf32>,
      %get3A_521 = vector.shape_cast %get3A_520 : vector<1x1x16xf32> to vector<16xf32>
      %add3A_522 = arith.addf %scan3A_479, %get3A_521 : vector<16xf32>
      %get3A_523 = arith.constant 3 : i32
      %get3A_524 = arith.index_cast %get3A_523 : i32 to index
      %get3A_525 = arith.index_cast %scan3A_473 : i32 to index
      %get3A_526 = arith.constant 96 : index
      %get3A_527 = tpu.vector_load %arg4[%get3A_524, %get3A_525, %get3A_526] {strides = array<i32>} : memref<4x128x128xf32, #tpu.memory_space<vmem>>, vector<1x1x16xf32>,
      %get3A_528 = vector.shape_cast %get3A_527 : vector<1x1x16xf32> to vector<16xf32>
      %add3A_529 = arith.addf %scan3A_480, %get3A_528 : vector<16xf32>
      %get3A_530 = arith.constant 3 : i32
      %get3A_531 = arith.index_cast %get3A_530 : i32 to index
      %get3A_532 = arith.index_cast %scan3A_473 : i32 to index
      %get3A_533 = arith.constant 112 : index
      %get3A_534 = tpu.vector_load %arg4[%get3A_531, %get3A_532, %get3A_533] {strides = array<i32>} : memref<4x128x128xf32, #tpu.memory_space<vmem>>, vector<1x1x16xf32>,
      %get3A_535 = vector.shape_cast %get3A_534 : vector<1x1x16xf32> to vector<16xf32>
      %add3A_536 = arith.addf %scan3A_481, %get3A_535 : vector<16xf32>
      scf.yield %add3A_487, %add3A_494, %add3A_501, %add3A_508, %add3A_515, %add3A_522, %add3A_529, %add3A_536 : vector<16xf32>, vector<16xf32>, vector<16xf32>, vector<16xf32>, vector<16xf32>, vector<16xf32>, vector<16xf32>, vector<16xf32>
    }
    %scan3A_400 = arith.constant 128 : i32
    %swap3A_401 = arith.constant 3 : i32
    %swap3A_402 = arith.index_cast %swap3A_401 : i32 to index
    %swap3A_403 = arith.constant 0 : index
    %swap3A_404 = tpu.vector_load %arg5[%swap3A_402, %swap3A_403] {strides = array<i32>} : memref<4x128xf32, #tpu.memory_space<vmem>>, vector<1x16xf32>,
    %swap3A_405 = vector.shape_cast %swap3A_404 : vector<1x16xf32> to vector<16xf32>
    %swap3A_406 = vector.shape_cast %scan3A_399#0 : vector<16xf32> to vector<1x16xf32>
    tpu.vector_store %arg5[%swap3A_402, %swap3A_403], %swap3A_406 {strides = array<i32>} : memref<4x128xf32, #tpu.memory_space<vmem>>, vector<1x16xf32>,
    %swap3A_407 = arith.constant 3 : i32
    %swap3A_408 = arith.index_cast %swap3A_407 : i32 to index
    %swap3A_409 = arith.constant 16 : index
    %swap3A_410 = tpu.vector_load %arg5[%swap3A_408, %swap3A_409] {strides = array<i32>} : memref<4x128xf32, #tpu.memory_space<vmem>>, vector<1x16xf32>,
    %swap3A_411 = vector.shape_cast %swap3A_410 : vector<1x16xf32> to vector<16xf32>
    %swap3A_412 = vector.shape_cast %scan3A_399#1 : vector<16xf32> to vector<1x16xf32>
    tpu.vector_store %arg5[%swap3A_408, %swap3A_409], %swap3A_412 {strides = array<i32>} : memref<4x128xf32, #tpu.memory_space<vmem>>, vector<1x16xf32>,
    %swap3A_413 = arith.constant 3 : i32
    %swap3A_414 = arith.index_cast %swap3A_413 : i32 to index
    %swap3A_415 = arith.constant 32 : index
    %swap3A_416 = tpu.vector_load %arg5[%swap3A_414, %swap3A_415] {strides = array<i32>} : memref<4x128xf32, #tpu.memory_space<vmem>>, vector<1x16xf32>,
    %swap3A_417 = vector.shape_cast %swap3A_416 : vector<1x16xf32> to vector<16xf32>
    %swap3A_418 = vector.shape_cast %scan3A_399#2 : vector<16xf32> to vector<1x16xf32>
    tpu.vector_store %arg5[%swap3A_414, %swap3A_415], %swap3A_418 {strides = array<i32>} : memref<4x128xf32, #tpu.memory_space<vmem>>, vector<1x16xf32>,
    %swap3A_419 = arith.constant 3 : i32
    %swap3A_420 = arith.index_cast %swap3A_419 : i32 to index
    %swap3A_421 = arith.constant 48 : index
    %swap3A_422 = tpu.vector_load %arg5[%swap3A_420, %swap3A_421] {strides = array<i32>} : memref<4x128xf32, #tpu.memory_space<vmem>>, vector<1x16xf32>,
    %swap3A_423 = vector.shape_cast %swap3A_422 : vector<1x16xf32> to vector<16xf32>
    %swap3A_424 = vector.shape_cast %scan3A_399#3 : vector<16xf32> to vector<1x16xf32>
    tpu.vector_store %arg5[%swap3A_420, %swap3A_421], %swap3A_424 {strides = array<i32>} : memref<4x128xf32, #tpu.memory_space<vmem>>, vector<1x16xf32>,
    %swap3A_425 = arith.constant 3 : i32
    %swap3A_426 = arith.index_cast %swap3A_425 : i32 to index
    %swap3A_427 = arith.constant 64 : index
    %swap3A_428 = tpu.vector_load %arg5[%swap3A_426, %swap3A_427] {strides = array<i32>} : memref<4x128xf32, #tpu.memory_space<vmem>>, vector<1x16xf32>,
    %swap3A_429 = vector.shape_cast %swap3A_428 : vector<1x16xf32> to vector<16xf32>
    %swap3A_430 = vector.shape_cast %scan3A_399#4 : vector<16xf32> to vector<1x16xf32>
    tpu.vector_store %arg5[%swap3A_426, %swap3A_427], %swap3A_430 {strides = array<i32>} : memref<4x128xf32, #tpu.memory_space<vmem>>, vector<1x16xf32>,
    %swap3A_431 = arith.constant 3 : i32
    %swap3A_432 = arith.index_cast %swap3A_431 : i32 to index
    %swap3A_433 = arith.constant 80 : index
    %swap3A_434 = tpu.vector_load %arg5[%swap3A_432, %swap3A_433] {strides = array<i32>} : memref<4x128xf32, #tpu.memory_space<vmem>>, vector<1x16xf32>,
    %swap3A_435 = vector.shape_cast %swap3A_434 : vector<1x16xf32> to vector<16xf32>
    %swap3A_436 = vector.shape_cast %scan3A_399#5 : vector<16xf32> to vector<1x16xf32>
    tpu.vector_store %arg5[%swap3A_432, %swap3A_433], %swap3A_436 {strides = array<i32>} : memref<4x128xf32, #tpu.memory_space<vmem>>, vector<1x16xf32>,
    %swap3A_437 = arith.constant 3 : i32
    %swap3A_438 = arith.index_cast %swap3A_437 : i32 to index
    %swap3A_439 = arith.constant 96 : index
    %swap3A_440 = tpu.vector_load %arg5[%swap3A_438, %swap3A_439] {strides = array<i32>} : memref<4x128xf32, #tpu.memory_space<vmem>>, vector<1x16xf32>,
    %swap3A_441 = vector.shape_cast %swap3A_440 : vector<1x16xf32> to vector<16xf32>
    %swap3A_442 = vector.shape_cast %scan3A_399#6 : vector<16xf32> to vector<1x16xf32>
    tpu.vector_store %arg5[%swap3A_438, %swap3A_439], %swap3A_442 {strides = array<i32>} : memref<4x128xf32, #tpu.memory_space<vmem>>, vector<1x16xf32>,
    %swap3A_443 = arith.constant 3 : i32
    %swap3A_444 = arith.index_cast %swap3A_443 : i32 to index
    %swap3A_445 = arith.constant 112 : index
    %swap3A_446 = tpu.vector_load %arg5[%swap3A_444, %swap3A_445] {strides = array<i32>} : memref<4x128xf32, #tpu.memory_space<vmem>>, vector<1x16xf32>,
    %swap3A_447 = vector.shape_cast %swap3A_446 : vector<1x16xf32> to vector<16xf32>
    %swap3A_448 = vector.shape_cast %scan3A_399#7 : vector<16xf32> to vector<1x16xf32>
    tpu.vector_store %arg5[%swap3A_444, %swap3A_445], %swap3A_448 {strides = array<i32>} : memref<4x128xf32, #tpu.memory_space<vmem>>, vector<1x16xf32>,
    %jit3A_449 = arith.constant 16 : i32
    %div3A_450 = arith.divsi %add3A, %jit3A_449 : i32
    %sign3A_451 = arith.constant 0 : i32
    %sign3A_452 = arith.cmpi sgt, %add3A, %sign3A_451 : i32
    %sign3A_453 = arith.extui %sign3A_452 : i1 to i32
    %sign3A_454 = arith.constant 0 : i32
    %sign3A_455 = arith.cmpi slt, %add3A, %sign3A_454 : i32
    %sign3A_456 = arith.extui %sign3A_455 : i1 to i32
    %sign3A_457 = arith.subi %sign3A_453, %sign3A_456 : i32
    %sign3A_458 = arith.constant 0 : i32
    %sign3A_459 = arith.cmpi sgt, %jit3A_449, %sign3A_458 : i32
    %sign3A_460 = arith.extui %sign3A_459 : i1 to i32
    %sign3A_461 = arith.constant 0 : i32
    %sign3A_462 = arith.cmpi slt, %jit3A_449, %sign3A_461 : i32
    %sign3A_463 = arith.extui %sign3A_462 : i1 to i32
    %sign3A_464 = arith.subi %sign3A_460, %sign3A_463 : i32
    %ne3A_465 = arith.cmpi ne, %sign3A_457, %sign3A_464 : i32
    %rem3A_466 = arith.remsi %add3A, %jit3A_449 : i32
    %ne3A_467 = arith.constant 0 : i32
    %ne3A_468 = arith.cmpi ne, %rem3A_466, %ne3A_467 : i32
    %and3A_469 = arith.andi %ne3A_465, %ne3A_468 : i1
    %sub3A_470 = arith.constant 1 : i32
    %sub3A_471 = arith.subi %div3A_450, %sub3A_470 : i32
    %select_n3A_472 = arith.select %and3A_469, %sub3A_471, %div3A_450 : i32
    "tpu.region"() ({
      %run_scoped3A = tpu.sem_alloc : memref<!tpu.dma_semaphore, #tpu.memory_space<semaphore_mem>>
      %dma_start3A_473 = arith.constant 0 : i32
      %dma_start3A_474 = tpu.memref_slice %arg3[%select_n3A_472, %dma_start3A_473, %multiple_of3A] : memref<2x4x2048xf32, #tpu.memory_space<hbm>> -> memref<1x4x128xf32, #tpu.memory_space<hbm>>
      %dma_start3A_475 = tpu.memref_squeeze %dma_start3A_474 : memref<1x4x128xf32, #tpu.memory_space<hbm>> -> memref<4x128xf32, #tpu.memory_space<hbm>>
      %dma_start3A_476 = arith.constant 0 : i32
      %dma_start3A_477 = tpu.memref_slice %arg3[%select_n3A_472, %dma_start3A_476, %multiple_of3A] : memref<2x4x2048xf32, #tpu.memory_space<hbm>> -> memref<1x4x128xf32, #tpu.memory_space<hbm>>
      %dma_start3A_478 = tpu.memref_squeeze %dma_start3A_477 : memref<1x4x128xf32, #tpu.memory_space<hbm>> -> memref<4x128xf32, #tpu.memory_space<hbm>>
      tpu.enqueue_dma source(%arg5 : memref<4x128xf32, #tpu.memory_space<vmem>>) target(%dma_start3A_478 : memref<4x128xf32, #tpu.memory_space<hbm>>) target_semaphore(%run_scoped3A : memref<!tpu.dma_semaphore, #tpu.memory_space<semaphore_mem>>)
      %dma_wait3A_479 = arith.constant 0 : i32
      %dma_wait3A_480 = tpu.memref_slice %arg3[%select_n3A_472, %dma_wait3A_479, %multiple_of3A] : memref<2x4x2048xf32, #tpu.memory_space<hbm>> -> memref<1x4x128xf32, #tpu.memory_space<hbm>>
      %dma_wait3A_481 = tpu.memref_squeeze %dma_wait3A_480 : memref<1x4x128xf32, #tpu.memory_space<hbm>> -> memref<4x128xf32, #tpu.memory_space<hbm>>
      %dma_wait3A_482 = arith.constant 0 : i32
      %dma_wait3A_483 = tpu.memref_slice %arg3[%select_n3A_472, %dma_wait3A_482, %multiple_of3A] : memref<2x4x2048xf32, #tpu.memory_space<hbm>> -> memref<1x4x128xf32, #tpu.memory_space<hbm>>
      %dma_wait3A_484 = tpu.memref_squeeze %dma_wait3A_483 : memref<1x4x128xf32, #tpu.memory_space<hbm>> -> memref<4x128xf32, #tpu.memory_space<hbm>>
      tpu.wait_dma2 semaphore(%run_scoped3A : memref<!tpu.dma_semaphore, #tpu.memory_space<semaphore_mem>>) src(%arg5 : memref<4x128xf32, #tpu.memory_space<vmem>>) dst(%dma_wait3A_484 : memref<4x128xf32, #tpu.memory_space<hbm>>)
      tpu.yield
    }) : () -> ()
    return
  }
}

module attributes {stable_mosaic.version = 14 : i64} {
  func.func @_finish_kernel(%arg0: memref<4x8x2048xf32, #tpu.memory_space<vmem>>, %arg1: memref<2x4x2048xf32, #tpu.memory_space<vmem>>, %arg2: memref<4x64x2048xf32, #tpu.memory_space<vmem>>, %arg3: memref<64x64xf32, #tpu.memory_space<vmem>>, %arg4: memref<32x2048xf32, #tpu.memory_space<vmem>>, %arg5: memref<1x32xf32, #tpu.memory_space<vmem>>, %arg6: memref<1x32xf32, #tpu.memory_space<vmem>>, %arg7: memref<1x32xf32, #tpu.memory_space<vmem>>, %arg8: memref<32x64xf32, #tpu.memory_space<vmem>>, %arg9: memref<1x64xf32, #tpu.memory_space<vmem>>, %arg10: memref<1x64xf32, #tpu.memory_space<vmem>>, %arg11: memref<1x64xf32, #tpu.memory_space<vmem>>, %arg12: memref<4x64x2048xf32, #tpu.memory_space<vmem>>) attributes {dimension_semantics = [], scalar_prefetch = 0 : i64, scratch_operands = 0 : i64, tpu.core_type = #tpu.core_type<tc>} {
    %iota3A = tpu.iota {dimensions = array<i32: 1>} : vector<64x64xi32>
    %iota3A_0 = tpu.iota {dimensions = array<i32: 0>} : vector<64x64xi32>
    %get3A = arith.constant 0 : index
    %get3A_1 = arith.constant 0 : index
    %get3A_2 = arith.constant 0 : index
    %get3A_3 = vector.load %arg0[%get3A, %get3A_1, %get3A_2] : memref<4x8x2048xf32, #tpu.memory_space<vmem>>, vector<1x8x2048xf32>
    %get3A_4 = vector.shape_cast %get3A_3 : vector<1x8x2048xf32> to vector<8x2048xf32>
    %reduce_sum3A = arith.constant dense<0.000000e+00> : vector<2048xf32>
    %reduce_sum3A_5 = vector.multi_reduction <add>, %get3A_4, %reduce_sum3A [0] : vector<8x2048xf32> to vector<2048xf32>
    %broadcast_in_dim3A = vector.shape_cast %reduce_sum3A_5 : vector<2048xf32> to vector<1x2048xf32>
    %get3A_6 = arith.constant 0 : index
    %get3A_7 = arith.constant 0 : index
    %get3A_8 = arith.constant 0 : index
    %get3A_9 = vector.load %arg1[%get3A_6, %get3A_7, %get3A_8] : memref<2x4x2048xf32, #tpu.memory_space<vmem>>, vector<1x1x2048xf32>
    %get3A_10 = vector.shape_cast %get3A_9 : vector<1x1x2048xf32> to vector<1x2048xf32>
    %add3A = arith.addf %broadcast_in_dim3A, %get3A_10 : vector<1x2048xf32>
    %get3A_11 = arith.constant 1 : index
    %get3A_12 = arith.constant 0 : index
    %get3A_13 = arith.constant 0 : index
    %get3A_14 = vector.load %arg1[%get3A_11, %get3A_12, %get3A_13] : memref<2x4x2048xf32, #tpu.memory_space<vmem>>, vector<1x1x2048xf32>
    %get3A_15 = vector.shape_cast %get3A_14 : vector<1x1x2048xf32> to vector<1x2048xf32>
    %add3A_16 = arith.addf %add3A, %get3A_15 : vector<1x2048xf32>
    %mul3A = arith.constant 4.8828125E-4 : f32
    %mul3A_17 = vector.broadcast %mul3A : f32 to vector<1x2048xf32>
    %mul3A_18 = arith.mulf %add3A_16, %mul3A_17 : vector<1x2048xf32>
    %get3A_19 = arith.constant 0 : index
    %get3A_20 = arith.constant 0 : index
    %get3A_21 = vector.load %arg4[%get3A_19, %get3A_20] : memref<32x2048xf32, #tpu.memory_space<vmem>>, vector<32x2048xf32>
    %dot_general3A = arith.constant dense<0.000000e+00> : vector<1x32xf32>
    %dot_general3A_22 = tpu.matmul %mul3A_18, %get3A_21, %dot_general3A {dimension_numbers = #tpu.dot_dimension_numbers<[1], [1], [0], [0], [0, 0, 1, 0], [], []>, precision = #tpu.contract_precision<fp32>, transpose_lhs_hint = false} : vector<1x2048xf32>, vector<32x2048xf32>, vector<1x32xf32> -> vector<1x32xf32>
    %get3A_23 = arith.constant 0 : index
    %get3A_24 = arith.constant 0 : index
    %get3A_25 = vector.load %arg5[%get3A_23, %get3A_24] : memref<1x32xf32, #tpu.memory_space<vmem>>, vector<1x32xf32>
    %add3A_26 = arith.addf %dot_general3A_22, %get3A_25 : vector<1x32xf32>
    %reduce_sum3A_27 = arith.constant dense<0.000000e+00> : vector<1xf32>
    %reduce_sum3A_28 = vector.multi_reduction <add>, %add3A_26, %reduce_sum3A_27 [1] : vector<1x32xf32> to vector<1xf32>
    %broadcast_in_dim3A_29 = vector.shape_cast %reduce_sum3A_28 : vector<1xf32> to vector<1x1xf32>
    %div3A = arith.constant 3.200000e+01 : f32
    %div3A_30 = vector.broadcast %div3A : f32 to vector<1x1xf32>
    %div3A_31 = arith.divf %broadcast_in_dim3A_29, %div3A_30 : vector<1x1xf32>
    %sub3A = vector.broadcast %div3A_31 : vector<1x1xf32> to vector<1x32xf32>
    %sub3A_32 = arith.subf %add3A_26, %sub3A : vector<1x32xf32>
    %integer_pow3A = arith.mulf %sub3A_32, %sub3A_32 : vector<1x32xf32>
    %reduce_sum3A_33 = arith.constant dense<0.000000e+00> : vector<1xf32>
    %reduce_sum3A_34 = vector.multi_reduction <add>, %integer_pow3A, %reduce_sum3A_33 [1] : vector<1x32xf32> to vector<1xf32>
    %broadcast_in_dim3A_35 = vector.shape_cast %reduce_sum3A_34 : vector<1xf32> to vector<1x1xf32>
    %div3A_36 = arith.constant 3.200000e+01 : f32
    %div3A_37 = vector.broadcast %div3A_36 : f32 to vector<1x1xf32>
    %div3A_38 = arith.divf %broadcast_in_dim3A_35, %div3A_37 : vector<1x1xf32>
    %sub3A_39 = vector.broadcast %div3A_31 : vector<1x1xf32> to vector<1x32xf32>
    %sub3A_40 = arith.subf %add3A_26, %sub3A_39 : vector<1x32xf32>
    %add3A_41 = arith.constant 9.99999974E-6 : f32
    %add3A_42 = vector.broadcast %add3A_41 : f32 to vector<1x1xf32>
    %add3A_43 = arith.addf %div3A_38, %add3A_42 : vector<1x1xf32>
    %rsqrt3A = math.rsqrt %add3A_43 : vector<1x1xf32>
    %mul3A_44 = vector.broadcast %rsqrt3A : vector<1x1xf32> to vector<1x32xf32>
    %mul3A_45 = arith.mulf %sub3A_40, %mul3A_44 : vector<1x32xf32>
    %get3A_46 = arith.constant 0 : index
    %get3A_47 = arith.constant 0 : index
    %get3A_48 = vector.load %arg6[%get3A_46, %get3A_47] : memref<1x32xf32, #tpu.memory_space<vmem>>, vector<1x32xf32>
    %mul3A_49 = arith.mulf %mul3A_45, %get3A_48 : vector<1x32xf32>
    %get3A_50 = arith.constant 0 : index
    %get3A_51 = arith.constant 0 : index
    %get3A_52 = vector.load %arg7[%get3A_50, %get3A_51] : memref<1x32xf32, #tpu.memory_space<vmem>>, vector<1x32xf32>
    %add3A_53 = arith.addf %mul3A_49, %get3A_52 : vector<1x32xf32>
    %mul3A_54 = arith.constant 5.000000e-01 : f32
    %mul3A_55 = vector.broadcast %mul3A_54 : f32 to vector<1x32xf32>
    %mul3A_56 = arith.mulf %add3A_53, %mul3A_55 : vector<1x32xf32>
    %mul3A_57 = arith.constant 0.707106769 : f32
    %mul3A_58 = vector.broadcast %mul3A_57 : f32 to vector<1x32xf32>
    %mul3A_59 = arith.mulf %add3A_53, %mul3A_58 : vector<1x32xf32>
    %erf3A = math.erf %mul3A_59 : vector<1x32xf32>
    %add3A_60 = arith.constant 1.000000e+00 : f32
    %add3A_61 = vector.broadcast %add3A_60 : f32 to vector<1x32xf32>
    %add3A_62 = arith.addf %add3A_61, %erf3A : vector<1x32xf32>
    %mul3A_63 = arith.mulf %mul3A_56, %add3A_62 : vector<1x32xf32>
    %get3A_64 = arith.constant 0 : index
    %get3A_65 = arith.constant 0 : index
    %get3A_66 = vector.load %arg8[%get3A_64, %get3A_65] : memref<32x64xf32, #tpu.memory_space<vmem>>, vector<32x64xf32>
    %dot_general3A_67 = arith.constant dense<0.000000e+00> : vector<1x64xf32>
    %dot_general3A_68 = tpu.matmul %mul3A_63, %get3A_66, %dot_general3A_67 {dimension_numbers = #tpu.dot_dimension_numbers<[1], [0], [0], [1], [0, 0, 1, 1], [], []>, precision = #tpu.contract_precision<fp32>, transpose_lhs_hint = false} : vector<1x32xf32>, vector<32x64xf32>, vector<1x64xf32> -> vector<1x64xf32>
    %get3A_69 = arith.constant 0 : index
    %get3A_70 = arith.constant 0 : index
    %get3A_71 = vector.load %arg9[%get3A_69, %get3A_70] : memref<1x64xf32, #tpu.memory_space<vmem>>, vector<1x64xf32>
    %add3A_72 = arith.addf %dot_general3A_68, %get3A_71 : vector<1x64xf32>
    %get3A_73 = arith.constant 0 : index
    %get3A_74 = arith.constant 0 : index
    %get3A_75 = vector.load %arg10[%get3A_73, %get3A_74] : memref<1x64xf32, #tpu.memory_space<vmem>>, vector<1x64xf32>
    %add3A_76 = arith.addf %add3A_72, %get3A_75 : vector<1x64xf32>
    %broadcast_in_dim3A_77 = vector.shape_cast %add3A_76 : vector<1x64xf32> to vector<1x64xf32>
    %broadcast_in_dim3A_78 = vector.broadcast %broadcast_in_dim3A_77 : vector<1x64xf32> to vector<64x64xf32>
    %transpose3A = tpu.transpose %add3A_76, [1, 0] : vector<1x64xf32> -> vector<64x1xf32>
    %gt3A = vector.broadcast %transpose3A : vector<64x1xf32> to vector<64x64xf32>
    %gt3A_79 = arith.cmpf ogt, %gt3A, %broadcast_in_dim3A_78 : vector<64x64xf32>
    %eq3A = vector.broadcast %transpose3A : vector<64x1xf32> to vector<64x64xf32>
    %eq3A_80 = arith.cmpf oeq, %eq3A, %broadcast_in_dim3A_78 : vector<64x64xf32>
    %lt3A = arith.cmpi slt, %iota3A_0, %iota3A : vector<64x64xi32>
    %and3A = arith.andi %eq3A_80, %lt3A : vector<64x64xi1>
    %or3A = arith.ori %gt3A_79, %and3A : vector<64x64xi1>
    %convert_element_type3A = arith.extui %or3A : vector<64x64xi1> to vector<64x64xi32>
    %convert_element_type3A_81 = arith.sitofp %convert_element_type3A : vector<64x64xi32> to vector<64x64xf32>
    %reduce_sum3A_82 = arith.constant dense<0.000000e+00> : vector<64xf32>
    %reduce_sum3A_83 = vector.multi_reduction <add>, %convert_element_type3A_81, %reduce_sum3A_82 [0] : vector<64x64xf32> to vector<64xf32>
    %broadcast_in_dim3A_84 = vector.shape_cast %reduce_sum3A_83 : vector<64xf32> to vector<1x64xf32>
    %lt3A_85 = arith.constant 8.000000e+00 : f32
    %lt3A_86 = vector.broadcast %lt3A_85 : f32 to vector<1x64xf32>
    %lt3A_87 = arith.cmpf olt, %broadcast_in_dim3A_84, %lt3A_86 : vector<1x64xf32>
    %convert_element_type3A_88 = arith.extui %lt3A_87 : vector<1x64xi1> to vector<1x64xi32>
    %convert_element_type3A_89 = arith.sitofp %convert_element_type3A_88 : vector<1x64xi32> to vector<1x64xf32>
    %get3A_90 = arith.constant 0 : index
    %get3A_91 = arith.constant 0 : index
    %get3A_92 = vector.load %arg11[%get3A_90, %get3A_91] : memref<1x64xf32, #tpu.memory_space<vmem>>, vector<1x64xf32>
    %mul3A_93 = arith.mulf %convert_element_type3A_89, %get3A_92 : vector<1x64xf32>
    %get3A_94 = arith.constant 0 : index
    %get3A_95 = arith.constant 0 : index
    %get3A_96 = vector.load %arg3[%get3A_94, %get3A_95] : memref<64x64xf32, #tpu.memory_space<vmem>>, vector<64x64xf32>
    %mul3A_97 = vector.broadcast %mul3A_93 : vector<1x64xf32> to vector<64x64xf32>
    %mul3A_98 = arith.mulf %get3A_96, %mul3A_97 : vector<64x64xf32>
    %get3A_99 = arith.constant 0 : index
    %get3A_100 = arith.constant 0 : index
    %get3A_101 = arith.constant 0 : index
    %get3A_102 = vector.load %arg2[%get3A_99, %get3A_100, %get3A_101] : memref<4x64x2048xf32, #tpu.memory_space<vmem>>, vector<1x64x2048xf32>
    %get3A_103 = vector.shape_cast %get3A_102 : vector<1x64x2048xf32> to vector<64x2048xf32>
    %dot_general3A_104 = arith.constant dense<0.000000e+00> : vector<64x2048xf32>
    %dot_general3A_105 = tpu.matmul %mul3A_98, %get3A_103, %dot_general3A_104 {dimension_numbers = #tpu.dot_dimension_numbers<[1], [0], [0], [1], [0, 0, 1, 1], [], []>, precision = #tpu.contract_precision<fp32>, transpose_lhs_hint = false} : vector<64x64xf32>, vector<64x2048xf32>, vector<64x2048xf32> -> vector<64x2048xf32>
    %swap3A = arith.constant 0 : index
    %swap3A_106 = arith.constant 0 : index
    %swap3A_107 = arith.constant 0 : index
    %swap3A_108 = vector.load %arg12[%swap3A, %swap3A_106, %swap3A_107] : memref<4x64x2048xf32, #tpu.memory_space<vmem>>, vector<1x64x2048xf32>
    %swap3A_109 = vector.shape_cast %swap3A_108 : vector<1x64x2048xf32> to vector<64x2048xf32>
    %swap3A_110 = vector.shape_cast %dot_general3A_105 : vector<64x2048xf32> to vector<1x64x2048xf32>
    tpu.vector_store %arg12[%swap3A, %swap3A_106, %swap3A_107], %swap3A_110 {strides = array<i32>} : memref<4x64x2048xf32, #tpu.memory_space<vmem>>, vector<1x64x2048xf32>,
    %get3A_111 = arith.constant 1 : index
    %get3A_112 = arith.constant 0 : index
    %get3A_113 = arith.constant 0 : index
    %get3A_114 = vector.load %arg0[%get3A_111, %get3A_112, %get3A_113] : memref<4x8x2048xf32, #tpu.memory_space<vmem>>, vector<1x8x2048xf32>
    %get3A_115 = vector.shape_cast %get3A_114 : vector<1x8x2048xf32> to vector<8x2048xf32>
    %reduce_sum3A_116 = arith.constant dense<0.000000e+00> : vector<2048xf32>
    %reduce_sum3A_117 = vector.multi_reduction <add>, %get3A_115, %reduce_sum3A_116 [0] : vector<8x2048xf32> to vector<2048xf32>
    %broadcast_in_dim3A_118 = vector.shape_cast %reduce_sum3A_117 : vector<2048xf32> to vector<1x2048xf32>
    %get3A_119 = arith.constant 0 : index
    %get3A_120 = arith.constant 1 : index
    %get3A_121 = arith.constant 0 : index
    %get3A_122 = vector.load %arg1[%get3A_119, %get3A_120, %get3A_121] : memref<2x4x2048xf32, #tpu.memory_space<vmem>>, vector<1x1x2048xf32>
    %get3A_123 = vector.shape_cast %get3A_122 : vector<1x1x2048xf32> to vector<1x2048xf32>
    %add3A_124 = arith.addf %broadcast_in_dim3A_118, %get3A_123 : vector<1x2048xf32>
    %get3A_125 = arith.constant 1 : index
    %get3A_126 = arith.constant 1 : index
    %get3A_127 = arith.constant 0 : index
    %get3A_128 = vector.load %arg1[%get3A_125, %get3A_126, %get3A_127] : memref<2x4x2048xf32, #tpu.memory_space<vmem>>, vector<1x1x2048xf32>
    %get3A_129 = vector.shape_cast %get3A_128 : vector<1x1x2048xf32> to vector<1x2048xf32>
    %add3A_130 = arith.addf %add3A_124, %get3A_129 : vector<1x2048xf32>
    %mul3A_131 = arith.constant 4.8828125E-4 : f32
    %mul3A_132 = vector.broadcast %mul3A_131 : f32 to vector<1x2048xf32>
    %mul3A_133 = arith.mulf %add3A_130, %mul3A_132 : vector<1x2048xf32>
    %get3A_134 = arith.constant 0 : index
    %get3A_135 = arith.constant 0 : index
    %get3A_136 = vector.load %arg4[%get3A_134, %get3A_135] : memref<32x2048xf32, #tpu.memory_space<vmem>>, vector<32x2048xf32>
    %dot_general3A_137 = arith.constant dense<0.000000e+00> : vector<1x32xf32>
    %dot_general3A_138 = tpu.matmul %mul3A_133, %get3A_136, %dot_general3A_137 {dimension_numbers = #tpu.dot_dimension_numbers<[1], [1], [0], [0], [0, 0, 1, 0], [], []>, precision = #tpu.contract_precision<fp32>, transpose_lhs_hint = false} : vector<1x2048xf32>, vector<32x2048xf32>, vector<1x32xf32> -> vector<1x32xf32>
    %get3A_139 = arith.constant 0 : index
    %get3A_140 = arith.constant 0 : index
    %get3A_141 = vector.load %arg5[%get3A_139, %get3A_140] : memref<1x32xf32, #tpu.memory_space<vmem>>, vector<1x32xf32>
    %add3A_142 = arith.addf %dot_general3A_138, %get3A_141 : vector<1x32xf32>
    %reduce_sum3A_143 = arith.constant dense<0.000000e+00> : vector<1xf32>
    %reduce_sum3A_144 = vector.multi_reduction <add>, %add3A_142, %reduce_sum3A_143 [1] : vector<1x32xf32> to vector<1xf32>
    %broadcast_in_dim3A_145 = vector.shape_cast %reduce_sum3A_144 : vector<1xf32> to vector<1x1xf32>
    %div3A_146 = arith.constant 3.200000e+01 : f32
    %div3A_147 = vector.broadcast %div3A_146 : f32 to vector<1x1xf32>
    %div3A_148 = arith.divf %broadcast_in_dim3A_145, %div3A_147 : vector<1x1xf32>
    %sub3A_149 = vector.broadcast %div3A_148 : vector<1x1xf32> to vector<1x32xf32>
    %sub3A_150 = arith.subf %add3A_142, %sub3A_149 : vector<1x32xf32>
    %integer_pow3A_151 = arith.mulf %sub3A_150, %sub3A_150 : vector<1x32xf32>
    %reduce_sum3A_152 = arith.constant dense<0.000000e+00> : vector<1xf32>
    %reduce_sum3A_153 = vector.multi_reduction <add>, %integer_pow3A_151, %reduce_sum3A_152 [1] : vector<1x32xf32> to vector<1xf32>
    %broadcast_in_dim3A_154 = vector.shape_cast %reduce_sum3A_153 : vector<1xf32> to vector<1x1xf32>
    %div3A_155 = arith.constant 3.200000e+01 : f32
    %div3A_156 = vector.broadcast %div3A_155 : f32 to vector<1x1xf32>
    %div3A_157 = arith.divf %broadcast_in_dim3A_154, %div3A_156 : vector<1x1xf32>
    %sub3A_158 = vector.broadcast %div3A_148 : vector<1x1xf32> to vector<1x32xf32>
    %sub3A_159 = arith.subf %add3A_142, %sub3A_158 : vector<1x32xf32>
    %add3A_160 = arith.constant 9.99999974E-6 : f32
    %add3A_161 = vector.broadcast %add3A_160 : f32 to vector<1x1xf32>
    %add3A_162 = arith.addf %div3A_157, %add3A_161 : vector<1x1xf32>
    %rsqrt3A_163 = math.rsqrt %add3A_162 : vector<1x1xf32>
    %mul3A_164 = vector.broadcast %rsqrt3A_163 : vector<1x1xf32> to vector<1x32xf32>
    %mul3A_165 = arith.mulf %sub3A_159, %mul3A_164 : vector<1x32xf32>
    %get3A_166 = arith.constant 0 : index
    %get3A_167 = arith.constant 0 : index
    %get3A_168 = vector.load %arg6[%get3A_166, %get3A_167] : memref<1x32xf32, #tpu.memory_space<vmem>>, vector<1x32xf32>
    %mul3A_169 = arith.mulf %mul3A_165, %get3A_168 : vector<1x32xf32>
    %get3A_170 = arith.constant 0 : index
    %get3A_171 = arith.constant 0 : index
    %get3A_172 = vector.load %arg7[%get3A_170, %get3A_171] : memref<1x32xf32, #tpu.memory_space<vmem>>, vector<1x32xf32>
    %add3A_173 = arith.addf %mul3A_169, %get3A_172 : vector<1x32xf32>
    %mul3A_174 = arith.constant 5.000000e-01 : f32
    %mul3A_175 = vector.broadcast %mul3A_174 : f32 to vector<1x32xf32>
    %mul3A_176 = arith.mulf %add3A_173, %mul3A_175 : vector<1x32xf32>
    %mul3A_177 = arith.constant 0.707106769 : f32
    %mul3A_178 = vector.broadcast %mul3A_177 : f32 to vector<1x32xf32>
    %mul3A_179 = arith.mulf %add3A_173, %mul3A_178 : vector<1x32xf32>
    %erf3A_180 = math.erf %mul3A_179 : vector<1x32xf32>
    %add3A_181 = arith.constant 1.000000e+00 : f32
    %add3A_182 = vector.broadcast %add3A_181 : f32 to vector<1x32xf32>
    %add3A_183 = arith.addf %add3A_182, %erf3A_180 : vector<1x32xf32>
    %mul3A_184 = arith.mulf %mul3A_176, %add3A_183 : vector<1x32xf32>
    %get3A_185 = arith.constant 0 : index
    %get3A_186 = arith.constant 0 : index
    %get3A_187 = vector.load %arg8[%get3A_185, %get3A_186] : memref<32x64xf32, #tpu.memory_space<vmem>>, vector<32x64xf32>
    %dot_general3A_188 = arith.constant dense<0.000000e+00> : vector<1x64xf32>
    %dot_general3A_189 = tpu.matmul %mul3A_184, %get3A_187, %dot_general3A_188 {dimension_numbers = #tpu.dot_dimension_numbers<[1], [0], [0], [1], [0, 0, 1, 1], [], []>, precision = #tpu.contract_precision<fp32>, transpose_lhs_hint = false} : vector<1x32xf32>, vector<32x64xf32>, vector<1x64xf32> -> vector<1x64xf32>
    %get3A_190 = arith.constant 0 : index
    %get3A_191 = arith.constant 0 : index
    %get3A_192 = vector.load %arg9[%get3A_190, %get3A_191] : memref<1x64xf32, #tpu.memory_space<vmem>>, vector<1x64xf32>
    %add3A_193 = arith.addf %dot_general3A_189, %get3A_192 : vector<1x64xf32>
    %get3A_194 = arith.constant 0 : index
    %get3A_195 = arith.constant 0 : index
    %get3A_196 = vector.load %arg10[%get3A_194, %get3A_195] : memref<1x64xf32, #tpu.memory_space<vmem>>, vector<1x64xf32>
    %add3A_197 = arith.addf %add3A_193, %get3A_196 : vector<1x64xf32>
    %broadcast_in_dim3A_198 = vector.shape_cast %add3A_197 : vector<1x64xf32> to vector<1x64xf32>
    %broadcast_in_dim3A_199 = vector.broadcast %broadcast_in_dim3A_198 : vector<1x64xf32> to vector<64x64xf32>
    %transpose3A_200 = tpu.transpose %add3A_197, [1, 0] : vector<1x64xf32> -> vector<64x1xf32>
    %gt3A_201 = vector.broadcast %transpose3A_200 : vector<64x1xf32> to vector<64x64xf32>
    %gt3A_202 = arith.cmpf ogt, %gt3A_201, %broadcast_in_dim3A_199 : vector<64x64xf32>
    %eq3A_203 = vector.broadcast %transpose3A_200 : vector<64x1xf32> to vector<64x64xf32>
    %eq3A_204 = arith.cmpf oeq, %eq3A_203, %broadcast_in_dim3A_199 : vector<64x64xf32>
    %lt3A_205 = arith.cmpi slt, %iota3A_0, %iota3A : vector<64x64xi32>
    %and3A_206 = arith.andi %eq3A_204, %lt3A_205 : vector<64x64xi1>
    %or3A_207 = arith.ori %gt3A_202, %and3A_206 : vector<64x64xi1>
    %convert_element_type3A_208 = arith.extui %or3A_207 : vector<64x64xi1> to vector<64x64xi32>
    %convert_element_type3A_209 = arith.sitofp %convert_element_type3A_208 : vector<64x64xi32> to vector<64x64xf32>
    %reduce_sum3A_210 = arith.constant dense<0.000000e+00> : vector<64xf32>
    %reduce_sum3A_211 = vector.multi_reduction <add>, %convert_element_type3A_209, %reduce_sum3A_210 [0] : vector<64x64xf32> to vector<64xf32>
    %broadcast_in_dim3A_212 = vector.shape_cast %reduce_sum3A_211 : vector<64xf32> to vector<1x64xf32>
    %lt3A_213 = arith.constant 8.000000e+00 : f32
    %lt3A_214 = vector.broadcast %lt3A_213 : f32 to vector<1x64xf32>
    %lt3A_215 = arith.cmpf olt, %broadcast_in_dim3A_212, %lt3A_214 : vector<1x64xf32>
    %convert_element_type3A_216 = arith.extui %lt3A_215 : vector<1x64xi1> to vector<1x64xi32>
    %convert_element_type3A_217 = arith.sitofp %convert_element_type3A_216 : vector<1x64xi32> to vector<1x64xf32>
    %get3A_218 = arith.constant 0 : index
    %get3A_219 = arith.constant 0 : index
    %get3A_220 = vector.load %arg11[%get3A_218, %get3A_219] : memref<1x64xf32, #tpu.memory_space<vmem>>, vector<1x64xf32>
    %mul3A_221 = arith.mulf %convert_element_type3A_217, %get3A_220 : vector<1x64xf32>
    %get3A_222 = arith.constant 0 : index
    %get3A_223 = arith.constant 0 : index
    %get3A_224 = vector.load %arg3[%get3A_222, %get3A_223] : memref<64x64xf32, #tpu.memory_space<vmem>>, vector<64x64xf32>
    %mul3A_225 = vector.broadcast %mul3A_221 : vector<1x64xf32> to vector<64x64xf32>
    %mul3A_226 = arith.mulf %get3A_224, %mul3A_225 : vector<64x64xf32>
    %get3A_227 = arith.constant 1 : index
    %get3A_228 = arith.constant 0 : index
    %get3A_229 = arith.constant 0 : index
    %get3A_230 = vector.load %arg2[%get3A_227, %get3A_228, %get3A_229] : memref<4x64x2048xf32, #tpu.memory_space<vmem>>, vector<1x64x2048xf32>
    %get3A_231 = vector.shape_cast %get3A_230 : vector<1x64x2048xf32> to vector<64x2048xf32>
    %dot_general3A_232 = arith.constant dense<0.000000e+00> : vector<64x2048xf32>
    %dot_general3A_233 = tpu.matmul %mul3A_226, %get3A_231, %dot_general3A_232 {dimension_numbers = #tpu.dot_dimension_numbers<[1], [0], [0], [1], [0, 0, 1, 1], [], []>, precision = #tpu.contract_precision<fp32>, transpose_lhs_hint = false} : vector<64x64xf32>, vector<64x2048xf32>, vector<64x2048xf32> -> vector<64x2048xf32>
    %swap3A_234 = arith.constant 1 : index
    %swap3A_235 = arith.constant 0 : index
    %swap3A_236 = arith.constant 0 : index
    %swap3A_237 = vector.load %arg12[%swap3A_234, %swap3A_235, %swap3A_236] : memref<4x64x2048xf32, #tpu.memory_space<vmem>>, vector<1x64x2048xf32>
    %swap3A_238 = vector.shape_cast %swap3A_237 : vector<1x64x2048xf32> to vector<64x2048xf32>
    %swap3A_239 = vector.shape_cast %dot_general3A_233 : vector<64x2048xf32> to vector<1x64x2048xf32>
    tpu.vector_store %arg12[%swap3A_234, %swap3A_235, %swap3A_236], %swap3A_239 {strides = array<i32>} : memref<4x64x2048xf32, #tpu.memory_space<vmem>>, vector<1x64x2048xf32>,
    %get3A_240 = arith.constant 2 : index
    %get3A_241 = arith.constant 0 : index
    %get3A_242 = arith.constant 0 : index
    %get3A_243 = vector.load %arg0[%get3A_240, %get3A_241, %get3A_242] : memref<4x8x2048xf32, #tpu.memory_space<vmem>>, vector<1x8x2048xf32>
    %get3A_244 = vector.shape_cast %get3A_243 : vector<1x8x2048xf32> to vector<8x2048xf32>
    %reduce_sum3A_245 = arith.constant dense<0.000000e+00> : vector<2048xf32>
    %reduce_sum3A_246 = vector.multi_reduction <add>, %get3A_244, %reduce_sum3A_245 [0] : vector<8x2048xf32> to vector<2048xf32>
    %broadcast_in_dim3A_247 = vector.shape_cast %reduce_sum3A_246 : vector<2048xf32> to vector<1x2048xf32>
    %get3A_248 = arith.constant 0 : index
    %get3A_249 = arith.constant 2 : index
    %get3A_250 = arith.constant 0 : index
    %get3A_251 = vector.load %arg1[%get3A_248, %get3A_249, %get3A_250] : memref<2x4x2048xf32, #tpu.memory_space<vmem>>, vector<1x1x2048xf32>
    %get3A_252 = vector.shape_cast %get3A_251 : vector<1x1x2048xf32> to vector<1x2048xf32>
    %add3A_253 = arith.addf %broadcast_in_dim3A_247, %get3A_252 : vector<1x2048xf32>
    %get3A_254 = arith.constant 1 : index
    %get3A_255 = arith.constant 2 : index
    %get3A_256 = arith.constant 0 : index
    %get3A_257 = vector.load %arg1[%get3A_254, %get3A_255, %get3A_256] : memref<2x4x2048xf32, #tpu.memory_space<vmem>>, vector<1x1x2048xf32>
    %get3A_258 = vector.shape_cast %get3A_257 : vector<1x1x2048xf32> to vector<1x2048xf32>
    %add3A_259 = arith.addf %add3A_253, %get3A_258 : vector<1x2048xf32>
    %mul3A_260 = arith.constant 4.8828125E-4 : f32
    %mul3A_261 = vector.broadcast %mul3A_260 : f32 to vector<1x2048xf32>
    %mul3A_262 = arith.mulf %add3A_259, %mul3A_261 : vector<1x2048xf32>
    %get3A_263 = arith.constant 0 : index
    %get3A_264 = arith.constant 0 : index
    %get3A_265 = vector.load %arg4[%get3A_263, %get3A_264] : memref<32x2048xf32, #tpu.memory_space<vmem>>, vector<32x2048xf32>
    %dot_general3A_266 = arith.constant dense<0.000000e+00> : vector<1x32xf32>
    %dot_general3A_267 = tpu.matmul %mul3A_262, %get3A_265, %dot_general3A_266 {dimension_numbers = #tpu.dot_dimension_numbers<[1], [1], [0], [0], [0, 0, 1, 0], [], []>, precision = #tpu.contract_precision<fp32>, transpose_lhs_hint = false} : vector<1x2048xf32>, vector<32x2048xf32>, vector<1x32xf32> -> vector<1x32xf32>
    %get3A_268 = arith.constant 0 : index
    %get3A_269 = arith.constant 0 : index
    %get3A_270 = vector.load %arg5[%get3A_268, %get3A_269] : memref<1x32xf32, #tpu.memory_space<vmem>>, vector<1x32xf32>
    %add3A_271 = arith.addf %dot_general3A_267, %get3A_270 : vector<1x32xf32>
    %reduce_sum3A_272 = arith.constant dense<0.000000e+00> : vector<1xf32>
    %reduce_sum3A_273 = vector.multi_reduction <add>, %add3A_271, %reduce_sum3A_272 [1] : vector<1x32xf32> to vector<1xf32>
    %broadcast_in_dim3A_274 = vector.shape_cast %reduce_sum3A_273 : vector<1xf32> to vector<1x1xf32>
    %div3A_275 = arith.constant 3.200000e+01 : f32
    %div3A_276 = vector.broadcast %div3A_275 : f32 to vector<1x1xf32>
    %div3A_277 = arith.divf %broadcast_in_dim3A_274, %div3A_276 : vector<1x1xf32>
    %sub3A_278 = vector.broadcast %div3A_277 : vector<1x1xf32> to vector<1x32xf32>
    %sub3A_279 = arith.subf %add3A_271, %sub3A_278 : vector<1x32xf32>
    %integer_pow3A_280 = arith.mulf %sub3A_279, %sub3A_279 : vector<1x32xf32>
    %reduce_sum3A_281 = arith.constant dense<0.000000e+00> : vector<1xf32>
    %reduce_sum3A_282 = vector.multi_reduction <add>, %integer_pow3A_280, %reduce_sum3A_281 [1] : vector<1x32xf32> to vector<1xf32>
    %broadcast_in_dim3A_283 = vector.shape_cast %reduce_sum3A_282 : vector<1xf32> to vector<1x1xf32>
    %div3A_284 = arith.constant 3.200000e+01 : f32
    %div3A_285 = vector.broadcast %div3A_284 : f32 to vector<1x1xf32>
    %div3A_286 = arith.divf %broadcast_in_dim3A_283, %div3A_285 : vector<1x1xf32>
    %sub3A_287 = vector.broadcast %div3A_277 : vector<1x1xf32> to vector<1x32xf32>
    %sub3A_288 = arith.subf %add3A_271, %sub3A_287 : vector<1x32xf32>
    %add3A_289 = arith.constant 9.99999974E-6 : f32
    %add3A_290 = vector.broadcast %add3A_289 : f32 to vector<1x1xf32>
    %add3A_291 = arith.addf %div3A_286, %add3A_290 : vector<1x1xf32>
    %rsqrt3A_292 = math.rsqrt %add3A_291 : vector<1x1xf32>
    %mul3A_293 = vector.broadcast %rsqrt3A_292 : vector<1x1xf32> to vector<1x32xf32>
    %mul3A_294 = arith.mulf %sub3A_288, %mul3A_293 : vector<1x32xf32>
    %get3A_295 = arith.constant 0 : index
    %get3A_296 = arith.constant 0 : index
    %get3A_297 = vector.load %arg6[%get3A_295, %get3A_296] : memref<1x32xf32, #tpu.memory_space<vmem>>, vector<1x32xf32>
    %mul3A_298 = arith.mulf %mul3A_294, %get3A_297 : vector<1x32xf32>
    %get3A_299 = arith.constant 0 : index
    %get3A_300 = arith.constant 0 : index
    %get3A_301 = vector.load %arg7[%get3A_299, %get3A_300] : memref<1x32xf32, #tpu.memory_space<vmem>>, vector<1x32xf32>
    %add3A_302 = arith.addf %mul3A_298, %get3A_301 : vector<1x32xf32>
    %mul3A_303 = arith.constant 5.000000e-01 : f32
    %mul3A_304 = vector.broadcast %mul3A_303 : f32 to vector<1x32xf32>
    %mul3A_305 = arith.mulf %add3A_302, %mul3A_304 : vector<1x32xf32>
    %mul3A_306 = arith.constant 0.707106769 : f32
    %mul3A_307 = vector.broadcast %mul3A_306 : f32 to vector<1x32xf32>
    %mul3A_308 = arith.mulf %add3A_302, %mul3A_307 : vector<1x32xf32>
    %erf3A_309 = math.erf %mul3A_308 : vector<1x32xf32>
    %add3A_310 = arith.constant 1.000000e+00 : f32
    %add3A_311 = vector.broadcast %add3A_310 : f32 to vector<1x32xf32>
    %add3A_312 = arith.addf %add3A_311, %erf3A_309 : vector<1x32xf32>
    %mul3A_313 = arith.mulf %mul3A_305, %add3A_312 : vector<1x32xf32>
    %get3A_314 = arith.constant 0 : index
    %get3A_315 = arith.constant 0 : index
    %get3A_316 = vector.load %arg8[%get3A_314, %get3A_315] : memref<32x64xf32, #tpu.memory_space<vmem>>, vector<32x64xf32>
    %dot_general3A_317 = arith.constant dense<0.000000e+00> : vector<1x64xf32>
    %dot_general3A_318 = tpu.matmul %mul3A_313, %get3A_316, %dot_general3A_317 {dimension_numbers = #tpu.dot_dimension_numbers<[1], [0], [0], [1], [0, 0, 1, 1], [], []>, precision = #tpu.contract_precision<fp32>, transpose_lhs_hint = false} : vector<1x32xf32>, vector<32x64xf32>, vector<1x64xf32> -> vector<1x64xf32>
    %get3A_319 = arith.constant 0 : index
    %get3A_320 = arith.constant 0 : index
    %get3A_321 = vector.load %arg9[%get3A_319, %get3A_320] : memref<1x64xf32, #tpu.memory_space<vmem>>, vector<1x64xf32>
    %add3A_322 = arith.addf %dot_general3A_318, %get3A_321 : vector<1x64xf32>
    %get3A_323 = arith.constant 0 : index
    %get3A_324 = arith.constant 0 : index
    %get3A_325 = vector.load %arg10[%get3A_323, %get3A_324] : memref<1x64xf32, #tpu.memory_space<vmem>>, vector<1x64xf32>
    %add3A_326 = arith.addf %add3A_322, %get3A_325 : vector<1x64xf32>
    %broadcast_in_dim3A_327 = vector.shape_cast %add3A_326 : vector<1x64xf32> to vector<1x64xf32>
    %broadcast_in_dim3A_328 = vector.broadcast %broadcast_in_dim3A_327 : vector<1x64xf32> to vector<64x64xf32>
    %transpose3A_329 = tpu.transpose %add3A_326, [1, 0] : vector<1x64xf32> -> vector<64x1xf32>
    %gt3A_330 = vector.broadcast %transpose3A_329 : vector<64x1xf32> to vector<64x64xf32>
    %gt3A_331 = arith.cmpf ogt, %gt3A_330, %broadcast_in_dim3A_328 : vector<64x64xf32>
    %eq3A_332 = vector.broadcast %transpose3A_329 : vector<64x1xf32> to vector<64x64xf32>
    %eq3A_333 = arith.cmpf oeq, %eq3A_332, %broadcast_in_dim3A_328 : vector<64x64xf32>
    %lt3A_334 = arith.cmpi slt, %iota3A_0, %iota3A : vector<64x64xi32>
    %and3A_335 = arith.andi %eq3A_333, %lt3A_334 : vector<64x64xi1>
    %or3A_336 = arith.ori %gt3A_331, %and3A_335 : vector<64x64xi1>
    %convert_element_type3A_337 = arith.extui %or3A_336 : vector<64x64xi1> to vector<64x64xi32>
    %convert_element_type3A_338 = arith.sitofp %convert_element_type3A_337 : vector<64x64xi32> to vector<64x64xf32>
    %reduce_sum3A_339 = arith.constant dense<0.000000e+00> : vector<64xf32>
    %reduce_sum3A_340 = vector.multi_reduction <add>, %convert_element_type3A_338, %reduce_sum3A_339 [0] : vector<64x64xf32> to vector<64xf32>
    %broadcast_in_dim3A_341 = vector.shape_cast %reduce_sum3A_340 : vector<64xf32> to vector<1x64xf32>
    %lt3A_342 = arith.constant 8.000000e+00 : f32
    %lt3A_343 = vector.broadcast %lt3A_342 : f32 to vector<1x64xf32>
    %lt3A_344 = arith.cmpf olt, %broadcast_in_dim3A_341, %lt3A_343 : vector<1x64xf32>
    %convert_element_type3A_345 = arith.extui %lt3A_344 : vector<1x64xi1> to vector<1x64xi32>
    %convert_element_type3A_346 = arith.sitofp %convert_element_type3A_345 : vector<1x64xi32> to vector<1x64xf32>
    %get3A_347 = arith.constant 0 : index
    %get3A_348 = arith.constant 0 : index
    %get3A_349 = vector.load %arg11[%get3A_347, %get3A_348] : memref<1x64xf32, #tpu.memory_space<vmem>>, vector<1x64xf32>
    %mul3A_350 = arith.mulf %convert_element_type3A_346, %get3A_349 : vector<1x64xf32>
    %get3A_351 = arith.constant 0 : index
    %get3A_352 = arith.constant 0 : index
    %get3A_353 = vector.load %arg3[%get3A_351, %get3A_352] : memref<64x64xf32, #tpu.memory_space<vmem>>, vector<64x64xf32>
    %mul3A_354 = vector.broadcast %mul3A_350 : vector<1x64xf32> to vector<64x64xf32>
    %mul3A_355 = arith.mulf %get3A_353, %mul3A_354 : vector<64x64xf32>
    %get3A_356 = arith.constant 2 : index
    %get3A_357 = arith.constant 0 : index
    %get3A_358 = arith.constant 0 : index
    %get3A_359 = vector.load %arg2[%get3A_356, %get3A_357, %get3A_358] : memref<4x64x2048xf32, #tpu.memory_space<vmem>>, vector<1x64x2048xf32>
    %get3A_360 = vector.shape_cast %get3A_359 : vector<1x64x2048xf32> to vector<64x2048xf32>
    %dot_general3A_361 = arith.constant dense<0.000000e+00> : vector<64x2048xf32>
    %dot_general3A_362 = tpu.matmul %mul3A_355, %get3A_360, %dot_general3A_361 {dimension_numbers = #tpu.dot_dimension_numbers<[1], [0], [0], [1], [0, 0, 1, 1], [], []>, precision = #tpu.contract_precision<fp32>, transpose_lhs_hint = false} : vector<64x64xf32>, vector<64x2048xf32>, vector<64x2048xf32> -> vector<64x2048xf32>
    %swap3A_363 = arith.constant 2 : index
    %swap3A_364 = arith.constant 0 : index
    %swap3A_365 = arith.constant 0 : index
    %swap3A_366 = vector.load %arg12[%swap3A_363, %swap3A_364, %swap3A_365] : memref<4x64x2048xf32, #tpu.memory_space<vmem>>, vector<1x64x2048xf32>
    %swap3A_367 = vector.shape_cast %swap3A_366 : vector<1x64x2048xf32> to vector<64x2048xf32>
    %swap3A_368 = vector.shape_cast %dot_general3A_362 : vector<64x2048xf32> to vector<1x64x2048xf32>
    tpu.vector_store %arg12[%swap3A_363, %swap3A_364, %swap3A_365], %swap3A_368 {strides = array<i32>} : memref<4x64x2048xf32, #tpu.memory_space<vmem>>, vector<1x64x2048xf32>,
    %get3A_369 = arith.constant 3 : index
    %get3A_370 = arith.constant 0 : index
    %get3A_371 = arith.constant 0 : index
    %get3A_372 = vector.load %arg0[%get3A_369, %get3A_370, %get3A_371] : memref<4x8x2048xf32, #tpu.memory_space<vmem>>, vector<1x8x2048xf32>
    %get3A_373 = vector.shape_cast %get3A_372 : vector<1x8x2048xf32> to vector<8x2048xf32>
    %reduce_sum3A_374 = arith.constant dense<0.000000e+00> : vector<2048xf32>
    %reduce_sum3A_375 = vector.multi_reduction <add>, %get3A_373, %reduce_sum3A_374 [0] : vector<8x2048xf32> to vector<2048xf32>
    %broadcast_in_dim3A_376 = vector.shape_cast %reduce_sum3A_375 : vector<2048xf32> to vector<1x2048xf32>
    %get3A_377 = arith.constant 0 : index
    %get3A_378 = arith.constant 3 : index
    %get3A_379 = arith.constant 0 : index
    %get3A_380 = vector.load %arg1[%get3A_377, %get3A_378, %get3A_379] : memref<2x4x2048xf32, #tpu.memory_space<vmem>>, vector<1x1x2048xf32>
    %get3A_381 = vector.shape_cast %get3A_380 : vector<1x1x2048xf32> to vector<1x2048xf32>
    %add3A_382 = arith.addf %broadcast_in_dim3A_376, %get3A_381 : vector<1x2048xf32>
    %get3A_383 = arith.constant 1 : index
    %get3A_384 = arith.constant 3 : index
    %get3A_385 = arith.constant 0 : index
    %get3A_386 = vector.load %arg1[%get3A_383, %get3A_384, %get3A_385] : memref<2x4x2048xf32, #tpu.memory_space<vmem>>, vector<1x1x2048xf32>
    %get3A_387 = vector.shape_cast %get3A_386 : vector<1x1x2048xf32> to vector<1x2048xf32>
    %add3A_388 = arith.addf %add3A_382, %get3A_387 : vector<1x2048xf32>
    %mul3A_389 = arith.constant 4.8828125E-4 : f32
    %mul3A_390 = vector.broadcast %mul3A_389 : f32 to vector<1x2048xf32>
    %mul3A_391 = arith.mulf %add3A_388, %mul3A_390 : vector<1x2048xf32>
    %get3A_392 = arith.constant 0 : index
    %get3A_393 = arith.constant 0 : index
    %get3A_394 = vector.load %arg4[%get3A_392, %get3A_393] : memref<32x2048xf32, #tpu.memory_space<vmem>>, vector<32x2048xf32>
    %dot_general3A_395 = arith.constant dense<0.000000e+00> : vector<1x32xf32>
    %dot_general3A_396 = tpu.matmul %mul3A_391, %get3A_394, %dot_general3A_395 {dimension_numbers = #tpu.dot_dimension_numbers<[1], [1], [0], [0], [0, 0, 1, 0], [], []>, precision = #tpu.contract_precision<fp32>, transpose_lhs_hint = false} : vector<1x2048xf32>, vector<32x2048xf32>, vector<1x32xf32> -> vector<1x32xf32>
    %get3A_397 = arith.constant 0 : index
    %get3A_398 = arith.constant 0 : index
    %get3A_399 = vector.load %arg5[%get3A_397, %get3A_398] : memref<1x32xf32, #tpu.memory_space<vmem>>, vector<1x32xf32>
    %add3A_400 = arith.addf %dot_general3A_396, %get3A_399 : vector<1x32xf32>
    %reduce_sum3A_401 = arith.constant dense<0.000000e+00> : vector<1xf32>
    %reduce_sum3A_402 = vector.multi_reduction <add>, %add3A_400, %reduce_sum3A_401 [1] : vector<1x32xf32> to vector<1xf32>
    %broadcast_in_dim3A_403 = vector.shape_cast %reduce_sum3A_402 : vector<1xf32> to vector<1x1xf32>
    %div3A_404 = arith.constant 3.200000e+01 : f32
    %div3A_405 = vector.broadcast %div3A_404 : f32 to vector<1x1xf32>
    %div3A_406 = arith.divf %broadcast_in_dim3A_403, %div3A_405 : vector<1x1xf32>
    %sub3A_407 = vector.broadcast %div3A_406 : vector<1x1xf32> to vector<1x32xf32>
    %sub3A_408 = arith.subf %add3A_400, %sub3A_407 : vector<1x32xf32>
    %integer_pow3A_409 = arith.mulf %sub3A_408, %sub3A_408 : vector<1x32xf32>
    %reduce_sum3A_410 = arith.constant dense<0.000000e+00> : vector<1xf32>
    %reduce_sum3A_411 = vector.multi_reduction <add>, %integer_pow3A_409, %reduce_sum3A_410 [1] : vector<1x32xf32> to vector<1xf32>
    %broadcast_in_dim3A_412 = vector.shape_cast %reduce_sum3A_411 : vector<1xf32> to vector<1x1xf32>
    %div3A_413 = arith.constant 3.200000e+01 : f32
    %div3A_414 = vector.broadcast %div3A_413 : f32 to vector<1x1xf32>
    %div3A_415 = arith.divf %broadcast_in_dim3A_412, %div3A_414 : vector<1x1xf32>
    %sub3A_416 = vector.broadcast %div3A_406 : vector<1x1xf32> to vector<1x32xf32>
    %sub3A_417 = arith.subf %add3A_400, %sub3A_416 : vector<1x32xf32>
    %add3A_418 = arith.constant 9.99999974E-6 : f32
    %add3A_419 = vector.broadcast %add3A_418 : f32 to vector<1x1xf32>
    %add3A_420 = arith.addf %div3A_415, %add3A_419 : vector<1x1xf32>
    %rsqrt3A_421 = math.rsqrt %add3A_420 : vector<1x1xf32>
    %mul3A_422 = vector.broadcast %rsqrt3A_421 : vector<1x1xf32> to vector<1x32xf32>
    %mul3A_423 = arith.mulf %sub3A_417, %mul3A_422 : vector<1x32xf32>
    %get3A_424 = arith.constant 0 : index
    %get3A_425 = arith.constant 0 : index
    %get3A_426 = vector.load %arg6[%get3A_424, %get3A_425] : memref<1x32xf32, #tpu.memory_space<vmem>>, vector<1x32xf32>
    %mul3A_427 = arith.mulf %mul3A_423, %get3A_426 : vector<1x32xf32>
    %get3A_428 = arith.constant 0 : index
    %get3A_429 = arith.constant 0 : index
    %get3A_430 = vector.load %arg7[%get3A_428, %get3A_429] : memref<1x32xf32, #tpu.memory_space<vmem>>, vector<1x32xf32>
    %add3A_431 = arith.addf %mul3A_427, %get3A_430 : vector<1x32xf32>
    %mul3A_432 = arith.constant 5.000000e-01 : f32
    %mul3A_433 = vector.broadcast %mul3A_432 : f32 to vector<1x32xf32>
    %mul3A_434 = arith.mulf %add3A_431, %mul3A_433 : vector<1x32xf32>
    %mul3A_435 = arith.constant 0.707106769 : f32
    %mul3A_436 = vector.broadcast %mul3A_435 : f32 to vector<1x32xf32>
    %mul3A_437 = arith.mulf %add3A_431, %mul3A_436 : vector<1x32xf32>
    %erf3A_438 = math.erf %mul3A_437 : vector<1x32xf32>
    %add3A_439 = arith.constant 1.000000e+00 : f32
    %add3A_440 = vector.broadcast %add3A_439 : f32 to vector<1x32xf32>
    %add3A_441 = arith.addf %add3A_440, %erf3A_438 : vector<1x32xf32>
    %mul3A_442 = arith.mulf %mul3A_434, %add3A_441 : vector<1x32xf32>
    %get3A_443 = arith.constant 0 : index
    %get3A_444 = arith.constant 0 : index
    %get3A_445 = vector.load %arg8[%get3A_443, %get3A_444] : memref<32x64xf32, #tpu.memory_space<vmem>>, vector<32x64xf32>
    %dot_general3A_446 = arith.constant dense<0.000000e+00> : vector<1x64xf32>
    %dot_general3A_447 = tpu.matmul %mul3A_442, %get3A_445, %dot_general3A_446 {dimension_numbers = #tpu.dot_dimension_numbers<[1], [0], [0], [1], [0, 0, 1, 1], [], []>, precision = #tpu.contract_precision<fp32>, transpose_lhs_hint = false} : vector<1x32xf32>, vector<32x64xf32>, vector<1x64xf32> -> vector<1x64xf32>
    %get3A_448 = arith.constant 0 : index
    %get3A_449 = arith.constant 0 : index
    %get3A_450 = vector.load %arg9[%get3A_448, %get3A_449] : memref<1x64xf32, #tpu.memory_space<vmem>>, vector<1x64xf32>
    %add3A_451 = arith.addf %dot_general3A_447, %get3A_450 : vector<1x64xf32>
    %get3A_452 = arith.constant 0 : index
    %get3A_453 = arith.constant 0 : index
    %get3A_454 = vector.load %arg10[%get3A_452, %get3A_453] : memref<1x64xf32, #tpu.memory_space<vmem>>, vector<1x64xf32>
    %add3A_455 = arith.addf %add3A_451, %get3A_454 : vector<1x64xf32>
    %broadcast_in_dim3A_456 = vector.shape_cast %add3A_455 : vector<1x64xf32> to vector<1x64xf32>
    %broadcast_in_dim3A_457 = vector.broadcast %broadcast_in_dim3A_456 : vector<1x64xf32> to vector<64x64xf32>
    %transpose3A_458 = tpu.transpose %add3A_455, [1, 0] : vector<1x64xf32> -> vector<64x1xf32>
    %gt3A_459 = vector.broadcast %transpose3A_458 : vector<64x1xf32> to vector<64x64xf32>
    %gt3A_460 = arith.cmpf ogt, %gt3A_459, %broadcast_in_dim3A_457 : vector<64x64xf32>
    %eq3A_461 = vector.broadcast %transpose3A_458 : vector<64x1xf32> to vector<64x64xf32>
    %eq3A_462 = arith.cmpf oeq, %eq3A_461, %broadcast_in_dim3A_457 : vector<64x64xf32>
    %lt3A_463 = arith.cmpi slt, %iota3A_0, %iota3A : vector<64x64xi32>
    %and3A_464 = arith.andi %eq3A_462, %lt3A_463 : vector<64x64xi1>
    %or3A_465 = arith.ori %gt3A_460, %and3A_464 : vector<64x64xi1>
    %convert_element_type3A_466 = arith.extui %or3A_465 : vector<64x64xi1> to vector<64x64xi32>
    %convert_element_type3A_467 = arith.sitofp %convert_element_type3A_466 : vector<64x64xi32> to vector<64x64xf32>
    %reduce_sum3A_468 = arith.constant dense<0.000000e+00> : vector<64xf32>
    %reduce_sum3A_469 = vector.multi_reduction <add>, %convert_element_type3A_467, %reduce_sum3A_468 [0] : vector<64x64xf32> to vector<64xf32>
    %broadcast_in_dim3A_470 = vector.shape_cast %reduce_sum3A_469 : vector<64xf32> to vector<1x64xf32>
    %lt3A_471 = arith.constant 8.000000e+00 : f32
    %lt3A_472 = vector.broadcast %lt3A_471 : f32 to vector<1x64xf32>
    %lt3A_473 = arith.cmpf olt, %broadcast_in_dim3A_470, %lt3A_472 : vector<1x64xf32>
    %convert_element_type3A_474 = arith.extui %lt3A_473 : vector<1x64xi1> to vector<1x64xi32>
    %convert_element_type3A_475 = arith.sitofp %convert_element_type3A_474 : vector<1x64xi32> to vector<1x64xf32>
    %get3A_476 = arith.constant 0 : index
    %get3A_477 = arith.constant 0 : index
    %get3A_478 = vector.load %arg11[%get3A_476, %get3A_477] : memref<1x64xf32, #tpu.memory_space<vmem>>, vector<1x64xf32>
    %mul3A_479 = arith.mulf %convert_element_type3A_475, %get3A_478 : vector<1x64xf32>
    %get3A_480 = arith.constant 0 : index
    %get3A_481 = arith.constant 0 : index
    %get3A_482 = vector.load %arg3[%get3A_480, %get3A_481] : memref<64x64xf32, #tpu.memory_space<vmem>>, vector<64x64xf32>
    %mul3A_483 = vector.broadcast %mul3A_479 : vector<1x64xf32> to vector<64x64xf32>
    %mul3A_484 = arith.mulf %get3A_482, %mul3A_483 : vector<64x64xf32>
    %get3A_485 = arith.constant 3 : index
    %get3A_486 = arith.constant 0 : index
    %get3A_487 = arith.constant 0 : index
    %get3A_488 = vector.load %arg2[%get3A_485, %get3A_486, %get3A_487] : memref<4x64x2048xf32, #tpu.memory_space<vmem>>, vector<1x64x2048xf32>
    %get3A_489 = vector.shape_cast %get3A_488 : vector<1x64x2048xf32> to vector<64x2048xf32>
    %dot_general3A_490 = arith.constant dense<0.000000e+00> : vector<64x2048xf32>
    %dot_general3A_491 = tpu.matmul %mul3A_484, %get3A_489, %dot_general3A_490 {dimension_numbers = #tpu.dot_dimension_numbers<[1], [0], [0], [1], [0, 0, 1, 1], [], []>, precision = #tpu.contract_precision<fp32>, transpose_lhs_hint = false} : vector<64x64xf32>, vector<64x2048xf32>, vector<64x2048xf32> -> vector<64x2048xf32>
    %swap3A_492 = arith.constant 3 : index
    %swap3A_493 = arith.constant 0 : index
    %swap3A_494 = arith.constant 0 : index
    %swap3A_495 = vector.load %arg12[%swap3A_492, %swap3A_493, %swap3A_494] : memref<4x64x2048xf32, #tpu.memory_space<vmem>>, vector<1x64x2048xf32>
    %swap3A_496 = vector.shape_cast %swap3A_495 : vector<1x64x2048xf32> to vector<64x2048xf32>
    %swap3A_497 = vector.shape_cast %dot_general3A_491 : vector<64x2048xf32> to vector<1x64x2048xf32>
    tpu.vector_store %arg12[%swap3A_492, %swap3A_493, %swap3A_494], %swap3A_497 {strides = array<i32>} : memref<4x64x2048xf32, #tpu.memory_space<vmem>>, vector<1x64x2048xf32>,
    return
  }
}

module attributes {stable_mosaic.version = 14 : i64} {
  func.func @_stream_kernel(%arg0: memref<4x2048x2048xf32, #tpu.memory_space<any>>, %arg1: memref<4x8x2048xf32, #tpu.memory_space<vmem>>, %arg2: memref<12x256x2048xf32, #tpu.memory_space<vmem>>, %arg3: memref<12x!tpu.dma_semaphore, #tpu.memory_space<semaphore_mem>>) attributes {dimension_semantics = [], scalar_prefetch = 0 : i64, scratch_operands = 2 : i64, tpu.core_type = #tpu.core_type<tc>} {
    %dma_start3A = arith.constant 0 : i32
    %dma_start3A_0 = arith.constant 0 : i32
    %dma_start3A_1 = arith.constant 0 : i32
    %dma_start3A_2 = tpu.memref_slice %arg3[%dma_start3A_1] : memref<12x!tpu.dma_semaphore, #tpu.memory_space<semaphore_mem>> -> memref<1x!tpu.dma_semaphore, #tpu.memory_space<semaphore_mem>>
    %dma_start3A_3 = tpu.memref_squeeze %dma_start3A_2 : memref<1x!tpu.dma_semaphore, #tpu.memory_space<semaphore_mem>> -> memref<!tpu.dma_semaphore, #tpu.memory_space<semaphore_mem>>
    %dma_start3A_4 = arith.constant 0 : i32
    %dma_start3A_5 = arith.constant 0 : i32
    %dma_start3A_6 = tpu.memref_slice %arg2[%dma_start3A_0, %dma_start3A_4, %dma_start3A_5] : memref<12x256x2048xf32, #tpu.memory_space<vmem>> -> memref<1x256x2048xf32, #tpu.memory_space<vmem>>
    %dma_start3A_7 = tpu.memref_squeeze %dma_start3A_6 : memref<1x256x2048xf32, #tpu.memory_space<vmem>> -> memref<256x2048xf32, #tpu.memory_space<vmem>>
    %dma_start3A_8 = arith.constant 0 : i32
    %dma_start3A_9 = arith.constant 0 : i32
    %dma_start3A_10 = tpu.memref_slice %arg0[%dma_start3A, %dma_start3A_8, %dma_start3A_9] : memref<4x2048x2048xf32, #tpu.memory_space<any>> -> memref<1x256x2048xf32, #tpu.memory_space<any>>
    %dma_start3A_11 = tpu.memref_squeeze %dma_start3A_10 : memref<1x256x2048xf32, #tpu.memory_space<any>> -> memref<256x2048xf32, #tpu.memory_space<any>>
    tpu.enqueue_dma source(%dma_start3A_11 : memref<256x2048xf32, #tpu.memory_space<any>>) target(%dma_start3A_7 : memref<256x2048xf32, #tpu.memory_space<vmem>>) target_semaphore(%dma_start3A_3 : memref<!tpu.dma_semaphore, #tpu.memory_space<semaphore_mem>>)
    %dma_start3A_12 = arith.constant 0 : i32
    %dma_start3A_13 = arith.constant 1 : i32
    %dma_start3A_14 = arith.constant 1 : i32
    %dma_start3A_15 = tpu.memref_slice %arg3[%dma_start3A_14] : memref<12x!tpu.dma_semaphore, #tpu.memory_space<semaphore_mem>> -> memref<1x!tpu.dma_semaphore, #tpu.memory_space<semaphore_mem>>
    %dma_start3A_16 = tpu.memref_squeeze %dma_start3A_15 : memref<1x!tpu.dma_semaphore, #tpu.memory_space<semaphore_mem>> -> memref<!tpu.dma_semaphore, #tpu.memory_space<semaphore_mem>>
    %dma_start3A_17 = arith.constant 0 : i32
    %dma_start3A_18 = arith.constant 0 : i32
    %dma_start3A_19 = tpu.memref_slice %arg2[%dma_start3A_13, %dma_start3A_17, %dma_start3A_18] : memref<12x256x2048xf32, #tpu.memory_space<vmem>> -> memref<1x256x2048xf32, #tpu.memory_space<vmem>>
    %dma_start3A_20 = tpu.memref_squeeze %dma_start3A_19 : memref<1x256x2048xf32, #tpu.memory_space<vmem>> -> memref<256x2048xf32, #tpu.memory_space<vmem>>
    %dma_start3A_21 = arith.constant 256 : i32
    %dma_start3A_22 = arith.constant 0 : i32
    %dma_start3A_23 = tpu.memref_slice %arg0[%dma_start3A_12, %dma_start3A_21, %dma_start3A_22] : memref<4x2048x2048xf32, #tpu.memory_space<any>> -> memref<1x256x2048xf32, #tpu.memory_space<any>>
    %dma_start3A_24 = tpu.memref_squeeze %dma_start3A_23 : memref<1x256x2048xf32, #tpu.memory_space<any>> -> memref<256x2048xf32, #tpu.memory_space<any>>
    tpu.enqueue_dma source(%dma_start3A_24 : memref<256x2048xf32, #tpu.memory_space<any>>) target(%dma_start3A_20 : memref<256x2048xf32, #tpu.memory_space<vmem>>) target_semaphore(%dma_start3A_16 : memref<!tpu.dma_semaphore, #tpu.memory_space<semaphore_mem>>)
    %dma_start3A_25 = arith.constant 0 : i32
    %dma_start3A_26 = arith.constant 2 : i32
    %dma_start3A_27 = arith.constant 2 : i32
    %dma_start3A_28 = tpu.memref_slice %arg3[%dma_start3A_27] : memref<12x!tpu.dma_semaphore, #tpu.memory_space<semaphore_mem>> -> memref<1x!tpu.dma_semaphore, #tpu.memory_space<semaphore_mem>>
    %dma_start3A_29 = tpu.memref_squeeze %dma_start3A_28 : memref<1x!tpu.dma_semaphore, #tpu.memory_space<semaphore_mem>> -> memref<!tpu.dma_semaphore, #tpu.memory_space<semaphore_mem>>
    %dma_start3A_30 = arith.constant 0 : i32
    %dma_start3A_31 = arith.constant 0 : i32
    %dma_start3A_32 = tpu.memref_slice %arg2[%dma_start3A_26, %dma_start3A_30, %dma_start3A_31] : memref<12x256x2048xf32, #tpu.memory_space<vmem>> -> memref<1x256x2048xf32, #tpu.memory_space<vmem>>
    %dma_start3A_33 = tpu.memref_squeeze %dma_start3A_32 : memref<1x256x2048xf32, #tpu.memory_space<vmem>> -> memref<256x2048xf32, #tpu.memory_space<vmem>>
    %dma_start3A_34 = arith.constant 512 : i32
    %dma_start3A_35 = arith.constant 0 : i32
    %dma_start3A_36 = tpu.memref_slice %arg0[%dma_start3A_25, %dma_start3A_34, %dma_start3A_35] : memref<4x2048x2048xf32, #tpu.memory_space<any>> -> memref<1x256x2048xf32, #tpu.memory_space<any>>
    %dma_start3A_37 = tpu.memref_squeeze %dma_start3A_36 : memref<1x256x2048xf32, #tpu.memory_space<any>> -> memref<256x2048xf32, #tpu.memory_space<any>>
    tpu.enqueue_dma source(%dma_start3A_37 : memref<256x2048xf32, #tpu.memory_space<any>>) target(%dma_start3A_33 : memref<256x2048xf32, #tpu.memory_space<vmem>>) target_semaphore(%dma_start3A_29 : memref<!tpu.dma_semaphore, #tpu.memory_space<semaphore_mem>>)
    %dma_start3A_38 = arith.constant 0 : i32
    %dma_start3A_39 = arith.constant 3 : i32
    %dma_start3A_40 = arith.constant 3 : i32
    %dma_start3A_41 = tpu.memref_slice %arg3[%dma_start3A_40] : memref<12x!tpu.dma_semaphore, #tpu.memory_space<semaphore_mem>> -> memref<1x!tpu.dma_semaphore, #tpu.memory_space<semaphore_mem>>
    %dma_start3A_42 = tpu.memref_squeeze %dma_start3A_41 : memref<1x!tpu.dma_semaphore, #tpu.memory_space<semaphore_mem>> -> memref<!tpu.dma_semaphore, #tpu.memory_space<semaphore_mem>>
    %dma_start3A_43 = arith.constant 0 : i32
    %dma_start3A_44 = arith.constant 0 : i32
    %dma_start3A_45 = tpu.memref_slice %arg2[%dma_start3A_39, %dma_start3A_43, %dma_start3A_44] : memref<12x256x2048xf32, #tpu.memory_space<vmem>> -> memref<1x256x2048xf32, #tpu.memory_space<vmem>>
    %dma_start3A_46 = tpu.memref_squeeze %dma_start3A_45 : memref<1x256x2048xf32, #tpu.memory_space<vmem>> -> memref<256x2048xf32, #tpu.memory_space<vmem>>
    %dma_start3A_47 = arith.constant 768 : i32
    %dma_start3A_48 = arith.constant 0 : i32
    %dma_start3A_49 = tpu.memref_slice %arg0[%dma_start3A_38, %dma_start3A_47, %dma_start3A_48] : memref<4x2048x2048xf32, #tpu.memory_space<any>> -> memref<1x256x2048xf32, #tpu.memory_space<any>>
    %dma_start3A_50 = tpu.memref_squeeze %dma_start3A_49 : memref<1x256x2048xf32, #tpu.memory_space<any>> -> memref<256x2048xf32, #tpu.memory_space<any>>
    tpu.enqueue_dma source(%dma_start3A_50 : memref<256x2048xf32, #tpu.memory_space<any>>) target(%dma_start3A_46 : memref<256x2048xf32, #tpu.memory_space<vmem>>) target_semaphore(%dma_start3A_42 : memref<!tpu.dma_semaphore, #tpu.memory_space<semaphore_mem>>)
    %dma_start3A_51 = arith.constant 0 : i32
    %dma_start3A_52 = arith.constant 4 : i32
    %dma_start3A_53 = arith.constant 4 : i32
    %dma_start3A_54 = tpu.memref_slice %arg3[%dma_start3A_53] : memref<12x!tpu.dma_semaphore, #tpu.memory_space<semaphore_mem>> -> memref<1x!tpu.dma_semaphore, #tpu.memory_space<semaphore_mem>>
    %dma_start3A_55 = tpu.memref_squeeze %dma_start3A_54 : memref<1x!tpu.dma_semaphore, #tpu.memory_space<semaphore_mem>> -> memref<!tpu.dma_semaphore, #tpu.memory_space<semaphore_mem>>
    %dma_start3A_56 = arith.constant 0 : i32
    %dma_start3A_57 = arith.constant 0 : i32
    %dma_start3A_58 = tpu.memref_slice %arg2[%dma_start3A_52, %dma_start3A_56, %dma_start3A_57] : memref<12x256x2048xf32, #tpu.memory_space<vmem>> -> memref<1x256x2048xf32, #tpu.memory_space<vmem>>
    %dma_start3A_59 = tpu.memref_squeeze %dma_start3A_58 : memref<1x256x2048xf32, #tpu.memory_space<vmem>> -> memref<256x2048xf32, #tpu.memory_space<vmem>>
    %dma_start3A_60 = arith.constant 1024 : i32
    %dma_start3A_61 = arith.constant 0 : i32
    %dma_start3A_62 = tpu.memref_slice %arg0[%dma_start3A_51, %dma_start3A_60, %dma_start3A_61] : memref<4x2048x2048xf32, #tpu.memory_space<any>> -> memref<1x256x2048xf32, #tpu.memory_space<any>>
    %dma_start3A_63 = tpu.memref_squeeze %dma_start3A_62 : memref<1x256x2048xf32, #tpu.memory_space<any>> -> memref<256x2048xf32, #tpu.memory_space<any>>
    tpu.enqueue_dma source(%dma_start3A_63 : memref<256x2048xf32, #tpu.memory_space<any>>) target(%dma_start3A_59 : memref<256x2048xf32, #tpu.memory_space<vmem>>) target_semaphore(%dma_start3A_55 : memref<!tpu.dma_semaphore, #tpu.memory_space<semaphore_mem>>)
    %dma_start3A_64 = arith.constant 0 : i32
    %dma_start3A_65 = arith.constant 5 : i32
    %dma_start3A_66 = arith.constant 5 : i32
    %dma_start3A_67 = tpu.memref_slice %arg3[%dma_start3A_66] : memref<12x!tpu.dma_semaphore, #tpu.memory_space<semaphore_mem>> -> memref<1x!tpu.dma_semaphore, #tpu.memory_space<semaphore_mem>>
    %dma_start3A_68 = tpu.memref_squeeze %dma_start3A_67 : memref<1x!tpu.dma_semaphore, #tpu.memory_space<semaphore_mem>> -> memref<!tpu.dma_semaphore, #tpu.memory_space<semaphore_mem>>
    %dma_start3A_69 = arith.constant 0 : i32
    %dma_start3A_70 = arith.constant 0 : i32
    %dma_start3A_71 = tpu.memref_slice %arg2[%dma_start3A_65, %dma_start3A_69, %dma_start3A_70] : memref<12x256x2048xf32, #tpu.memory_space<vmem>> -> memref<1x256x2048xf32, #tpu.memory_space<vmem>>
    %dma_start3A_72 = tpu.memref_squeeze %dma_start3A_71 : memref<1x256x2048xf32, #tpu.memory_space<vmem>> -> memref<256x2048xf32, #tpu.memory_space<vmem>>
    %dma_start3A_73 = arith.constant 1280 : i32
    %dma_start3A_74 = arith.constant 0 : i32
    %dma_start3A_75 = tpu.memref_slice %arg0[%dma_start3A_64, %dma_start3A_73, %dma_start3A_74] : memref<4x2048x2048xf32, #tpu.memory_space<any>> -> memref<1x256x2048xf32, #tpu.memory_space<any>>
    %dma_start3A_76 = tpu.memref_squeeze %dma_start3A_75 : memref<1x256x2048xf32, #tpu.memory_space<any>> -> memref<256x2048xf32, #tpu.memory_space<any>>
    tpu.enqueue_dma source(%dma_start3A_76 : memref<256x2048xf32, #tpu.memory_space<any>>) target(%dma_start3A_72 : memref<256x2048xf32, #tpu.memory_space<vmem>>) target_semaphore(%dma_start3A_68 : memref<!tpu.dma_semaphore, #tpu.memory_space<semaphore_mem>>)
    %dma_start3A_77 = arith.constant 0 : i32
    %dma_start3A_78 = arith.constant 6 : i32
    %dma_start3A_79 = arith.constant 6 : i32
    %dma_start3A_80 = tpu.memref_slice %arg3[%dma_start3A_79] : memref<12x!tpu.dma_semaphore, #tpu.memory_space<semaphore_mem>> -> memref<1x!tpu.dma_semaphore, #tpu.memory_space<semaphore_mem>>
    %dma_start3A_81 = tpu.memref_squeeze %dma_start3A_80 : memref<1x!tpu.dma_semaphore, #tpu.memory_space<semaphore_mem>> -> memref<!tpu.dma_semaphore, #tpu.memory_space<semaphore_mem>>
    %dma_start3A_82 = arith.constant 0 : i32
    %dma_start3A_83 = arith.constant 0 : i32
    %dma_start3A_84 = tpu.memref_slice %arg2[%dma_start3A_78, %dma_start3A_82, %dma_start3A_83] : memref<12x256x2048xf32, #tpu.memory_space<vmem>> -> memref<1x256x2048xf32, #tpu.memory_space<vmem>>
    %dma_start3A_85 = tpu.memref_squeeze %dma_start3A_84 : memref<1x256x2048xf32, #tpu.memory_space<vmem>> -> memref<256x2048xf32, #tpu.memory_space<vmem>>
    %dma_start3A_86 = arith.constant 1536 : i32
    %dma_start3A_87 = arith.constant 0 : i32
    %dma_start3A_88 = tpu.memref_slice %arg0[%dma_start3A_77, %dma_start3A_86, %dma_start3A_87] : memref<4x2048x2048xf32, #tpu.memory_space<any>> -> memref<1x256x2048xf32, #tpu.memory_space<any>>
    %dma_start3A_89 = tpu.memref_squeeze %dma_start3A_88 : memref<1x256x2048xf32, #tpu.memory_space<any>> -> memref<256x2048xf32, #tpu.memory_space<any>>
    tpu.enqueue_dma source(%dma_start3A_89 : memref<256x2048xf32, #tpu.memory_space<any>>) target(%dma_start3A_85 : memref<256x2048xf32, #tpu.memory_space<vmem>>) target_semaphore(%dma_start3A_81 : memref<!tpu.dma_semaphore, #tpu.memory_space<semaphore_mem>>)
    %dma_start3A_90 = arith.constant 1 : i32
    %dma_start3A_91 = arith.constant 7 : i32
    %dma_start3A_92 = arith.constant 7 : i32
    %dma_start3A_93 = tpu.memref_slice %arg3[%dma_start3A_92] : memref<12x!tpu.dma_semaphore, #tpu.memory_space<semaphore_mem>> -> memref<1x!tpu.dma_semaphore, #tpu.memory_space<semaphore_mem>>
    %dma_start3A_94 = tpu.memref_squeeze %dma_start3A_93 : memref<1x!tpu.dma_semaphore, #tpu.memory_space<semaphore_mem>> -> memref<!tpu.dma_semaphore, #tpu.memory_space<semaphore_mem>>
    %dma_start3A_95 = arith.constant 0 : i32
    %dma_start3A_96 = arith.constant 0 : i32
    %dma_start3A_97 = tpu.memref_slice %arg2[%dma_start3A_91, %dma_start3A_95, %dma_start3A_96] : memref<12x256x2048xf32, #tpu.memory_space<vmem>> -> memref<1x256x2048xf32, #tpu.memory_space<vmem>>
    %dma_start3A_98 = tpu.memref_squeeze %dma_start3A_97 : memref<1x256x2048xf32, #tpu.memory_space<vmem>> -> memref<256x2048xf32, #tpu.memory_space<vmem>>
    %dma_start3A_99 = arith.constant 0 : i32
    %dma_start3A_100 = arith.constant 0 : i32
    %dma_start3A_101 = tpu.memref_slice %arg0[%dma_start3A_90, %dma_start3A_99, %dma_start3A_100] : memref<4x2048x2048xf32, #tpu.memory_space<any>> -> memref<1x256x2048xf32, #tpu.memory_space<any>>
    %dma_start3A_102 = tpu.memref_squeeze %dma_start3A_101 : memref<1x256x2048xf32, #tpu.memory_space<any>> -> memref<256x2048xf32, #tpu.memory_space<any>>
    tpu.enqueue_dma source(%dma_start3A_102 : memref<256x2048xf32, #tpu.memory_space<any>>) target(%dma_start3A_98 : memref<256x2048xf32, #tpu.memory_space<vmem>>) target_semaphore(%dma_start3A_94 : memref<!tpu.dma_semaphore, #tpu.memory_space<semaphore_mem>>)
    %dma_start3A_103 = arith.constant 1 : i32
    %dma_start3A_104 = arith.constant 8 : i32
    %dma_start3A_105 = arith.constant 8 : i32
    %dma_start3A_106 = tpu.memref_slice %arg3[%dma_start3A_105] : memref<12x!tpu.dma_semaphore, #tpu.memory_space<semaphore_mem>> -> memref<1x!tpu.dma_semaphore, #tpu.memory_space<semaphore_mem>>
    %dma_start3A_107 = tpu.memref_squeeze %dma_start3A_106 : memref<1x!tpu.dma_semaphore, #tpu.memory_space<semaphore_mem>> -> memref<!tpu.dma_semaphore, #tpu.memory_space<semaphore_mem>>
    %dma_start3A_108 = arith.constant 0 : i32
    %dma_start3A_109 = arith.constant 0 : i32
    %dma_start3A_110 = tpu.memref_slice %arg2[%dma_start3A_104, %dma_start3A_108, %dma_start3A_109] : memref<12x256x2048xf32, #tpu.memory_space<vmem>> -> memref<1x256x2048xf32, #tpu.memory_space<vmem>>
    %dma_start3A_111 = tpu.memref_squeeze %dma_start3A_110 : memref<1x256x2048xf32, #tpu.memory_space<vmem>> -> memref<256x2048xf32, #tpu.memory_space<vmem>>
    %dma_start3A_112 = arith.constant 256 : i32
    %dma_start3A_113 = arith.constant 0 : i32
    %dma_start3A_114 = tpu.memref_slice %arg0[%dma_start3A_103, %dma_start3A_112, %dma_start3A_113] : memref<4x2048x2048xf32, #tpu.memory_space<any>> -> memref<1x256x2048xf32, #tpu.memory_space<any>>
    %dma_start3A_115 = tpu.memref_squeeze %dma_start3A_114 : memref<1x256x2048xf32, #tpu.memory_space<any>> -> memref<256x2048xf32, #tpu.memory_space<any>>
    tpu.enqueue_dma source(%dma_start3A_115 : memref<256x2048xf32, #tpu.memory_space<any>>) target(%dma_start3A_111 : memref<256x2048xf32, #tpu.memory_space<vmem>>) target_semaphore(%dma_start3A_107 : memref<!tpu.dma_semaphore, #tpu.memory_space<semaphore_mem>>)
    %dma_start3A_116 = arith.constant 1 : i32
    %dma_start3A_117 = arith.constant 9 : i32
    %dma_start3A_118 = arith.constant 9 : i32
    %dma_start3A_119 = tpu.memref_slice %arg3[%dma_start3A_118] : memref<12x!tpu.dma_semaphore, #tpu.memory_space<semaphore_mem>> -> memref<1x!tpu.dma_semaphore, #tpu.memory_space<semaphore_mem>>
    %dma_start3A_120 = tpu.memref_squeeze %dma_start3A_119 : memref<1x!tpu.dma_semaphore, #tpu.memory_space<semaphore_mem>> -> memref<!tpu.dma_semaphore, #tpu.memory_space<semaphore_mem>>
    %dma_start3A_121 = arith.constant 0 : i32
    %dma_start3A_122 = arith.constant 0 : i32
    %dma_start3A_123 = tpu.memref_slice %arg2[%dma_start3A_117, %dma_start3A_121, %dma_start3A_122] : memref<12x256x2048xf32, #tpu.memory_space<vmem>> -> memref<1x256x2048xf32, #tpu.memory_space<vmem>>
    %dma_start3A_124 = tpu.memref_squeeze %dma_start3A_123 : memref<1x256x2048xf32, #tpu.memory_space<vmem>> -> memref<256x2048xf32, #tpu.memory_space<vmem>>
    %dma_start3A_125 = arith.constant 512 : i32
    %dma_start3A_126 = arith.constant 0 : i32
    %dma_start3A_127 = tpu.memref_slice %arg0[%dma_start3A_116, %dma_start3A_125, %dma_start3A_126] : memref<4x2048x2048xf32, #tpu.memory_space<any>> -> memref<1x256x2048xf32, #tpu.memory_space<any>>
    %dma_start3A_128 = tpu.memref_squeeze %dma_start3A_127 : memref<1x256x2048xf32, #tpu.memory_space<any>> -> memref<256x2048xf32, #tpu.memory_space<any>>
    tpu.enqueue_dma source(%dma_start3A_128 : memref<256x2048xf32, #tpu.memory_space<any>>) target(%dma_start3A_124 : memref<256x2048xf32, #tpu.memory_space<vmem>>) target_semaphore(%dma_start3A_120 : memref<!tpu.dma_semaphore, #tpu.memory_space<semaphore_mem>>)
    %dma_start3A_129 = arith.constant 1 : i32
    %dma_start3A_130 = arith.constant 10 : i32
    %dma_start3A_131 = arith.constant 10 : i32
    %dma_start3A_132 = tpu.memref_slice %arg3[%dma_start3A_131] : memref<12x!tpu.dma_semaphore, #tpu.memory_space<semaphore_mem>> -> memref<1x!tpu.dma_semaphore, #tpu.memory_space<semaphore_mem>>
    %dma_start3A_133 = tpu.memref_squeeze %dma_start3A_132 : memref<1x!tpu.dma_semaphore, #tpu.memory_space<semaphore_mem>> -> memref<!tpu.dma_semaphore, #tpu.memory_space<semaphore_mem>>
    %dma_start3A_134 = arith.constant 0 : i32
    %dma_start3A_135 = arith.constant 0 : i32
    %dma_start3A_136 = tpu.memref_slice %arg2[%dma_start3A_130, %dma_start3A_134, %dma_start3A_135] : memref<12x256x2048xf32, #tpu.memory_space<vmem>> -> memref<1x256x2048xf32, #tpu.memory_space<vmem>>
    %dma_start3A_137 = tpu.memref_squeeze %dma_start3A_136 : memref<1x256x2048xf32, #tpu.memory_space<vmem>> -> memref<256x2048xf32, #tpu.memory_space<vmem>>
    %dma_start3A_138 = arith.constant 768 : i32
    %dma_start3A_139 = arith.constant 0 : i32
    %dma_start3A_140 = tpu.memref_slice %arg0[%dma_start3A_129, %dma_start3A_138, %dma_start3A_139] : memref<4x2048x2048xf32, #tpu.memory_space<any>> -> memref<1x256x2048xf32, #tpu.memory_space<any>>
    %dma_start3A_141 = tpu.memref_squeeze %dma_start3A_140 : memref<1x256x2048xf32, #tpu.memory_space<any>> -> memref<256x2048xf32, #tpu.memory_space<any>>
    tpu.enqueue_dma source(%dma_start3A_141 : memref<256x2048xf32, #tpu.memory_space<any>>) target(%dma_start3A_137 : memref<256x2048xf32, #tpu.memory_space<vmem>>) target_semaphore(%dma_start3A_133 : memref<!tpu.dma_semaphore, #tpu.memory_space<semaphore_mem>>)
    %dma_start3A_142 = arith.constant 1 : i32
    %dma_start3A_143 = arith.constant 11 : i32
    %dma_start3A_144 = arith.constant 11 : i32
    %dma_start3A_145 = tpu.memref_slice %arg3[%dma_start3A_144] : memref<12x!tpu.dma_semaphore, #tpu.memory_space<semaphore_mem>> -> memref<1x!tpu.dma_semaphore, #tpu.memory_space<semaphore_mem>>
    %dma_start3A_146 = tpu.memref_squeeze %dma_start3A_145 : memref<1x!tpu.dma_semaphore, #tpu.memory_space<semaphore_mem>> -> memref<!tpu.dma_semaphore, #tpu.memory_space<semaphore_mem>>
    %dma_start3A_147 = arith.constant 0 : i32
    %dma_start3A_148 = arith.constant 0 : i32
    %dma_start3A_149 = tpu.memref_slice %arg2[%dma_start3A_143, %dma_start3A_147, %dma_start3A_148] : memref<12x256x2048xf32, #tpu.memory_space<vmem>> -> memref<1x256x2048xf32, #tpu.memory_space<vmem>>
    %dma_start3A_150 = tpu.memref_squeeze %dma_start3A_149 : memref<1x256x2048xf32, #tpu.memory_space<vmem>> -> memref<256x2048xf32, #tpu.memory_space<vmem>>
    %dma_start3A_151 = arith.constant 1024 : i32
    %dma_start3A_152 = arith.constant 0 : i32
    %dma_start3A_153 = tpu.memref_slice %arg0[%dma_start3A_142, %dma_start3A_151, %dma_start3A_152] : memref<4x2048x2048xf32, #tpu.memory_space<any>> -> memref<1x256x2048xf32, #tpu.memory_space<any>>
    %dma_start3A_154 = tpu.memref_squeeze %dma_start3A_153 : memref<1x256x2048xf32, #tpu.memory_space<any>> -> memref<256x2048xf32, #tpu.memory_space<any>>
    tpu.enqueue_dma source(%dma_start3A_154 : memref<256x2048xf32, #tpu.memory_space<any>>) target(%dma_start3A_150 : memref<256x2048xf32, #tpu.memory_space<vmem>>) target_semaphore(%dma_start3A_146 : memref<!tpu.dma_semaphore, #tpu.memory_space<semaphore_mem>>)
    %dma_wait3A = arith.constant 0 : i32
    %dma_wait3A_155 = arith.constant 0 : i32
    %dma_wait3A_156 = arith.constant 0 : i32
    %dma_wait3A_157 = tpu.memref_slice %arg3[%dma_wait3A_156] : memref<12x!tpu.dma_semaphore, #tpu.memory_space<semaphore_mem>> -> memref<1x!tpu.dma_semaphore, #tpu.memory_space<semaphore_mem>>
    %dma_wait3A_158 = tpu.memref_squeeze %dma_wait3A_157 : memref<1x!tpu.dma_semaphore, #tpu.memory_space<semaphore_mem>> -> memref<!tpu.dma_semaphore, #tpu.memory_space<semaphore_mem>>
    %dma_wait3A_159 = arith.constant 0 : i32
    %dma_wait3A_160 = arith.constant 0 : i32
    %dma_wait3A_161 = tpu.memref_slice %arg2[%dma_wait3A_155, %dma_wait3A_159, %dma_wait3A_160] : memref<12x256x2048xf32, #tpu.memory_space<vmem>> -> memref<1x256x2048xf32, #tpu.memory_space<vmem>>
    %dma_wait3A_162 = tpu.memref_squeeze %dma_wait3A_161 : memref<1x256x2048xf32, #tpu.memory_space<vmem>> -> memref<256x2048xf32, #tpu.memory_space<vmem>>
    %dma_wait3A_163 = arith.constant 0 : i32
    %dma_wait3A_164 = arith.constant 0 : i32
    %dma_wait3A_165 = tpu.memref_slice %arg0[%dma_wait3A, %dma_wait3A_163, %dma_wait3A_164] : memref<4x2048x2048xf32, #tpu.memory_space<any>> -> memref<1x256x2048xf32, #tpu.memory_space<any>>
    %dma_wait3A_166 = tpu.memref_squeeze %dma_wait3A_165 : memref<1x256x2048xf32, #tpu.memory_space<any>> -> memref<256x2048xf32, #tpu.memory_space<any>>
    tpu.wait_dma2 semaphore(%dma_wait3A_158 : memref<!tpu.dma_semaphore, #tpu.memory_space<semaphore_mem>>) src(%dma_wait3A_166 : memref<256x2048xf32, #tpu.memory_space<any>>) dst(%dma_wait3A_162 : memref<256x2048xf32, #tpu.memory_space<vmem>>)
    %get3A = arith.constant 0 : index
    %get3A_167 = arith.constant 0 : index
    %get3A_168 = arith.constant 0 : index
    %get3A_169 = vector.load %arg2[%get3A, %get3A_167, %get3A_168] : memref<12x256x2048xf32, #tpu.memory_space<vmem>>, vector<1x256x2048xf32>
    %get3A_170 = vector.shape_cast %get3A_169 : vector<1x256x2048xf32> to vector<256x2048xf32>
    %reshape3A = vector.shape_cast %get3A_170 : vector<256x2048xf32> to vector<32x8x2048xf32>
    %reduce_sum3A = arith.constant dense<0.000000e+00> : vector<8x2048xf32>
    %reduce_sum3A_171 = vector.multi_reduction <add>, %reshape3A, %reduce_sum3A [0] : vector<32x8x2048xf32> to vector<8x2048xf32>
    %dma_start3A_172 = arith.constant 1 : i32
    %dma_start3A_173 = arith.constant 0 : i32
    %dma_start3A_174 = arith.constant 0 : i32
    %dma_start3A_175 = tpu.memref_slice %arg3[%dma_start3A_174] : memref<12x!tpu.dma_semaphore, #tpu.memory_space<semaphore_mem>> -> memref<1x!tpu.dma_semaphore, #tpu.memory_space<semaphore_mem>>
    %dma_start3A_176 = tpu.memref_squeeze %dma_start3A_175 : memref<1x!tpu.dma_semaphore, #tpu.memory_space<semaphore_mem>> -> memref<!tpu.dma_semaphore, #tpu.memory_space<semaphore_mem>>
    %dma_start3A_177 = arith.constant 0 : i32
    %dma_start3A_178 = arith.constant 0 : i32
    %dma_start3A_179 = tpu.memref_slice %arg2[%dma_start3A_173, %dma_start3A_177, %dma_start3A_178] : memref<12x256x2048xf32, #tpu.memory_space<vmem>> -> memref<1x256x2048xf32, #tpu.memory_space<vmem>>
    %dma_start3A_180 = tpu.memref_squeeze %dma_start3A_179 : memref<1x256x2048xf32, #tpu.memory_space<vmem>> -> memref<256x2048xf32, #tpu.memory_space<vmem>>
    %dma_start3A_181 = arith.constant 1280 : i32
    %dma_start3A_182 = arith.constant 0 : i32
    %dma_start3A_183 = tpu.memref_slice %arg0[%dma_start3A_172, %dma_start3A_181, %dma_start3A_182] : memref<4x2048x2048xf32, #tpu.memory_space<any>> -> memref<1x256x2048xf32, #tpu.memory_space<any>>
    %dma_start3A_184 = tpu.memref_squeeze %dma_start3A_183 : memref<1x256x2048xf32, #tpu.memory_space<any>> -> memref<256x2048xf32, #tpu.memory_space<any>>
    tpu.enqueue_dma source(%dma_start3A_184 : memref<256x2048xf32, #tpu.memory_space<any>>) target(%dma_start3A_180 : memref<256x2048xf32, #tpu.memory_space<vmem>>) target_semaphore(%dma_start3A_176 : memref<!tpu.dma_semaphore, #tpu.memory_space<semaphore_mem>>)
    %dma_wait3A_185 = arith.constant 0 : i32
    %dma_wait3A_186 = arith.constant 1 : i32
    %dma_wait3A_187 = arith.constant 1 : i32
    %dma_wait3A_188 = tpu.memref_slice %arg3[%dma_wait3A_187] : memref<12x!tpu.dma_semaphore, #tpu.memory_space<semaphore_mem>> -> memref<1x!tpu.dma_semaphore, #tpu.memory_space<semaphore_mem>>
    %dma_wait3A_189 = tpu.memref_squeeze %dma_wait3A_188 : memref<1x!tpu.dma_semaphore, #tpu.memory_space<semaphore_mem>> -> memref<!tpu.dma_semaphore, #tpu.memory_space<semaphore_mem>>
    %dma_wait3A_190 = arith.constant 0 : i32
    %dma_wait3A_191 = arith.constant 0 : i32
    %dma_wait3A_192 = tpu.memref_slice %arg2[%dma_wait3A_186, %dma_wait3A_190, %dma_wait3A_191] : memref<12x256x2048xf32, #tpu.memory_space<vmem>> -> memref<1x256x2048xf32, #tpu.memory_space<vmem>>
    %dma_wait3A_193 = tpu.memref_squeeze %dma_wait3A_192 : memref<1x256x2048xf32, #tpu.memory_space<vmem>> -> memref<256x2048xf32, #tpu.memory_space<vmem>>
    %dma_wait3A_194 = arith.constant 256 : i32
    %dma_wait3A_195 = arith.constant 0 : i32
    %dma_wait3A_196 = tpu.memref_slice %arg0[%dma_wait3A_185, %dma_wait3A_194, %dma_wait3A_195] : memref<4x2048x2048xf32, #tpu.memory_space<any>> -> memref<1x256x2048xf32, #tpu.memory_space<any>>
    %dma_wait3A_197 = tpu.memref_squeeze %dma_wait3A_196 : memref<1x256x2048xf32, #tpu.memory_space<any>> -> memref<256x2048xf32, #tpu.memory_space<any>>
    tpu.wait_dma2 semaphore(%dma_wait3A_189 : memref<!tpu.dma_semaphore, #tpu.memory_space<semaphore_mem>>) src(%dma_wait3A_197 : memref<256x2048xf32, #tpu.memory_space<any>>) dst(%dma_wait3A_193 : memref<256x2048xf32, #tpu.memory_space<vmem>>)
    %get3A_198 = arith.constant 1 : index
    %get3A_199 = arith.constant 0 : index
    %get3A_200 = arith.constant 0 : index
    %get3A_201 = vector.load %arg2[%get3A_198, %get3A_199, %get3A_200] : memref<12x256x2048xf32, #tpu.memory_space<vmem>>, vector<1x256x2048xf32>
    %get3A_202 = vector.shape_cast %get3A_201 : vector<1x256x2048xf32> to vector<256x2048xf32>
    %reshape3A_203 = vector.shape_cast %get3A_202 : vector<256x2048xf32> to vector<32x8x2048xf32>
    %reduce_sum3A_204 = arith.constant dense<0.000000e+00> : vector<8x2048xf32>
    %reduce_sum3A_205 = vector.multi_reduction <add>, %reshape3A_203, %reduce_sum3A_204 [0] : vector<32x8x2048xf32> to vector<8x2048xf32>
    %add3A = arith.addf %reduce_sum3A_171, %reduce_sum3A_205 : vector<8x2048xf32>
    %dma_start3A_206 = arith.constant 1 : i32
    %dma_start3A_207 = arith.constant 1 : i32
    %dma_start3A_208 = arith.constant 1 : i32
    %dma_start3A_209 = tpu.memref_slice %arg3[%dma_start3A_208] : memref<12x!tpu.dma_semaphore, #tpu.memory_space<semaphore_mem>> -> memref<1x!tpu.dma_semaphore, #tpu.memory_space<semaphore_mem>>
    %dma_start3A_210 = tpu.memref_squeeze %dma_start3A_209 : memref<1x!tpu.dma_semaphore, #tpu.memory_space<semaphore_mem>> -> memref<!tpu.dma_semaphore, #tpu.memory_space<semaphore_mem>>
    %dma_start3A_211 = arith.constant 0 : i32
    %dma_start3A_212 = arith.constant 0 : i32
    %dma_start3A_213 = tpu.memref_slice %arg2[%dma_start3A_207, %dma_start3A_211, %dma_start3A_212] : memref<12x256x2048xf32, #tpu.memory_space<vmem>> -> memref<1x256x2048xf32, #tpu.memory_space<vmem>>
    %dma_start3A_214 = tpu.memref_squeeze %dma_start3A_213 : memref<1x256x2048xf32, #tpu.memory_space<vmem>> -> memref<256x2048xf32, #tpu.memory_space<vmem>>
    %dma_start3A_215 = arith.constant 1536 : i32
    %dma_start3A_216 = arith.constant 0 : i32
    %dma_start3A_217 = tpu.memref_slice %arg0[%dma_start3A_206, %dma_start3A_215, %dma_start3A_216] : memref<4x2048x2048xf32, #tpu.memory_space<any>> -> memref<1x256x2048xf32, #tpu.memory_space<any>>
    %dma_start3A_218 = tpu.memref_squeeze %dma_start3A_217 : memref<1x256x2048xf32, #tpu.memory_space<any>> -> memref<256x2048xf32, #tpu.memory_space<any>>
    tpu.enqueue_dma source(%dma_start3A_218 : memref<256x2048xf32, #tpu.memory_space<any>>) target(%dma_start3A_214 : memref<256x2048xf32, #tpu.memory_space<vmem>>) target_semaphore(%dma_start3A_210 : memref<!tpu.dma_semaphore, #tpu.memory_space<semaphore_mem>>)
    %dma_wait3A_219 = arith.constant 0 : i32
    %dma_wait3A_220 = arith.constant 2 : i32
    %dma_wait3A_221 = arith.constant 2 : i32
    %dma_wait3A_222 = tpu.memref_slice %arg3[%dma_wait3A_221] : memref<12x!tpu.dma_semaphore, #tpu.memory_space<semaphore_mem>> -> memref<1x!tpu.dma_semaphore, #tpu.memory_space<semaphore_mem>>
    %dma_wait3A_223 = tpu.memref_squeeze %dma_wait3A_222 : memref<1x!tpu.dma_semaphore, #tpu.memory_space<semaphore_mem>> -> memref<!tpu.dma_semaphore, #tpu.memory_space<semaphore_mem>>
    %dma_wait3A_224 = arith.constant 0 : i32
    %dma_wait3A_225 = arith.constant 0 : i32
    %dma_wait3A_226 = tpu.memref_slice %arg2[%dma_wait3A_220, %dma_wait3A_224, %dma_wait3A_225] : memref<12x256x2048xf32, #tpu.memory_space<vmem>> -> memref<1x256x2048xf32, #tpu.memory_space<vmem>>
    %dma_wait3A_227 = tpu.memref_squeeze %dma_wait3A_226 : memref<1x256x2048xf32, #tpu.memory_space<vmem>> -> memref<256x2048xf32, #tpu.memory_space<vmem>>
    %dma_wait3A_228 = arith.constant 512 : i32
    %dma_wait3A_229 = arith.constant 0 : i32
    %dma_wait3A_230 = tpu.memref_slice %arg0[%dma_wait3A_219, %dma_wait3A_228, %dma_wait3A_229] : memref<4x2048x2048xf32, #tpu.memory_space<any>> -> memref<1x256x2048xf32, #tpu.memory_space<any>>
    %dma_wait3A_231 = tpu.memref_squeeze %dma_wait3A_230 : memref<1x256x2048xf32, #tpu.memory_space<any>> -> memref<256x2048xf32, #tpu.memory_space<any>>
    tpu.wait_dma2 semaphore(%dma_wait3A_223 : memref<!tpu.dma_semaphore, #tpu.memory_space<semaphore_mem>>) src(%dma_wait3A_231 : memref<256x2048xf32, #tpu.memory_space<any>>) dst(%dma_wait3A_227 : memref<256x2048xf32, #tpu.memory_space<vmem>>)
    %get3A_232 = arith.constant 2 : index
    %get3A_233 = arith.constant 0 : index
    %get3A_234 = arith.constant 0 : index
    %get3A_235 = vector.load %arg2[%get3A_232, %get3A_233, %get3A_234] : memref<12x256x2048xf32, #tpu.memory_space<vmem>>, vector<1x256x2048xf32>
    %get3A_236 = vector.shape_cast %get3A_235 : vector<1x256x2048xf32> to vector<256x2048xf32>
    %reshape3A_237 = vector.shape_cast %get3A_236 : vector<256x2048xf32> to vector<32x8x2048xf32>
    %reduce_sum3A_238 = arith.constant dense<0.000000e+00> : vector<8x2048xf32>
    %reduce_sum3A_239 = vector.multi_reduction <add>, %reshape3A_237, %reduce_sum3A_238 [0] : vector<32x8x2048xf32> to vector<8x2048xf32>
    %add3A_240 = arith.addf %add3A, %reduce_sum3A_239 : vector<8x2048xf32>
    %dma_start3A_241 = arith.constant 2 : i32
    %dma_start3A_242 = arith.constant 2 : i32
    %dma_start3A_243 = arith.constant 2 : i32
    %dma_start3A_244 = tpu.memref_slice %arg3[%dma_start3A_243] : memref<12x!tpu.dma_semaphore, #tpu.memory_space<semaphore_mem>> -> memref<1x!tpu.dma_semaphore, #tpu.memory_space<semaphore_mem>>
    %dma_start3A_245 = tpu.memref_squeeze %dma_start3A_244 : memref<1x!tpu.dma_semaphore, #tpu.memory_space<semaphore_mem>> -> memref<!tpu.dma_semaphore, #tpu.memory_space<semaphore_mem>>
    %dma_start3A_246 = arith.constant 0 : i32
    %dma_start3A_247 = arith.constant 0 : i32
    %dma_start3A_248 = tpu.memref_slice %arg2[%dma_start3A_242, %dma_start3A_246, %dma_start3A_247] : memref<12x256x2048xf32, #tpu.memory_space<vmem>> -> memref<1x256x2048xf32, #tpu.memory_space<vmem>>
    %dma_start3A_249 = tpu.memref_squeeze %dma_start3A_248 : memref<1x256x2048xf32, #tpu.memory_space<vmem>> -> memref<256x2048xf32, #tpu.memory_space<vmem>>
    %dma_start3A_250 = arith.constant 0 : i32
    %dma_start3A_251 = arith.constant 0 : i32
    %dma_start3A_252 = tpu.memref_slice %arg0[%dma_start3A_241, %dma_start3A_250, %dma_start3A_251] : memref<4x2048x2048xf32, #tpu.memory_space<any>> -> memref<1x256x2048xf32, #tpu.memory_space<any>>
    %dma_start3A_253 = tpu.memref_squeeze %dma_start3A_252 : memref<1x256x2048xf32, #tpu.memory_space<any>> -> memref<256x2048xf32, #tpu.memory_space<any>>
    tpu.enqueue_dma source(%dma_start3A_253 : memref<256x2048xf32, #tpu.memory_space<any>>) target(%dma_start3A_249 : memref<256x2048xf32, #tpu.memory_space<vmem>>) target_semaphore(%dma_start3A_245 : memref<!tpu.dma_semaphore, #tpu.memory_space<semaphore_mem>>)
    %dma_wait3A_254 = arith.constant 0 : i32
    %dma_wait3A_255 = arith.constant 3 : i32
    %dma_wait3A_256 = arith.constant 3 : i32
    %dma_wait3A_257 = tpu.memref_slice %arg3[%dma_wait3A_256] : memref<12x!tpu.dma_semaphore, #tpu.memory_space<semaphore_mem>> -> memref<1x!tpu.dma_semaphore, #tpu.memory_space<semaphore_mem>>
    %dma_wait3A_258 = tpu.memref_squeeze %dma_wait3A_257 : memref<1x!tpu.dma_semaphore, #tpu.memory_space<semaphore_mem>> -> memref<!tpu.dma_semaphore, #tpu.memory_space<semaphore_mem>>
    %dma_wait3A_259 = arith.constant 0 : i32
    %dma_wait3A_260 = arith.constant 0 : i32
    %dma_wait3A_261 = tpu.memref_slice %arg2[%dma_wait3A_255, %dma_wait3A_259, %dma_wait3A_260] : memref<12x256x2048xf32, #tpu.memory_space<vmem>> -> memref<1x256x2048xf32, #tpu.memory_space<vmem>>
    %dma_wait3A_262 = tpu.memref_squeeze %dma_wait3A_261 : memref<1x256x2048xf32, #tpu.memory_space<vmem>> -> memref<256x2048xf32, #tpu.memory_space<vmem>>
    %dma_wait3A_263 = arith.constant 768 : i32
    %dma_wait3A_264 = arith.constant 0 : i32
    %dma_wait3A_265 = tpu.memref_slice %arg0[%dma_wait3A_254, %dma_wait3A_263, %dma_wait3A_264] : memref<4x2048x2048xf32, #tpu.memory_space<any>> -> memref<1x256x2048xf32, #tpu.memory_space<any>>
    %dma_wait3A_266 = tpu.memref_squeeze %dma_wait3A_265 : memref<1x256x2048xf32, #tpu.memory_space<any>> -> memref<256x2048xf32, #tpu.memory_space<any>>
    tpu.wait_dma2 semaphore(%dma_wait3A_258 : memref<!tpu.dma_semaphore, #tpu.memory_space<semaphore_mem>>) src(%dma_wait3A_266 : memref<256x2048xf32, #tpu.memory_space<any>>) dst(%dma_wait3A_262 : memref<256x2048xf32, #tpu.memory_space<vmem>>)
    %get3A_267 = arith.constant 3 : index
    %get3A_268 = arith.constant 0 : index
    %get3A_269 = arith.constant 0 : index
    %get3A_270 = vector.load %arg2[%get3A_267, %get3A_268, %get3A_269] : memref<12x256x2048xf32, #tpu.memory_space<vmem>>, vector<1x256x2048xf32>
    %get3A_271 = vector.shape_cast %get3A_270 : vector<1x256x2048xf32> to vector<256x2048xf32>
    %reshape3A_272 = vector.shape_cast %get3A_271 : vector<256x2048xf32> to vector<32x8x2048xf32>
    %reduce_sum3A_273 = arith.constant dense<0.000000e+00> : vector<8x2048xf32>
    %reduce_sum3A_274 = vector.multi_reduction <add>, %reshape3A_272, %reduce_sum3A_273 [0] : vector<32x8x2048xf32> to vector<8x2048xf32>
    %add3A_275 = arith.addf %add3A_240, %reduce_sum3A_274 : vector<8x2048xf32>
    %dma_start3A_276 = arith.constant 2 : i32
    %dma_start3A_277 = arith.constant 3 : i32
    %dma_start3A_278 = arith.constant 3 : i32
    %dma_start3A_279 = tpu.memref_slice %arg3[%dma_start3A_278] : memref<12x!tpu.dma_semaphore, #tpu.memory_space<semaphore_mem>> -> memref<1x!tpu.dma_semaphore, #tpu.memory_space<semaphore_mem>>
    %dma_start3A_280 = tpu.memref_squeeze %dma_start3A_279 : memref<1x!tpu.dma_semaphore, #tpu.memory_space<semaphore_mem>> -> memref<!tpu.dma_semaphore, #tpu.memory_space<semaphore_mem>>
    %dma_start3A_281 = arith.constant 0 : i32
    %dma_start3A_282 = arith.constant 0 : i32
    %dma_start3A_283 = tpu.memref_slice %arg2[%dma_start3A_277, %dma_start3A_281, %dma_start3A_282] : memref<12x256x2048xf32, #tpu.memory_space<vmem>> -> memref<1x256x2048xf32, #tpu.memory_space<vmem>>
    %dma_start3A_284 = tpu.memref_squeeze %dma_start3A_283 : memref<1x256x2048xf32, #tpu.memory_space<vmem>> -> memref<256x2048xf32, #tpu.memory_space<vmem>>
    %dma_start3A_285 = arith.constant 256 : i32
    %dma_start3A_286 = arith.constant 0 : i32
    %dma_start3A_287 = tpu.memref_slice %arg0[%dma_start3A_276, %dma_start3A_285, %dma_start3A_286] : memref<4x2048x2048xf32, #tpu.memory_space<any>> -> memref<1x256x2048xf32, #tpu.memory_space<any>>
    %dma_start3A_288 = tpu.memref_squeeze %dma_start3A_287 : memref<1x256x2048xf32, #tpu.memory_space<any>> -> memref<256x2048xf32, #tpu.memory_space<any>>
    tpu.enqueue_dma source(%dma_start3A_288 : memref<256x2048xf32, #tpu.memory_space<any>>) target(%dma_start3A_284 : memref<256x2048xf32, #tpu.memory_space<vmem>>) target_semaphore(%dma_start3A_280 : memref<!tpu.dma_semaphore, #tpu.memory_space<semaphore_mem>>)
    %dma_wait3A_289 = arith.constant 0 : i32
    %dma_wait3A_290 = arith.constant 4 : i32
    %dma_wait3A_291 = arith.constant 4 : i32
    %dma_wait3A_292 = tpu.memref_slice %arg3[%dma_wait3A_291] : memref<12x!tpu.dma_semaphore, #tpu.memory_space<semaphore_mem>> -> memref<1x!tpu.dma_semaphore, #tpu.memory_space<semaphore_mem>>
    %dma_wait3A_293 = tpu.memref_squeeze %dma_wait3A_292 : memref<1x!tpu.dma_semaphore, #tpu.memory_space<semaphore_mem>> -> memref<!tpu.dma_semaphore, #tpu.memory_space<semaphore_mem>>
    %dma_wait3A_294 = arith.constant 0 : i32
    %dma_wait3A_295 = arith.constant 0 : i32
    %dma_wait3A_296 = tpu.memref_slice %arg2[%dma_wait3A_290, %dma_wait3A_294, %dma_wait3A_295] : memref<12x256x2048xf32, #tpu.memory_space<vmem>> -> memref<1x256x2048xf32, #tpu.memory_space<vmem>>
    %dma_wait3A_297 = tpu.memref_squeeze %dma_wait3A_296 : memref<1x256x2048xf32, #tpu.memory_space<vmem>> -> memref<256x2048xf32, #tpu.memory_space<vmem>>
    %dma_wait3A_298 = arith.constant 1024 : i32
    %dma_wait3A_299 = arith.constant 0 : i32
    %dma_wait3A_300 = tpu.memref_slice %arg0[%dma_wait3A_289, %dma_wait3A_298, %dma_wait3A_299] : memref<4x2048x2048xf32, #tpu.memory_space<any>> -> memref<1x256x2048xf32, #tpu.memory_space<any>>
    %dma_wait3A_301 = tpu.memref_squeeze %dma_wait3A_300 : memref<1x256x2048xf32, #tpu.memory_space<any>> -> memref<256x2048xf32, #tpu.memory_space<any>>
    tpu.wait_dma2 semaphore(%dma_wait3A_293 : memref<!tpu.dma_semaphore, #tpu.memory_space<semaphore_mem>>) src(%dma_wait3A_301 : memref<256x2048xf32, #tpu.memory_space<any>>) dst(%dma_wait3A_297 : memref<256x2048xf32, #tpu.memory_space<vmem>>)
    %get3A_302 = arith.constant 4 : index
    %get3A_303 = arith.constant 0 : index
    %get3A_304 = arith.constant 0 : index
    %get3A_305 = vector.load %arg2[%get3A_302, %get3A_303, %get3A_304] : memref<12x256x2048xf32, #tpu.memory_space<vmem>>, vector<1x256x2048xf32>
    %get3A_306 = vector.shape_cast %get3A_305 : vector<1x256x2048xf32> to vector<256x2048xf32>
    %reshape3A_307 = vector.shape_cast %get3A_306 : vector<256x2048xf32> to vector<32x8x2048xf32>
    %reduce_sum3A_308 = arith.constant dense<0.000000e+00> : vector<8x2048xf32>
    %reduce_sum3A_309 = vector.multi_reduction <add>, %reshape3A_307, %reduce_sum3A_308 [0] : vector<32x8x2048xf32> to vector<8x2048xf32>
    %add3A_310 = arith.addf %add3A_275, %reduce_sum3A_309 : vector<8x2048xf32>
    %dma_start3A_311 = arith.constant 2 : i32
    %dma_start3A_312 = arith.constant 4 : i32
    %dma_start3A_313 = arith.constant 4 : i32
    %dma_start3A_314 = tpu.memref_slice %arg3[%dma_start3A_313] : memref<12x!tpu.dma_semaphore, #tpu.memory_space<semaphore_mem>> -> memref<1x!tpu.dma_semaphore, #tpu.memory_space<semaphore_mem>>
    %dma_start3A_315 = tpu.memref_squeeze %dma_start3A_314 : memref<1x!tpu.dma_semaphore, #tpu.memory_space<semaphore_mem>> -> memref<!tpu.dma_semaphore, #tpu.memory_space<semaphore_mem>>
    %dma_start3A_316 = arith.constant 0 : i32
    %dma_start3A_317 = arith.constant 0 : i32
    %dma_start3A_318 = tpu.memref_slice %arg2[%dma_start3A_312, %dma_start3A_316, %dma_start3A_317] : memref<12x256x2048xf32, #tpu.memory_space<vmem>> -> memref<1x256x2048xf32, #tpu.memory_space<vmem>>
    %dma_start3A_319 = tpu.memref_squeeze %dma_start3A_318 : memref<1x256x2048xf32, #tpu.memory_space<vmem>> -> memref<256x2048xf32, #tpu.memory_space<vmem>>
    %dma_start3A_320 = arith.constant 512 : i32
    %dma_start3A_321 = arith.constant 0 : i32
    %dma_start3A_322 = tpu.memref_slice %arg0[%dma_start3A_311, %dma_start3A_320, %dma_start3A_321] : memref<4x2048x2048xf32, #tpu.memory_space<any>> -> memref<1x256x2048xf32, #tpu.memory_space<any>>
    %dma_start3A_323 = tpu.memref_squeeze %dma_start3A_322 : memref<1x256x2048xf32, #tpu.memory_space<any>> -> memref<256x2048xf32, #tpu.memory_space<any>>
    tpu.enqueue_dma source(%dma_start3A_323 : memref<256x2048xf32, #tpu.memory_space<any>>) target(%dma_start3A_319 : memref<256x2048xf32, #tpu.memory_space<vmem>>) target_semaphore(%dma_start3A_315 : memref<!tpu.dma_semaphore, #tpu.memory_space<semaphore_mem>>)
    %dma_wait3A_324 = arith.constant 0 : i32
    %dma_wait3A_325 = arith.constant 5 : i32
    %dma_wait3A_326 = arith.constant 5 : i32
    %dma_wait3A_327 = tpu.memref_slice %arg3[%dma_wait3A_326] : memref<12x!tpu.dma_semaphore, #tpu.memory_space<semaphore_mem>> -> memref<1x!tpu.dma_semaphore, #tpu.memory_space<semaphore_mem>>
    %dma_wait3A_328 = tpu.memref_squeeze %dma_wait3A_327 : memref<1x!tpu.dma_semaphore, #tpu.memory_space<semaphore_mem>> -> memref<!tpu.dma_semaphore, #tpu.memory_space<semaphore_mem>>
    %dma_wait3A_329 = arith.constant 0 : i32
    %dma_wait3A_330 = arith.constant 0 : i32
    %dma_wait3A_331 = tpu.memref_slice %arg2[%dma_wait3A_325, %dma_wait3A_329, %dma_wait3A_330] : memref<12x256x2048xf32, #tpu.memory_space<vmem>> -> memref<1x256x2048xf32, #tpu.memory_space<vmem>>
    %dma_wait3A_332 = tpu.memref_squeeze %dma_wait3A_331 : memref<1x256x2048xf32, #tpu.memory_space<vmem>> -> memref<256x2048xf32, #tpu.memory_space<vmem>>
    %dma_wait3A_333 = arith.constant 1280 : i32
    %dma_wait3A_334 = arith.constant 0 : i32
    %dma_wait3A_335 = tpu.memref_slice %arg0[%dma_wait3A_324, %dma_wait3A_333, %dma_wait3A_334] : memref<4x2048x2048xf32, #tpu.memory_space<any>> -> memref<1x256x2048xf32, #tpu.memory_space<any>>
    %dma_wait3A_336 = tpu.memref_squeeze %dma_wait3A_335 : memref<1x256x2048xf32, #tpu.memory_space<any>> -> memref<256x2048xf32, #tpu.memory_space<any>>
    tpu.wait_dma2 semaphore(%dma_wait3A_328 : memref<!tpu.dma_semaphore, #tpu.memory_space<semaphore_mem>>) src(%dma_wait3A_336 : memref<256x2048xf32, #tpu.memory_space<any>>) dst(%dma_wait3A_332 : memref<256x2048xf32, #tpu.memory_space<vmem>>)
    %get3A_337 = arith.constant 5 : index
    %get3A_338 = arith.constant 0 : index
    %get3A_339 = arith.constant 0 : index
    %get3A_340 = vector.load %arg2[%get3A_337, %get3A_338, %get3A_339] : memref<12x256x2048xf32, #tpu.memory_space<vmem>>, vector<1x256x2048xf32>
    %get3A_341 = vector.shape_cast %get3A_340 : vector<1x256x2048xf32> to vector<256x2048xf32>
    %reshape3A_342 = vector.shape_cast %get3A_341 : vector<256x2048xf32> to vector<32x8x2048xf32>
    %reduce_sum3A_343 = arith.constant dense<0.000000e+00> : vector<8x2048xf32>
    %reduce_sum3A_344 = vector.multi_reduction <add>, %reshape3A_342, %reduce_sum3A_343 [0] : vector<32x8x2048xf32> to vector<8x2048xf32>
    %add3A_345 = arith.addf %add3A_310, %reduce_sum3A_344 : vector<8x2048xf32>
    %dma_start3A_346 = arith.constant 2 : i32
    %dma_start3A_347 = arith.constant 5 : i32
    %dma_start3A_348 = arith.constant 5 : i32
    %dma_start3A_349 = tpu.memref_slice %arg3[%dma_start3A_348] : memref<12x!tpu.dma_semaphore, #tpu.memory_space<semaphore_mem>> -> memref<1x!tpu.dma_semaphore, #tpu.memory_space<semaphore_mem>>
    %dma_start3A_350 = tpu.memref_squeeze %dma_start3A_349 : memref<1x!tpu.dma_semaphore, #tpu.memory_space<semaphore_mem>> -> memref<!tpu.dma_semaphore, #tpu.memory_space<semaphore_mem>>
    %dma_start3A_351 = arith.constant 0 : i32
    %dma_start3A_352 = arith.constant 0 : i32
    %dma_start3A_353 = tpu.memref_slice %arg2[%dma_start3A_347, %dma_start3A_351, %dma_start3A_352] : memref<12x256x2048xf32, #tpu.memory_space<vmem>> -> memref<1x256x2048xf32, #tpu.memory_space<vmem>>
    %dma_start3A_354 = tpu.memref_squeeze %dma_start3A_353 : memref<1x256x2048xf32, #tpu.memory_space<vmem>> -> memref<256x2048xf32, #tpu.memory_space<vmem>>
    %dma_start3A_355 = arith.constant 768 : i32
    %dma_start3A_356 = arith.constant 0 : i32
    %dma_start3A_357 = tpu.memref_slice %arg0[%dma_start3A_346, %dma_start3A_355, %dma_start3A_356] : memref<4x2048x2048xf32, #tpu.memory_space<any>> -> memref<1x256x2048xf32, #tpu.memory_space<any>>
    %dma_start3A_358 = tpu.memref_squeeze %dma_start3A_357 : memref<1x256x2048xf32, #tpu.memory_space<any>> -> memref<256x2048xf32, #tpu.memory_space<any>>
    tpu.enqueue_dma source(%dma_start3A_358 : memref<256x2048xf32, #tpu.memory_space<any>>) target(%dma_start3A_354 : memref<256x2048xf32, #tpu.memory_space<vmem>>) target_semaphore(%dma_start3A_350 : memref<!tpu.dma_semaphore, #tpu.memory_space<semaphore_mem>>)
    %dma_wait3A_359 = arith.constant 0 : i32
    %dma_wait3A_360 = arith.constant 6 : i32
    %dma_wait3A_361 = arith.constant 6 : i32
    %dma_wait3A_362 = tpu.memref_slice %arg3[%dma_wait3A_361] : memref<12x!tpu.dma_semaphore, #tpu.memory_space<semaphore_mem>> -> memref<1x!tpu.dma_semaphore, #tpu.memory_space<semaphore_mem>>
    %dma_wait3A_363 = tpu.memref_squeeze %dma_wait3A_362 : memref<1x!tpu.dma_semaphore, #tpu.memory_space<semaphore_mem>> -> memref<!tpu.dma_semaphore, #tpu.memory_space<semaphore_mem>>
    %dma_wait3A_364 = arith.constant 0 : i32
    %dma_wait3A_365 = arith.constant 0 : i32
    %dma_wait3A_366 = tpu.memref_slice %arg2[%dma_wait3A_360, %dma_wait3A_364, %dma_wait3A_365] : memref<12x256x2048xf32, #tpu.memory_space<vmem>> -> memref<1x256x2048xf32, #tpu.memory_space<vmem>>
    %dma_wait3A_367 = tpu.memref_squeeze %dma_wait3A_366 : memref<1x256x2048xf32, #tpu.memory_space<vmem>> -> memref<256x2048xf32, #tpu.memory_space<vmem>>
    %dma_wait3A_368 = arith.constant 1536 : i32
    %dma_wait3A_369 = arith.constant 0 : i32
    %dma_wait3A_370 = tpu.memref_slice %arg0[%dma_wait3A_359, %dma_wait3A_368, %dma_wait3A_369] : memref<4x2048x2048xf32, #tpu.memory_space<any>> -> memref<1x256x2048xf32, #tpu.memory_space<any>>
    %dma_wait3A_371 = tpu.memref_squeeze %dma_wait3A_370 : memref<1x256x2048xf32, #tpu.memory_space<any>> -> memref<256x2048xf32, #tpu.memory_space<any>>
    tpu.wait_dma2 semaphore(%dma_wait3A_363 : memref<!tpu.dma_semaphore, #tpu.memory_space<semaphore_mem>>) src(%dma_wait3A_371 : memref<256x2048xf32, #tpu.memory_space<any>>) dst(%dma_wait3A_367 : memref<256x2048xf32, #tpu.memory_space<vmem>>)
    %get3A_372 = arith.constant 6 : index
    %get3A_373 = arith.constant 0 : index
    %get3A_374 = arith.constant 0 : index
    %get3A_375 = vector.load %arg2[%get3A_372, %get3A_373, %get3A_374] : memref<12x256x2048xf32, #tpu.memory_space<vmem>>, vector<1x256x2048xf32>
    %get3A_376 = vector.shape_cast %get3A_375 : vector<1x256x2048xf32> to vector<256x2048xf32>
    %reshape3A_377 = vector.shape_cast %get3A_376 : vector<256x2048xf32> to vector<32x8x2048xf32>
    %reduce_sum3A_378 = arith.constant dense<0.000000e+00> : vector<8x2048xf32>
    %reduce_sum3A_379 = vector.multi_reduction <add>, %reshape3A_377, %reduce_sum3A_378 [0] : vector<32x8x2048xf32> to vector<8x2048xf32>
    %add3A_380 = arith.addf %add3A_345, %reduce_sum3A_379 : vector<8x2048xf32>
    %dma_start3A_381 = arith.constant 2 : i32
    %dma_start3A_382 = arith.constant 6 : i32
    %dma_start3A_383 = arith.constant 6 : i32
    %dma_start3A_384 = tpu.memref_slice %arg3[%dma_start3A_383] : memref<12x!tpu.dma_semaphore, #tpu.memory_space<semaphore_mem>> -> memref<1x!tpu.dma_semaphore, #tpu.memory_space<semaphore_mem>>
    %dma_start3A_385 = tpu.memref_squeeze %dma_start3A_384 : memref<1x!tpu.dma_semaphore, #tpu.memory_space<semaphore_mem>> -> memref<!tpu.dma_semaphore, #tpu.memory_space<semaphore_mem>>
    %dma_start3A_386 = arith.constant 0 : i32
    %dma_start3A_387 = arith.constant 0 : i32
    %dma_start3A_388 = tpu.memref_slice %arg2[%dma_start3A_382, %dma_start3A_386, %dma_start3A_387] : memref<12x256x2048xf32, #tpu.memory_space<vmem>> -> memref<1x256x2048xf32, #tpu.memory_space<vmem>>
    %dma_start3A_389 = tpu.memref_squeeze %dma_start3A_388 : memref<1x256x2048xf32, #tpu.memory_space<vmem>> -> memref<256x2048xf32, #tpu.memory_space<vmem>>
    %dma_start3A_390 = arith.constant 1024 : i32
    %dma_start3A_391 = arith.constant 0 : i32
    %dma_start3A_392 = tpu.memref_slice %arg0[%dma_start3A_381, %dma_start3A_390, %dma_start3A_391] : memref<4x2048x2048xf32, #tpu.memory_space<any>> -> memref<1x256x2048xf32, #tpu.memory_space<any>>
    %dma_start3A_393 = tpu.memref_squeeze %dma_start3A_392 : memref<1x256x2048xf32, #tpu.memory_space<any>> -> memref<256x2048xf32, #tpu.memory_space<any>>
    tpu.enqueue_dma source(%dma_start3A_393 : memref<256x2048xf32, #tpu.memory_space<any>>) target(%dma_start3A_389 : memref<256x2048xf32, #tpu.memory_space<vmem>>) target_semaphore(%dma_start3A_385 : memref<!tpu.dma_semaphore, #tpu.memory_space<semaphore_mem>>)
    %swap3A = arith.constant 0 : index
    %swap3A_394 = arith.constant 0 : index
    %swap3A_395 = arith.constant 0 : index
    %swap3A_396 = vector.load %arg1[%swap3A, %swap3A_394, %swap3A_395] : memref<4x8x2048xf32, #tpu.memory_space<vmem>>, vector<1x8x2048xf32>
    %swap3A_397 = vector.shape_cast %swap3A_396 : vector<1x8x2048xf32> to vector<8x2048xf32>
    %swap3A_398 = vector.shape_cast %add3A_380 : vector<8x2048xf32> to vector<1x8x2048xf32>
    tpu.vector_store %arg1[%swap3A, %swap3A_394, %swap3A_395], %swap3A_398 {strides = array<i32>} : memref<4x8x2048xf32, #tpu.memory_space<vmem>>, vector<1x8x2048xf32>,
    %dma_wait3A_399 = arith.constant 1 : i32
    %dma_wait3A_400 = arith.constant 7 : i32
    %dma_wait3A_401 = arith.constant 7 : i32
    %dma_wait3A_402 = tpu.memref_slice %arg3[%dma_wait3A_401] : memref<12x!tpu.dma_semaphore, #tpu.memory_space<semaphore_mem>> -> memref<1x!tpu.dma_semaphore, #tpu.memory_space<semaphore_mem>>
    %dma_wait3A_403 = tpu.memref_squeeze %dma_wait3A_402 : memref<1x!tpu.dma_semaphore, #tpu.memory_space<semaphore_mem>> -> memref<!tpu.dma_semaphore, #tpu.memory_space<semaphore_mem>>
    %dma_wait3A_404 = arith.constant 0 : i32
    %dma_wait3A_405 = arith.constant 0 : i32
    %dma_wait3A_406 = tpu.memref_slice %arg2[%dma_wait3A_400, %dma_wait3A_404, %dma_wait3A_405] : memref<12x256x2048xf32, #tpu.memory_space<vmem>> -> memref<1x256x2048xf32, #tpu.memory_space<vmem>>
    %dma_wait3A_407 = tpu.memref_squeeze %dma_wait3A_406 : memref<1x256x2048xf32, #tpu.memory_space<vmem>> -> memref<256x2048xf32, #tpu.memory_space<vmem>>
    %dma_wait3A_408 = arith.constant 0 : i32
    %dma_wait3A_409 = arith.constant 0 : i32
    %dma_wait3A_410 = tpu.memref_slice %arg0[%dma_wait3A_399, %dma_wait3A_408, %dma_wait3A_409] : memref<4x2048x2048xf32, #tpu.memory_space<any>> -> memref<1x256x2048xf32, #tpu.memory_space<any>>
    %dma_wait3A_411 = tpu.memref_squeeze %dma_wait3A_410 : memref<1x256x2048xf32, #tpu.memory_space<any>> -> memref<256x2048xf32, #tpu.memory_space<any>>
    tpu.wait_dma2 semaphore(%dma_wait3A_403 : memref<!tpu.dma_semaphore, #tpu.memory_space<semaphore_mem>>) src(%dma_wait3A_411 : memref<256x2048xf32, #tpu.memory_space<any>>) dst(%dma_wait3A_407 : memref<256x2048xf32, #tpu.memory_space<vmem>>)
    %get3A_412 = arith.constant 7 : index
    %get3A_413 = arith.constant 0 : index
    %get3A_414 = arith.constant 0 : index
    %get3A_415 = vector.load %arg2[%get3A_412, %get3A_413, %get3A_414] : memref<12x256x2048xf32, #tpu.memory_space<vmem>>, vector<1x256x2048xf32>
    %get3A_416 = vector.shape_cast %get3A_415 : vector<1x256x2048xf32> to vector<256x2048xf32>
    %reshape3A_417 = vector.shape_cast %get3A_416 : vector<256x2048xf32> to vector<32x8x2048xf32>
    %reduce_sum3A_418 = arith.constant dense<0.000000e+00> : vector<8x2048xf32>
    %reduce_sum3A_419 = vector.multi_reduction <add>, %reshape3A_417, %reduce_sum3A_418 [0] : vector<32x8x2048xf32> to vector<8x2048xf32>
    %dma_start3A_420 = arith.constant 2 : i32
    %dma_start3A_421 = arith.constant 7 : i32
    %dma_start3A_422 = arith.constant 7 : i32
    %dma_start3A_423 = tpu.memref_slice %arg3[%dma_start3A_422] : memref<12x!tpu.dma_semaphore, #tpu.memory_space<semaphore_mem>> -> memref<1x!tpu.dma_semaphore, #tpu.memory_space<semaphore_mem>>
    %dma_start3A_424 = tpu.memref_squeeze %dma_start3A_423 : memref<1x!tpu.dma_semaphore, #tpu.memory_space<semaphore_mem>> -> memref<!tpu.dma_semaphore, #tpu.memory_space<semaphore_mem>>
    %dma_start3A_425 = arith.constant 0 : i32
    %dma_start3A_426 = arith.constant 0 : i32
    %dma_start3A_427 = tpu.memref_slice %arg2[%dma_start3A_421, %dma_start3A_425, %dma_start3A_426] : memref<12x256x2048xf32, #tpu.memory_space<vmem>> -> memref<1x256x2048xf32, #tpu.memory_space<vmem>>
    %dma_start3A_428 = tpu.memref_squeeze %dma_start3A_427 : memref<1x256x2048xf32, #tpu.memory_space<vmem>> -> memref<256x2048xf32, #tpu.memory_space<vmem>>
    %dma_start3A_429 = arith.constant 1280 : i32
    %dma_start3A_430 = arith.constant 0 : i32
    %dma_start3A_431 = tpu.memref_slice %arg0[%dma_start3A_420, %dma_start3A_429, %dma_start3A_430] : memref<4x2048x2048xf32, #tpu.memory_space<any>> -> memref<1x256x2048xf32, #tpu.memory_space<any>>
    %dma_start3A_432 = tpu.memref_squeeze %dma_start3A_431 : memref<1x256x2048xf32, #tpu.memory_space<any>> -> memref<256x2048xf32, #tpu.memory_space<any>>
    tpu.enqueue_dma source(%dma_start3A_432 : memref<256x2048xf32, #tpu.memory_space<any>>) target(%dma_start3A_428 : memref<256x2048xf32, #tpu.memory_space<vmem>>) target_semaphore(%dma_start3A_424 : memref<!tpu.dma_semaphore, #tpu.memory_space<semaphore_mem>>)
    %dma_wait3A_433 = arith.constant 1 : i32
    %dma_wait3A_434 = arith.constant 8 : i32
    %dma_wait3A_435 = arith.constant 8 : i32
    %dma_wait3A_436 = tpu.memref_slice %arg3[%dma_wait3A_435] : memref<12x!tpu.dma_semaphore, #tpu.memory_space<semaphore_mem>> -> memref<1x!tpu.dma_semaphore, #tpu.memory_space<semaphore_mem>>
    %dma_wait3A_437 = tpu.memref_squeeze %dma_wait3A_436 : memref<1x!tpu.dma_semaphore, #tpu.memory_space<semaphore_mem>> -> memref<!tpu.dma_semaphore, #tpu.memory_space<semaphore_mem>>
    %dma_wait3A_438 = arith.constant 0 : i32
    %dma_wait3A_439 = arith.constant 0 : i32
    %dma_wait3A_440 = tpu.memref_slice %arg2[%dma_wait3A_434, %dma_wait3A_438, %dma_wait3A_439] : memref<12x256x2048xf32, #tpu.memory_space<vmem>> -> memref<1x256x2048xf32, #tpu.memory_space<vmem>>
    %dma_wait3A_441 = tpu.memref_squeeze %dma_wait3A_440 : memref<1x256x2048xf32, #tpu.memory_space<vmem>> -> memref<256x2048xf32, #tpu.memory_space<vmem>>
    %dma_wait3A_442 = arith.constant 256 : i32
    %dma_wait3A_443 = arith.constant 0 : i32
    %dma_wait3A_444 = tpu.memref_slice %arg0[%dma_wait3A_433, %dma_wait3A_442, %dma_wait3A_443] : memref<4x2048x2048xf32, #tpu.memory_space<any>> -> memref<1x256x2048xf32, #tpu.memory_space<any>>
    %dma_wait3A_445 = tpu.memref_squeeze %dma_wait3A_444 : memref<1x256x2048xf32, #tpu.memory_space<any>> -> memref<256x2048xf32, #tpu.memory_space<any>>
    tpu.wait_dma2 semaphore(%dma_wait3A_437 : memref<!tpu.dma_semaphore, #tpu.memory_space<semaphore_mem>>) src(%dma_wait3A_445 : memref<256x2048xf32, #tpu.memory_space<any>>) dst(%dma_wait3A_441 : memref<256x2048xf32, #tpu.memory_space<vmem>>)
    %get3A_446 = arith.constant 8 : index
    %get3A_447 = arith.constant 0 : index
    %get3A_448 = arith.constant 0 : index
    %get3A_449 = vector.load %arg2[%get3A_446, %get3A_447, %get3A_448] : memref<12x256x2048xf32, #tpu.memory_space<vmem>>, vector<1x256x2048xf32>
    %get3A_450 = vector.shape_cast %get3A_449 : vector<1x256x2048xf32> to vector<256x2048xf32>
    %reshape3A_451 = vector.shape_cast %get3A_450 : vector<256x2048xf32> to vector<32x8x2048xf32>
    %reduce_sum3A_452 = arith.constant dense<0.000000e+00> : vector<8x2048xf32>
    %reduce_sum3A_453 = vector.multi_reduction <add>, %reshape3A_451, %reduce_sum3A_452 [0] : vector<32x8x2048xf32> to vector<8x2048xf32>
    %add3A_454 = arith.addf %reduce_sum3A_419, %reduce_sum3A_453 : vector<8x2048xf32>
    %dma_start3A_455 = arith.constant 2 : i32
    %dma_start3A_456 = arith.constant 8 : i32
    %dma_start3A_457 = arith.constant 8 : i32
    %dma_start3A_458 = tpu.memref_slice %arg3[%dma_start3A_457] : memref<12x!tpu.dma_semaphore, #tpu.memory_space<semaphore_mem>> -> memref<1x!tpu.dma_semaphore, #tpu.memory_space<semaphore_mem>>
    %dma_start3A_459 = tpu.memref_squeeze %dma_start3A_458 : memref<1x!tpu.dma_semaphore, #tpu.memory_space<semaphore_mem>> -> memref<!tpu.dma_semaphore, #tpu.memory_space<semaphore_mem>>
    %dma_start3A_460 = arith.constant 0 : i32
    %dma_start3A_461 = arith.constant 0 : i32
    %dma_start3A_462 = tpu.memref_slice %arg2[%dma_start3A_456, %dma_start3A_460, %dma_start3A_461] : memref<12x256x2048xf32, #tpu.memory_space<vmem>> -> memref<1x256x2048xf32, #tpu.memory_space<vmem>>
    %dma_start3A_463 = tpu.memref_squeeze %dma_start3A_462 : memref<1x256x2048xf32, #tpu.memory_space<vmem>> -> memref<256x2048xf32, #tpu.memory_space<vmem>>
    %dma_start3A_464 = arith.constant 1536 : i32
    %dma_start3A_465 = arith.constant 0 : i32
    %dma_start3A_466 = tpu.memref_slice %arg0[%dma_start3A_455, %dma_start3A_464, %dma_start3A_465] : memref<4x2048x2048xf32, #tpu.memory_space<any>> -> memref<1x256x2048xf32, #tpu.memory_space<any>>
    %dma_start3A_467 = tpu.memref_squeeze %dma_start3A_466 : memref<1x256x2048xf32, #tpu.memory_space<any>> -> memref<256x2048xf32, #tpu.memory_space<any>>
    tpu.enqueue_dma source(%dma_start3A_467 : memref<256x2048xf32, #tpu.memory_space<any>>) target(%dma_start3A_463 : memref<256x2048xf32, #tpu.memory_space<vmem>>) target_semaphore(%dma_start3A_459 : memref<!tpu.dma_semaphore, #tpu.memory_space<semaphore_mem>>)
    %dma_wait3A_468 = arith.constant 1 : i32
    %dma_wait3A_469 = arith.constant 9 : i32
    %dma_wait3A_470 = arith.constant 9 : i32
    %dma_wait3A_471 = tpu.memref_slice %arg3[%dma_wait3A_470] : memref<12x!tpu.dma_semaphore, #tpu.memory_space<semaphore_mem>> -> memref<1x!tpu.dma_semaphore, #tpu.memory_space<semaphore_mem>>
    %dma_wait3A_472 = tpu.memref_squeeze %dma_wait3A_471 : memref<1x!tpu.dma_semaphore, #tpu.memory_space<semaphore_mem>> -> memref<!tpu.dma_semaphore, #tpu.memory_space<semaphore_mem>>
    %dma_wait3A_473 = arith.constant 0 : i32
    %dma_wait3A_474 = arith.constant 0 : i32
    %dma_wait3A_475 = tpu.memref_slice %arg2[%dma_wait3A_469, %dma_wait3A_473, %dma_wait3A_474] : memref<12x256x2048xf32, #tpu.memory_space<vmem>> -> memref<1x256x2048xf32, #tpu.memory_space<vmem>>
    %dma_wait3A_476 = tpu.memref_squeeze %dma_wait3A_475 : memref<1x256x2048xf32, #tpu.memory_space<vmem>> -> memref<256x2048xf32, #tpu.memory_space<vmem>>
    %dma_wait3A_477 = arith.constant 512 : i32
    %dma_wait3A_478 = arith.constant 0 : i32
    %dma_wait3A_479 = tpu.memref_slice %arg0[%dma_wait3A_468, %dma_wait3A_477, %dma_wait3A_478] : memref<4x2048x2048xf32, #tpu.memory_space<any>> -> memref<1x256x2048xf32, #tpu.memory_space<any>>
    %dma_wait3A_480 = tpu.memref_squeeze %dma_wait3A_479 : memref<1x256x2048xf32, #tpu.memory_space<any>> -> memref<256x2048xf32, #tpu.memory_space<any>>
    tpu.wait_dma2 semaphore(%dma_wait3A_472 : memref<!tpu.dma_semaphore, #tpu.memory_space<semaphore_mem>>) src(%dma_wait3A_480 : memref<256x2048xf32, #tpu.memory_space<any>>) dst(%dma_wait3A_476 : memref<256x2048xf32, #tpu.memory_space<vmem>>)
    %get3A_481 = arith.constant 9 : index
    %get3A_482 = arith.constant 0 : index
    %get3A_483 = arith.constant 0 : index
    %get3A_484 = vector.load %arg2[%get3A_481, %get3A_482, %get3A_483] : memref<12x256x2048xf32, #tpu.memory_space<vmem>>, vector<1x256x2048xf32>
    %get3A_485 = vector.shape_cast %get3A_484 : vector<1x256x2048xf32> to vector<256x2048xf32>
    %reshape3A_486 = vector.shape_cast %get3A_485 : vector<256x2048xf32> to vector<32x8x2048xf32>
    %reduce_sum3A_487 = arith.constant dense<0.000000e+00> : vector<8x2048xf32>
    %reduce_sum3A_488 = vector.multi_reduction <add>, %reshape3A_486, %reduce_sum3A_487 [0] : vector<32x8x2048xf32> to vector<8x2048xf32>
    %add3A_489 = arith.addf %add3A_454, %reduce_sum3A_488 : vector<8x2048xf32>
    %dma_start3A_490 = arith.constant 3 : i32
    %dma_start3A_491 = arith.constant 9 : i32
    %dma_start3A_492 = arith.constant 9 : i32
    %dma_start3A_493 = tpu.memref_slice %arg3[%dma_start3A_492] : memref<12x!tpu.dma_semaphore, #tpu.memory_space<semaphore_mem>> -> memref<1x!tpu.dma_semaphore, #tpu.memory_space<semaphore_mem>>
    %dma_start3A_494 = tpu.memref_squeeze %dma_start3A_493 : memref<1x!tpu.dma_semaphore, #tpu.memory_space<semaphore_mem>> -> memref<!tpu.dma_semaphore, #tpu.memory_space<semaphore_mem>>
    %dma_start3A_495 = arith.constant 0 : i32
    %dma_start3A_496 = arith.constant 0 : i32
    %dma_start3A_497 = tpu.memref_slice %arg2[%dma_start3A_491, %dma_start3A_495, %dma_start3A_496] : memref<12x256x2048xf32, #tpu.memory_space<vmem>> -> memref<1x256x2048xf32, #tpu.memory_space<vmem>>
    %dma_start3A_498 = tpu.memref_squeeze %dma_start3A_497 : memref<1x256x2048xf32, #tpu.memory_space<vmem>> -> memref<256x2048xf32, #tpu.memory_space<vmem>>
    %dma_start3A_499 = arith.constant 0 : i32
    %dma_start3A_500 = arith.constant 0 : i32
    %dma_start3A_501 = tpu.memref_slice %arg0[%dma_start3A_490, %dma_start3A_499, %dma_start3A_500] : memref<4x2048x2048xf32, #tpu.memory_space<any>> -> memref<1x256x2048xf32, #tpu.memory_space<any>>
    %dma_start3A_502 = tpu.memref_squeeze %dma_start3A_501 : memref<1x256x2048xf32, #tpu.memory_space<any>> -> memref<256x2048xf32, #tpu.memory_space<any>>
    tpu.enqueue_dma source(%dma_start3A_502 : memref<256x2048xf32, #tpu.memory_space<any>>) target(%dma_start3A_498 : memref<256x2048xf32, #tpu.memory_space<vmem>>) target_semaphore(%dma_start3A_494 : memref<!tpu.dma_semaphore, #tpu.memory_space<semaphore_mem>>)
    %dma_wait3A_503 = arith.constant 1 : i32
    %dma_wait3A_504 = arith.constant 10 : i32
    %dma_wait3A_505 = arith.constant 10 : i32
    %dma_wait3A_506 = tpu.memref_slice %arg3[%dma_wait3A_505] : memref<12x!tpu.dma_semaphore, #tpu.memory_space<semaphore_mem>> -> memref<1x!tpu.dma_semaphore, #tpu.memory_space<semaphore_mem>>
    %dma_wait3A_507 = tpu.memref_squeeze %dma_wait3A_506 : memref<1x!tpu.dma_semaphore, #tpu.memory_space<semaphore_mem>> -> memref<!tpu.dma_semaphore, #tpu.memory_space<semaphore_mem>>
    %dma_wait3A_508 = arith.constant 0 : i32
    %dma_wait3A_509 = arith.constant 0 : i32
    %dma_wait3A_510 = tpu.memref_slice %arg2[%dma_wait3A_504, %dma_wait3A_508, %dma_wait3A_509] : memref<12x256x2048xf32, #tpu.memory_space<vmem>> -> memref<1x256x2048xf32, #tpu.memory_space<vmem>>
    %dma_wait3A_511 = tpu.memref_squeeze %dma_wait3A_510 : memref<1x256x2048xf32, #tpu.memory_space<vmem>> -> memref<256x2048xf32, #tpu.memory_space<vmem>>
    %dma_wait3A_512 = arith.constant 768 : i32
    %dma_wait3A_513 = arith.constant 0 : i32
    %dma_wait3A_514 = tpu.memref_slice %arg0[%dma_wait3A_503, %dma_wait3A_512, %dma_wait3A_513] : memref<4x2048x2048xf32, #tpu.memory_space<any>> -> memref<1x256x2048xf32, #tpu.memory_space<any>>
    %dma_wait3A_515 = tpu.memref_squeeze %dma_wait3A_514 : memref<1x256x2048xf32, #tpu.memory_space<any>> -> memref<256x2048xf32, #tpu.memory_space<any>>
    tpu.wait_dma2 semaphore(%dma_wait3A_507 : memref<!tpu.dma_semaphore, #tpu.memory_space<semaphore_mem>>) src(%dma_wait3A_515 : memref<256x2048xf32, #tpu.memory_space<any>>) dst(%dma_wait3A_511 : memref<256x2048xf32, #tpu.memory_space<vmem>>)
    %get3A_516 = arith.constant 10 : index
    %get3A_517 = arith.constant 0 : index
    %get3A_518 = arith.constant 0 : index
    %get3A_519 = vector.load %arg2[%get3A_516, %get3A_517, %get3A_518] : memref<12x256x2048xf32, #tpu.memory_space<vmem>>, vector<1x256x2048xf32>
    %get3A_520 = vector.shape_cast %get3A_519 : vector<1x256x2048xf32> to vector<256x2048xf32>
    %reshape3A_521 = vector.shape_cast %get3A_520 : vector<256x2048xf32> to vector<32x8x2048xf32>
    %reduce_sum3A_522 = arith.constant dense<0.000000e+00> : vector<8x2048xf32>
    %reduce_sum3A_523 = vector.multi_reduction <add>, %reshape3A_521, %reduce_sum3A_522 [0] : vector<32x8x2048xf32> to vector<8x2048xf32>
    %add3A_524 = arith.addf %add3A_489, %reduce_sum3A_523 : vector<8x2048xf32>
    %dma_start3A_525 = arith.constant 3 : i32
    %dma_start3A_526 = arith.constant 10 : i32
    %dma_start3A_527 = arith.constant 10 : i32
    %dma_start3A_528 = tpu.memref_slice %arg3[%dma_start3A_527] : memref<12x!tpu.dma_semaphore, #tpu.memory_space<semaphore_mem>> -> memref<1x!tpu.dma_semaphore, #tpu.memory_space<semaphore_mem>>
    %dma_start3A_529 = tpu.memref_squeeze %dma_start3A_528 : memref<1x!tpu.dma_semaphore, #tpu.memory_space<semaphore_mem>> -> memref<!tpu.dma_semaphore, #tpu.memory_space<semaphore_mem>>
    %dma_start3A_530 = arith.constant 0 : i32
    %dma_start3A_531 = arith.constant 0 : i32
    %dma_start3A_532 = tpu.memref_slice %arg2[%dma_start3A_526, %dma_start3A_530, %dma_start3A_531] : memref<12x256x2048xf32, #tpu.memory_space<vmem>> -> memref<1x256x2048xf32, #tpu.memory_space<vmem>>
    %dma_start3A_533 = tpu.memref_squeeze %dma_start3A_532 : memref<1x256x2048xf32, #tpu.memory_space<vmem>> -> memref<256x2048xf32, #tpu.memory_space<vmem>>
    %dma_start3A_534 = arith.constant 256 : i32
    %dma_start3A_535 = arith.constant 0 : i32
    %dma_start3A_536 = tpu.memref_slice %arg0[%dma_start3A_525, %dma_start3A_534, %dma_start3A_535] : memref<4x2048x2048xf32, #tpu.memory_space<any>> -> memref<1x256x2048xf32, #tpu.memory_space<any>>
    %dma_start3A_537 = tpu.memref_squeeze %dma_start3A_536 : memref<1x256x2048xf32, #tpu.memory_space<any>> -> memref<256x2048xf32, #tpu.memory_space<any>>
    tpu.enqueue_dma source(%dma_start3A_537 : memref<256x2048xf32, #tpu.memory_space<any>>) target(%dma_start3A_533 : memref<256x2048xf32, #tpu.memory_space<vmem>>) target_semaphore(%dma_start3A_529 : memref<!tpu.dma_semaphore, #tpu.memory_space<semaphore_mem>>)
    %dma_wait3A_538 = arith.constant 1 : i32
    %dma_wait3A_539 = arith.constant 11 : i32
    %dma_wait3A_540 = arith.constant 11 : i32
    %dma_wait3A_541 = tpu.memref_slice %arg3[%dma_wait3A_540] : memref<12x!tpu.dma_semaphore, #tpu.memory_space<semaphore_mem>> -> memref<1x!tpu.dma_semaphore, #tpu.memory_space<semaphore_mem>>
    %dma_wait3A_542 = tpu.memref_squeeze %dma_wait3A_541 : memref<1x!tpu.dma_semaphore, #tpu.memory_space<semaphore_mem>> -> memref<!tpu.dma_semaphore, #tpu.memory_space<semaphore_mem>>
    %dma_wait3A_543 = arith.constant 0 : i32
    %dma_wait3A_544 = arith.constant 0 : i32
    %dma_wait3A_545 = tpu.memref_slice %arg2[%dma_wait3A_539, %dma_wait3A_543, %dma_wait3A_544] : memref<12x256x2048xf32, #tpu.memory_space<vmem>> -> memref<1x256x2048xf32, #tpu.memory_space<vmem>>
    %dma_wait3A_546 = tpu.memref_squeeze %dma_wait3A_545 : memref<1x256x2048xf32, #tpu.memory_space<vmem>> -> memref<256x2048xf32, #tpu.memory_space<vmem>>
    %dma_wait3A_547 = arith.constant 1024 : i32
    %dma_wait3A_548 = arith.constant 0 : i32
    %dma_wait3A_549 = tpu.memref_slice %arg0[%dma_wait3A_538, %dma_wait3A_547, %dma_wait3A_548] : memref<4x2048x2048xf32, #tpu.memory_space<any>> -> memref<1x256x2048xf32, #tpu.memory_space<any>>
    %dma_wait3A_550 = tpu.memref_squeeze %dma_wait3A_549 : memref<1x256x2048xf32, #tpu.memory_space<any>> -> memref<256x2048xf32, #tpu.memory_space<any>>
    tpu.wait_dma2 semaphore(%dma_wait3A_542 : memref<!tpu.dma_semaphore, #tpu.memory_space<semaphore_mem>>) src(%dma_wait3A_550 : memref<256x2048xf32, #tpu.memory_space<any>>) dst(%dma_wait3A_546 : memref<256x2048xf32, #tpu.memory_space<vmem>>)
    %get3A_551 = arith.constant 11 : index
    %get3A_552 = arith.constant 0 : index
    %get3A_553 = arith.constant 0 : index
    %get3A_554 = vector.load %arg2[%get3A_551, %get3A_552, %get3A_553] : memref<12x256x2048xf32, #tpu.memory_space<vmem>>, vector<1x256x2048xf32>
    %get3A_555 = vector.shape_cast %get3A_554 : vector<1x256x2048xf32> to vector<256x2048xf32>
    %reshape3A_556 = vector.shape_cast %get3A_555 : vector<256x2048xf32> to vector<32x8x2048xf32>
    %reduce_sum3A_557 = arith.constant dense<0.000000e+00> : vector<8x2048xf32>
    %reduce_sum3A_558 = vector.multi_reduction <add>, %reshape3A_556, %reduce_sum3A_557 [0] : vector<32x8x2048xf32> to vector<8x2048xf32>
    %add3A_559 = arith.addf %add3A_524, %reduce_sum3A_558 : vector<8x2048xf32>
    %dma_start3A_560 = arith.constant 3 : i32
    %dma_start3A_561 = arith.constant 11 : i32
    %dma_start3A_562 = arith.constant 11 : i32
    %dma_start3A_563 = tpu.memref_slice %arg3[%dma_start3A_562] : memref<12x!tpu.dma_semaphore, #tpu.memory_space<semaphore_mem>> -> memref<1x!tpu.dma_semaphore, #tpu.memory_space<semaphore_mem>>
    %dma_start3A_564 = tpu.memref_squeeze %dma_start3A_563 : memref<1x!tpu.dma_semaphore, #tpu.memory_space<semaphore_mem>> -> memref<!tpu.dma_semaphore, #tpu.memory_space<semaphore_mem>>
    %dma_start3A_565 = arith.constant 0 : i32
    %dma_start3A_566 = arith.constant 0 : i32
    %dma_start3A_567 = tpu.memref_slice %arg2[%dma_start3A_561, %dma_start3A_565, %dma_start3A_566] : memref<12x256x2048xf32, #tpu.memory_space<vmem>> -> memref<1x256x2048xf32, #tpu.memory_space<vmem>>
    %dma_start3A_568 = tpu.memref_squeeze %dma_start3A_567 : memref<1x256x2048xf32, #tpu.memory_space<vmem>> -> memref<256x2048xf32, #tpu.memory_space<vmem>>
    %dma_start3A_569 = arith.constant 512 : i32
    %dma_start3A_570 = arith.constant 0 : i32
    %dma_start3A_571 = tpu.memref_slice %arg0[%dma_start3A_560, %dma_start3A_569, %dma_start3A_570] : memref<4x2048x2048xf32, #tpu.memory_space<any>> -> memref<1x256x2048xf32, #tpu.memory_space<any>>
    %dma_start3A_572 = tpu.memref_squeeze %dma_start3A_571 : memref<1x256x2048xf32, #tpu.memory_space<any>> -> memref<256x2048xf32, #tpu.memory_space<any>>
    tpu.enqueue_dma source(%dma_start3A_572 : memref<256x2048xf32, #tpu.memory_space<any>>) target(%dma_start3A_568 : memref<256x2048xf32, #tpu.memory_space<vmem>>) target_semaphore(%dma_start3A_564 : memref<!tpu.dma_semaphore, #tpu.memory_space<semaphore_mem>>)
    %dma_wait3A_573 = arith.constant 1 : i32
    %dma_wait3A_574 = arith.constant 0 : i32
    %dma_wait3A_575 = arith.constant 0 : i32
    %dma_wait3A_576 = tpu.memref_slice %arg3[%dma_wait3A_575] : memref<12x!tpu.dma_semaphore, #tpu.memory_space<semaphore_mem>> -> memref<1x!tpu.dma_semaphore, #tpu.memory_space<semaphore_mem>>
    %dma_wait3A_577 = tpu.memref_squeeze %dma_wait3A_576 : memref<1x!tpu.dma_semaphore, #tpu.memory_space<semaphore_mem>> -> memref<!tpu.dma_semaphore, #tpu.memory_space<semaphore_mem>>
    %dma_wait3A_578 = arith.constant 0 : i32
    %dma_wait3A_579 = arith.constant 0 : i32
    %dma_wait3A_580 = tpu.memref_slice %arg2[%dma_wait3A_574, %dma_wait3A_578, %dma_wait3A_579] : memref<12x256x2048xf32, #tpu.memory_space<vmem>> -> memref<1x256x2048xf32, #tpu.memory_space<vmem>>
    %dma_wait3A_581 = tpu.memref_squeeze %dma_wait3A_580 : memref<1x256x2048xf32, #tpu.memory_space<vmem>> -> memref<256x2048xf32, #tpu.memory_space<vmem>>
    %dma_wait3A_582 = arith.constant 1280 : i32
    %dma_wait3A_583 = arith.constant 0 : i32
    %dma_wait3A_584 = tpu.memref_slice %arg0[%dma_wait3A_573, %dma_wait3A_582, %dma_wait3A_583] : memref<4x2048x2048xf32, #tpu.memory_space<any>> -> memref<1x256x2048xf32, #tpu.memory_space<any>>
    %dma_wait3A_585 = tpu.memref_squeeze %dma_wait3A_584 : memref<1x256x2048xf32, #tpu.memory_space<any>> -> memref<256x2048xf32, #tpu.memory_space<any>>
    tpu.wait_dma2 semaphore(%dma_wait3A_577 : memref<!tpu.dma_semaphore, #tpu.memory_space<semaphore_mem>>) src(%dma_wait3A_585 : memref<256x2048xf32, #tpu.memory_space<any>>) dst(%dma_wait3A_581 : memref<256x2048xf32, #tpu.memory_space<vmem>>)
    %get3A_586 = arith.constant 0 : index
    %get3A_587 = arith.constant 0 : index
    %get3A_588 = arith.constant 0 : index
    %get3A_589 = vector.load %arg2[%get3A_586, %get3A_587, %get3A_588] : memref<12x256x2048xf32, #tpu.memory_space<vmem>>, vector<1x256x2048xf32>
    %get3A_590 = vector.shape_cast %get3A_589 : vector<1x256x2048xf32> to vector<256x2048xf32>
    %reshape3A_591 = vector.shape_cast %get3A_590 : vector<256x2048xf32> to vector<32x8x2048xf32>
    %reduce_sum3A_592 = arith.constant dense<0.000000e+00> : vector<8x2048xf32>
    %reduce_sum3A_593 = vector.multi_reduction <add>, %reshape3A_591, %reduce_sum3A_592 [0] : vector<32x8x2048xf32> to vector<8x2048xf32>
    %add3A_594 = arith.addf %add3A_559, %reduce_sum3A_593 : vector<8x2048xf32>
    %dma_start3A_595 = arith.constant 3 : i32
    %dma_start3A_596 = arith.constant 0 : i32
    %dma_start3A_597 = arith.constant 0 : i32
    %dma_start3A_598 = tpu.memref_slice %arg3[%dma_start3A_597] : memref<12x!tpu.dma_semaphore, #tpu.memory_space<semaphore_mem>> -> memref<1x!tpu.dma_semaphore, #tpu.memory_space<semaphore_mem>>
    %dma_start3A_599 = tpu.memref_squeeze %dma_start3A_598 : memref<1x!tpu.dma_semaphore, #tpu.memory_space<semaphore_mem>> -> memref<!tpu.dma_semaphore, #tpu.memory_space<semaphore_mem>>
    %dma_start3A_600 = arith.constant 0 : i32
    %dma_start3A_601 = arith.constant 0 : i32
    %dma_start3A_602 = tpu.memref_slice %arg2[%dma_start3A_596, %dma_start3A_600, %dma_start3A_601] : memref<12x256x2048xf32, #tpu.memory_space<vmem>> -> memref<1x256x2048xf32, #tpu.memory_space<vmem>>
    %dma_start3A_603 = tpu.memref_squeeze %dma_start3A_602 : memref<1x256x2048xf32, #tpu.memory_space<vmem>> -> memref<256x2048xf32, #tpu.memory_space<vmem>>
    %dma_start3A_604 = arith.constant 768 : i32
    %dma_start3A_605 = arith.constant 0 : i32
    %dma_start3A_606 = tpu.memref_slice %arg0[%dma_start3A_595, %dma_start3A_604, %dma_start3A_605] : memref<4x2048x2048xf32, #tpu.memory_space<any>> -> memref<1x256x2048xf32, #tpu.memory_space<any>>
    %dma_start3A_607 = tpu.memref_squeeze %dma_start3A_606 : memref<1x256x2048xf32, #tpu.memory_space<any>> -> memref<256x2048xf32, #tpu.memory_space<any>>
    tpu.enqueue_dma source(%dma_start3A_607 : memref<256x2048xf32, #tpu.memory_space<any>>) target(%dma_start3A_603 : memref<256x2048xf32, #tpu.memory_space<vmem>>) target_semaphore(%dma_start3A_599 : memref<!tpu.dma_semaphore, #tpu.memory_space<semaphore_mem>>)
    %dma_wait3A_608 = arith.constant 1 : i32
    %dma_wait3A_609 = arith.constant 1 : i32
    %dma_wait3A_610 = arith.constant 1 : i32
    %dma_wait3A_611 = tpu.memref_slice %arg3[%dma_wait3A_610] : memref<12x!tpu.dma_semaphore, #tpu.memory_space<semaphore_mem>> -> memref<1x!tpu.dma_semaphore, #tpu.memory_space<semaphore_mem>>
    %dma_wait3A_612 = tpu.memref_squeeze %dma_wait3A_611 : memref<1x!tpu.dma_semaphore, #tpu.memory_space<semaphore_mem>> -> memref<!tpu.dma_semaphore, #tpu.memory_space<semaphore_mem>>
    %dma_wait3A_613 = arith.constant 0 : i32
    %dma_wait3A_614 = arith.constant 0 : i32
    %dma_wait3A_615 = tpu.memref_slice %arg2[%dma_wait3A_609, %dma_wait3A_613, %dma_wait3A_614] : memref<12x256x2048xf32, #tpu.memory_space<vmem>> -> memref<1x256x2048xf32, #tpu.memory_space<vmem>>
    %dma_wait3A_616 = tpu.memref_squeeze %dma_wait3A_615 : memref<1x256x2048xf32, #tpu.memory_space<vmem>> -> memref<256x2048xf32, #tpu.memory_space<vmem>>
    %dma_wait3A_617 = arith.constant 1536 : i32
    %dma_wait3A_618 = arith.constant 0 : i32
    %dma_wait3A_619 = tpu.memref_slice %arg0[%dma_wait3A_608, %dma_wait3A_617, %dma_wait3A_618] : memref<4x2048x2048xf32, #tpu.memory_space<any>> -> memref<1x256x2048xf32, #tpu.memory_space<any>>
    %dma_wait3A_620 = tpu.memref_squeeze %dma_wait3A_619 : memref<1x256x2048xf32, #tpu.memory_space<any>> -> memref<256x2048xf32, #tpu.memory_space<any>>
    tpu.wait_dma2 semaphore(%dma_wait3A_612 : memref<!tpu.dma_semaphore, #tpu.memory_space<semaphore_mem>>) src(%dma_wait3A_620 : memref<256x2048xf32, #tpu.memory_space<any>>) dst(%dma_wait3A_616 : memref<256x2048xf32, #tpu.memory_space<vmem>>)
    %get3A_621 = arith.constant 1 : index
    %get3A_622 = arith.constant 0 : index
    %get3A_623 = arith.constant 0 : index
    %get3A_624 = vector.load %arg2[%get3A_621, %get3A_622, %get3A_623] : memref<12x256x2048xf32, #tpu.memory_space<vmem>>, vector<1x256x2048xf32>
    %get3A_625 = vector.shape_cast %get3A_624 : vector<1x256x2048xf32> to vector<256x2048xf32>
    %reshape3A_626 = vector.shape_cast %get3A_625 : vector<256x2048xf32> to vector<32x8x2048xf32>
    %reduce_sum3A_627 = arith.constant dense<0.000000e+00> : vector<8x2048xf32>
    %reduce_sum3A_628 = vector.multi_reduction <add>, %reshape3A_626, %reduce_sum3A_627 [0] : vector<32x8x2048xf32> to vector<8x2048xf32>
    %add3A_629 = arith.addf %add3A_594, %reduce_sum3A_628 : vector<8x2048xf32>
    %dma_start3A_630 = arith.constant 3 : i32
    %dma_start3A_631 = arith.constant 1 : i32
    %dma_start3A_632 = arith.constant 1 : i32
    %dma_start3A_633 = tpu.memref_slice %arg3[%dma_start3A_632] : memref<12x!tpu.dma_semaphore, #tpu.memory_space<semaphore_mem>> -> memref<1x!tpu.dma_semaphore, #tpu.memory_space<semaphore_mem>>
    %dma_start3A_634 = tpu.memref_squeeze %dma_start3A_633 : memref<1x!tpu.dma_semaphore, #tpu.memory_space<semaphore_mem>> -> memref<!tpu.dma_semaphore, #tpu.memory_space<semaphore_mem>>
    %dma_start3A_635 = arith.constant 0 : i32
    %dma_start3A_636 = arith.constant 0 : i32
    %dma_start3A_637 = tpu.memref_slice %arg2[%dma_start3A_631, %dma_start3A_635, %dma_start3A_636] : memref<12x256x2048xf32, #tpu.memory_space<vmem>> -> memref<1x256x2048xf32, #tpu.memory_space<vmem>>
    %dma_start3A_638 = tpu.memref_squeeze %dma_start3A_637 : memref<1x256x2048xf32, #tpu.memory_space<vmem>> -> memref<256x2048xf32, #tpu.memory_space<vmem>>
    %dma_start3A_639 = arith.constant 1024 : i32
    %dma_start3A_640 = arith.constant 0 : i32
    %dma_start3A_641 = tpu.memref_slice %arg0[%dma_start3A_630, %dma_start3A_639, %dma_start3A_640] : memref<4x2048x2048xf32, #tpu.memory_space<any>> -> memref<1x256x2048xf32, #tpu.memory_space<any>>
    %dma_start3A_642 = tpu.memref_squeeze %dma_start3A_641 : memref<1x256x2048xf32, #tpu.memory_space<any>> -> memref<256x2048xf32, #tpu.memory_space<any>>
    tpu.enqueue_dma source(%dma_start3A_642 : memref<256x2048xf32, #tpu.memory_space<any>>) target(%dma_start3A_638 : memref<256x2048xf32, #tpu.memory_space<vmem>>) target_semaphore(%dma_start3A_634 : memref<!tpu.dma_semaphore, #tpu.memory_space<semaphore_mem>>)
    %swap3A_643 = arith.constant 1 : index
    %swap3A_644 = arith.constant 0 : index
    %swap3A_645 = arith.constant 0 : index
    %swap3A_646 = vector.load %arg1[%swap3A_643, %swap3A_644, %swap3A_645] : memref<4x8x2048xf32, #tpu.memory_space<vmem>>, vector<1x8x2048xf32>
    %swap3A_647 = vector.shape_cast %swap3A_646 : vector<1x8x2048xf32> to vector<8x2048xf32>
    %swap3A_648 = vector.shape_cast %add3A_629 : vector<8x2048xf32> to vector<1x8x2048xf32>
    tpu.vector_store %arg1[%swap3A_643, %swap3A_644, %swap3A_645], %swap3A_648 {strides = array<i32>} : memref<4x8x2048xf32, #tpu.memory_space<vmem>>, vector<1x8x2048xf32>,
    %dma_wait3A_649 = arith.constant 2 : i32
    %dma_wait3A_650 = arith.constant 2 : i32
    %dma_wait3A_651 = arith.constant 2 : i32
    %dma_wait3A_652 = tpu.memref_slice %arg3[%dma_wait3A_651] : memref<12x!tpu.dma_semaphore, #tpu.memory_space<semaphore_mem>> -> memref<1x!tpu.dma_semaphore, #tpu.memory_space<semaphore_mem>>
    %dma_wait3A_653 = tpu.memref_squeeze %dma_wait3A_652 : memref<1x!tpu.dma_semaphore, #tpu.memory_space<semaphore_mem>> -> memref<!tpu.dma_semaphore, #tpu.memory_space<semaphore_mem>>
    %dma_wait3A_654 = arith.constant 0 : i32
    %dma_wait3A_655 = arith.constant 0 : i32
    %dma_wait3A_656 = tpu.memref_slice %arg2[%dma_wait3A_650, %dma_wait3A_654, %dma_wait3A_655] : memref<12x256x2048xf32, #tpu.memory_space<vmem>> -> memref<1x256x2048xf32, #tpu.memory_space<vmem>>
    %dma_wait3A_657 = tpu.memref_squeeze %dma_wait3A_656 : memref<1x256x2048xf32, #tpu.memory_space<vmem>> -> memref<256x2048xf32, #tpu.memory_space<vmem>>
    %dma_wait3A_658 = arith.constant 0 : i32
    %dma_wait3A_659 = arith.constant 0 : i32
    %dma_wait3A_660 = tpu.memref_slice %arg0[%dma_wait3A_649, %dma_wait3A_658, %dma_wait3A_659] : memref<4x2048x2048xf32, #tpu.memory_space<any>> -> memref<1x256x2048xf32, #tpu.memory_space<any>>
    %dma_wait3A_661 = tpu.memref_squeeze %dma_wait3A_660 : memref<1x256x2048xf32, #tpu.memory_space<any>> -> memref<256x2048xf32, #tpu.memory_space<any>>
    tpu.wait_dma2 semaphore(%dma_wait3A_653 : memref<!tpu.dma_semaphore, #tpu.memory_space<semaphore_mem>>) src(%dma_wait3A_661 : memref<256x2048xf32, #tpu.memory_space<any>>) dst(%dma_wait3A_657 : memref<256x2048xf32, #tpu.memory_space<vmem>>)
    %get3A_662 = arith.constant 2 : index
    %get3A_663 = arith.constant 0 : index
    %get3A_664 = arith.constant 0 : index
    %get3A_665 = vector.load %arg2[%get3A_662, %get3A_663, %get3A_664] : memref<12x256x2048xf32, #tpu.memory_space<vmem>>, vector<1x256x2048xf32>
    %get3A_666 = vector.shape_cast %get3A_665 : vector<1x256x2048xf32> to vector<256x2048xf32>
    %reshape3A_667 = vector.shape_cast %get3A_666 : vector<256x2048xf32> to vector<32x8x2048xf32>
    %reduce_sum3A_668 = arith.constant dense<0.000000e+00> : vector<8x2048xf32>
    %reduce_sum3A_669 = vector.multi_reduction <add>, %reshape3A_667, %reduce_sum3A_668 [0] : vector<32x8x2048xf32> to vector<8x2048xf32>
    %dma_start3A_670 = arith.constant 3 : i32
    %dma_start3A_671 = arith.constant 2 : i32
    %dma_start3A_672 = arith.constant 2 : i32
    %dma_start3A_673 = tpu.memref_slice %arg3[%dma_start3A_672] : memref<12x!tpu.dma_semaphore, #tpu.memory_space<semaphore_mem>> -> memref<1x!tpu.dma_semaphore, #tpu.memory_space<semaphore_mem>>
    %dma_start3A_674 = tpu.memref_squeeze %dma_start3A_673 : memref<1x!tpu.dma_semaphore, #tpu.memory_space<semaphore_mem>> -> memref<!tpu.dma_semaphore, #tpu.memory_space<semaphore_mem>>
    %dma_start3A_675 = arith.constant 0 : i32
    %dma_start3A_676 = arith.constant 0 : i32
    %dma_start3A_677 = tpu.memref_slice %arg2[%dma_start3A_671, %dma_start3A_675, %dma_start3A_676] : memref<12x256x2048xf32, #tpu.memory_space<vmem>> -> memref<1x256x2048xf32, #tpu.memory_space<vmem>>
    %dma_start3A_678 = tpu.memref_squeeze %dma_start3A_677 : memref<1x256x2048xf32, #tpu.memory_space<vmem>> -> memref<256x2048xf32, #tpu.memory_space<vmem>>
    %dma_start3A_679 = arith.constant 1280 : i32
    %dma_start3A_680 = arith.constant 0 : i32
    %dma_start3A_681 = tpu.memref_slice %arg0[%dma_start3A_670, %dma_start3A_679, %dma_start3A_680] : memref<4x2048x2048xf32, #tpu.memory_space<any>> -> memref<1x256x2048xf32, #tpu.memory_space<any>>
    %dma_start3A_682 = tpu.memref_squeeze %dma_start3A_681 : memref<1x256x2048xf32, #tpu.memory_space<any>> -> memref<256x2048xf32, #tpu.memory_space<any>>
    tpu.enqueue_dma source(%dma_start3A_682 : memref<256x2048xf32, #tpu.memory_space<any>>) target(%dma_start3A_678 : memref<256x2048xf32, #tpu.memory_space<vmem>>) target_semaphore(%dma_start3A_674 : memref<!tpu.dma_semaphore, #tpu.memory_space<semaphore_mem>>)
    %dma_wait3A_683 = arith.constant 2 : i32
    %dma_wait3A_684 = arith.constant 3 : i32
    %dma_wait3A_685 = arith.constant 3 : i32
    %dma_wait3A_686 = tpu.memref_slice %arg3[%dma_wait3A_685] : memref<12x!tpu.dma_semaphore, #tpu.memory_space<semaphore_mem>> -> memref<1x!tpu.dma_semaphore, #tpu.memory_space<semaphore_mem>>
    %dma_wait3A_687 = tpu.memref_squeeze %dma_wait3A_686 : memref<1x!tpu.dma_semaphore, #tpu.memory_space<semaphore_mem>> -> memref<!tpu.dma_semaphore, #tpu.memory_space<semaphore_mem>>
    %dma_wait3A_688 = arith.constant 0 : i32
    %dma_wait3A_689 = arith.constant 0 : i32
    %dma_wait3A_690 = tpu.memref_slice %arg2[%dma_wait3A_684, %dma_wait3A_688, %dma_wait3A_689] : memref<12x256x2048xf32, #tpu.memory_space<vmem>> -> memref<1x256x2048xf32, #tpu.memory_space<vmem>>
    %dma_wait3A_691 = tpu.memref_squeeze %dma_wait3A_690 : memref<1x256x2048xf32, #tpu.memory_space<vmem>> -> memref<256x2048xf32, #tpu.memory_space<vmem>>
    %dma_wait3A_692 = arith.constant 256 : i32
    %dma_wait3A_693 = arith.constant 0 : i32
    %dma_wait3A_694 = tpu.memref_slice %arg0[%dma_wait3A_683, %dma_wait3A_692, %dma_wait3A_693] : memref<4x2048x2048xf32, #tpu.memory_space<any>> -> memref<1x256x2048xf32, #tpu.memory_space<any>>
    %dma_wait3A_695 = tpu.memref_squeeze %dma_wait3A_694 : memref<1x256x2048xf32, #tpu.memory_space<any>> -> memref<256x2048xf32, #tpu.memory_space<any>>
    tpu.wait_dma2 semaphore(%dma_wait3A_687 : memref<!tpu.dma_semaphore, #tpu.memory_space<semaphore_mem>>) src(%dma_wait3A_695 : memref<256x2048xf32, #tpu.memory_space<any>>) dst(%dma_wait3A_691 : memref<256x2048xf32, #tpu.memory_space<vmem>>)
    %get3A_696 = arith.constant 3 : index
    %get3A_697 = arith.constant 0 : index
    %get3A_698 = arith.constant 0 : index
    %get3A_699 = vector.load %arg2[%get3A_696, %get3A_697, %get3A_698] : memref<12x256x2048xf32, #tpu.memory_space<vmem>>, vector<1x256x2048xf32>
    %get3A_700 = vector.shape_cast %get3A_699 : vector<1x256x2048xf32> to vector<256x2048xf32>
    %reshape3A_701 = vector.shape_cast %get3A_700 : vector<256x2048xf32> to vector<32x8x2048xf32>
    %reduce_sum3A_702 = arith.constant dense<0.000000e+00> : vector<8x2048xf32>
    %reduce_sum3A_703 = vector.multi_reduction <add>, %reshape3A_701, %reduce_sum3A_702 [0] : vector<32x8x2048xf32> to vector<8x2048xf32>
    %add3A_704 = arith.addf %reduce_sum3A_669, %reduce_sum3A_703 : vector<8x2048xf32>
    %dma_start3A_705 = arith.constant 3 : i32
    %dma_start3A_706 = arith.constant 3 : i32
    %dma_start3A_707 = arith.constant 3 : i32
    %dma_start3A_708 = tpu.memref_slice %arg3[%dma_start3A_707] : memref<12x!tpu.dma_semaphore, #tpu.memory_space<semaphore_mem>> -> memref<1x!tpu.dma_semaphore, #tpu.memory_space<semaphore_mem>>
    %dma_start3A_709 = tpu.memref_squeeze %dma_start3A_708 : memref<1x!tpu.dma_semaphore, #tpu.memory_space<semaphore_mem>> -> memref<!tpu.dma_semaphore, #tpu.memory_space<semaphore_mem>>
    %dma_start3A_710 = arith.constant 0 : i32
    %dma_start3A_711 = arith.constant 0 : i32
    %dma_start3A_712 = tpu.memref_slice %arg2[%dma_start3A_706, %dma_start3A_710, %dma_start3A_711] : memref<12x256x2048xf32, #tpu.memory_space<vmem>> -> memref<1x256x2048xf32, #tpu.memory_space<vmem>>
    %dma_start3A_713 = tpu.memref_squeeze %dma_start3A_712 : memref<1x256x2048xf32, #tpu.memory_space<vmem>> -> memref<256x2048xf32, #tpu.memory_space<vmem>>
    %dma_start3A_714 = arith.constant 1536 : i32
    %dma_start3A_715 = arith.constant 0 : i32
    %dma_start3A_716 = tpu.memref_slice %arg0[%dma_start3A_705, %dma_start3A_714, %dma_start3A_715] : memref<4x2048x2048xf32, #tpu.memory_space<any>> -> memref<1x256x2048xf32, #tpu.memory_space<any>>
    %dma_start3A_717 = tpu.memref_squeeze %dma_start3A_716 : memref<1x256x2048xf32, #tpu.memory_space<any>> -> memref<256x2048xf32, #tpu.memory_space<any>>
    tpu.enqueue_dma source(%dma_start3A_717 : memref<256x2048xf32, #tpu.memory_space<any>>) target(%dma_start3A_713 : memref<256x2048xf32, #tpu.memory_space<vmem>>) target_semaphore(%dma_start3A_709 : memref<!tpu.dma_semaphore, #tpu.memory_space<semaphore_mem>>)
    %dma_wait3A_718 = arith.constant 2 : i32
    %dma_wait3A_719 = arith.constant 4 : i32
    %dma_wait3A_720 = arith.constant 4 : i32
    %dma_wait3A_721 = tpu.memref_slice %arg3[%dma_wait3A_720] : memref<12x!tpu.dma_semaphore, #tpu.memory_space<semaphore_mem>> -> memref<1x!tpu.dma_semaphore, #tpu.memory_space<semaphore_mem>>
    %dma_wait3A_722 = tpu.memref_squeeze %dma_wait3A_721 : memref<1x!tpu.dma_semaphore, #tpu.memory_space<semaphore_mem>> -> memref<!tpu.dma_semaphore, #tpu.memory_space<semaphore_mem>>
    %dma_wait3A_723 = arith.constant 0 : i32
    %dma_wait3A_724 = arith.constant 0 : i32
    %dma_wait3A_725 = tpu.memref_slice %arg2[%dma_wait3A_719, %dma_wait3A_723, %dma_wait3A_724] : memref<12x256x2048xf32, #tpu.memory_space<vmem>> -> memref<1x256x2048xf32, #tpu.memory_space<vmem>>
    %dma_wait3A_726 = tpu.memref_squeeze %dma_wait3A_725 : memref<1x256x2048xf32, #tpu.memory_space<vmem>> -> memref<256x2048xf32, #tpu.memory_space<vmem>>
    %dma_wait3A_727 = arith.constant 512 : i32
    %dma_wait3A_728 = arith.constant 0 : i32
    %dma_wait3A_729 = tpu.memref_slice %arg0[%dma_wait3A_718, %dma_wait3A_727, %dma_wait3A_728] : memref<4x2048x2048xf32, #tpu.memory_space<any>> -> memref<1x256x2048xf32, #tpu.memory_space<any>>
    %dma_wait3A_730 = tpu.memref_squeeze %dma_wait3A_729 : memref<1x256x2048xf32, #tpu.memory_space<any>> -> memref<256x2048xf32, #tpu.memory_space<any>>
    tpu.wait_dma2 semaphore(%dma_wait3A_722 : memref<!tpu.dma_semaphore, #tpu.memory_space<semaphore_mem>>) src(%dma_wait3A_730 : memref<256x2048xf32, #tpu.memory_space<any>>) dst(%dma_wait3A_726 : memref<256x2048xf32, #tpu.memory_space<vmem>>)
    %get3A_731 = arith.constant 4 : index
    %get3A_732 = arith.constant 0 : index
    %get3A_733 = arith.constant 0 : index
    %get3A_734 = vector.load %arg2[%get3A_731, %get3A_732, %get3A_733] : memref<12x256x2048xf32, #tpu.memory_space<vmem>>, vector<1x256x2048xf32>
    %get3A_735 = vector.shape_cast %get3A_734 : vector<1x256x2048xf32> to vector<256x2048xf32>
    %reshape3A_736 = vector.shape_cast %get3A_735 : vector<256x2048xf32> to vector<32x8x2048xf32>
    %reduce_sum3A_737 = arith.constant dense<0.000000e+00> : vector<8x2048xf32>
    %reduce_sum3A_738 = vector.multi_reduction <add>, %reshape3A_736, %reduce_sum3A_737 [0] : vector<32x8x2048xf32> to vector<8x2048xf32>
    %add3A_739 = arith.addf %add3A_704, %reduce_sum3A_738 : vector<8x2048xf32>
    %dma_wait3A_740 = arith.constant 2 : i32
    %dma_wait3A_741 = arith.constant 5 : i32
    %dma_wait3A_742 = arith.constant 5 : i32
    %dma_wait3A_743 = tpu.memref_slice %arg3[%dma_wait3A_742] : memref<12x!tpu.dma_semaphore, #tpu.memory_space<semaphore_mem>> -> memref<1x!tpu.dma_semaphore, #tpu.memory_space<semaphore_mem>>
    %dma_wait3A_744 = tpu.memref_squeeze %dma_wait3A_743 : memref<1x!tpu.dma_semaphore, #tpu.memory_space<semaphore_mem>> -> memref<!tpu.dma_semaphore, #tpu.memory_space<semaphore_mem>>
    %dma_wait3A_745 = arith.constant 0 : i32
    %dma_wait3A_746 = arith.constant 0 : i32
    %dma_wait3A_747 = tpu.memref_slice %arg2[%dma_wait3A_741, %dma_wait3A_745, %dma_wait3A_746] : memref<12x256x2048xf32, #tpu.memory_space<vmem>> -> memref<1x256x2048xf32, #tpu.memory_space<vmem>>
    %dma_wait3A_748 = tpu.memref_squeeze %dma_wait3A_747 : memref<1x256x2048xf32, #tpu.memory_space<vmem>> -> memref<256x2048xf32, #tpu.memory_space<vmem>>
    %dma_wait3A_749 = arith.constant 768 : i32
    %dma_wait3A_750 = arith.constant 0 : i32
    %dma_wait3A_751 = tpu.memref_slice %arg0[%dma_wait3A_740, %dma_wait3A_749, %dma_wait3A_750] : memref<4x2048x2048xf32, #tpu.memory_space<any>> -> memref<1x256x2048xf32, #tpu.memory_space<any>>
    %dma_wait3A_752 = tpu.memref_squeeze %dma_wait3A_751 : memref<1x256x2048xf32, #tpu.memory_space<any>> -> memref<256x2048xf32, #tpu.memory_space<any>>
    tpu.wait_dma2 semaphore(%dma_wait3A_744 : memref<!tpu.dma_semaphore, #tpu.memory_space<semaphore_mem>>) src(%dma_wait3A_752 : memref<256x2048xf32, #tpu.memory_space<any>>) dst(%dma_wait3A_748 : memref<256x2048xf32, #tpu.memory_space<vmem>>)
    %get3A_753 = arith.constant 5 : index
    %get3A_754 = arith.constant 0 : index
    %get3A_755 = arith.constant 0 : index
    %get3A_756 = vector.load %arg2[%get3A_753, %get3A_754, %get3A_755] : memref<12x256x2048xf32, #tpu.memory_space<vmem>>, vector<1x256x2048xf32>
    %get3A_757 = vector.shape_cast %get3A_756 : vector<1x256x2048xf32> to vector<256x2048xf32>
    %reshape3A_758 = vector.shape_cast %get3A_757 : vector<256x2048xf32> to vector<32x8x2048xf32>
    %reduce_sum3A_759 = arith.constant dense<0.000000e+00> : vector<8x2048xf32>
    %reduce_sum3A_760 = vector.multi_reduction <add>, %reshape3A_758, %reduce_sum3A_759 [0] : vector<32x8x2048xf32> to vector<8x2048xf32>
    %add3A_761 = arith.addf %add3A_739, %reduce_sum3A_760 : vector<8x2048xf32>
    %dma_wait3A_762 = arith.constant 2 : i32
    %dma_wait3A_763 = arith.constant 6 : i32
    %dma_wait3A_764 = arith.constant 6 : i32
    %dma_wait3A_765 = tpu.memref_slice %arg3[%dma_wait3A_764] : memref<12x!tpu.dma_semaphore, #tpu.memory_space<semaphore_mem>> -> memref<1x!tpu.dma_semaphore, #tpu.memory_space<semaphore_mem>>
    %dma_wait3A_766 = tpu.memref_squeeze %dma_wait3A_765 : memref<1x!tpu.dma_semaphore, #tpu.memory_space<semaphore_mem>> -> memref<!tpu.dma_semaphore, #tpu.memory_space<semaphore_mem>>
    %dma_wait3A_767 = arith.constant 0 : i32
    %dma_wait3A_768 = arith.constant 0 : i32
    %dma_wait3A_769 = tpu.memref_slice %arg2[%dma_wait3A_763, %dma_wait3A_767, %dma_wait3A_768] : memref<12x256x2048xf32, #tpu.memory_space<vmem>> -> memref<1x256x2048xf32, #tpu.memory_space<vmem>>
    %dma_wait3A_770 = tpu.memref_squeeze %dma_wait3A_769 : memref<1x256x2048xf32, #tpu.memory_space<vmem>> -> memref<256x2048xf32, #tpu.memory_space<vmem>>
    %dma_wait3A_771 = arith.constant 1024 : i32
    %dma_wait3A_772 = arith.constant 0 : i32
    %dma_wait3A_773 = tpu.memref_slice %arg0[%dma_wait3A_762, %dma_wait3A_771, %dma_wait3A_772] : memref<4x2048x2048xf32, #tpu.memory_space<any>> -> memref<1x256x2048xf32, #tpu.memory_space<any>>
    %dma_wait3A_774 = tpu.memref_squeeze %dma_wait3A_773 : memref<1x256x2048xf32, #tpu.memory_space<any>> -> memref<256x2048xf32, #tpu.memory_space<any>>
    tpu.wait_dma2 semaphore(%dma_wait3A_766 : memref<!tpu.dma_semaphore, #tpu.memory_space<semaphore_mem>>) src(%dma_wait3A_774 : memref<256x2048xf32, #tpu.memory_space<any>>) dst(%dma_wait3A_770 : memref<256x2048xf32, #tpu.memory_space<vmem>>)
    %get3A_775 = arith.constant 6 : index
    %get3A_776 = arith.constant 0 : index
    %get3A_777 = arith.constant 0 : index
    %get3A_778 = vector.load %arg2[%get3A_775, %get3A_776, %get3A_777] : memref<12x256x2048xf32, #tpu.memory_space<vmem>>, vector<1x256x2048xf32>
    %get3A_779 = vector.shape_cast %get3A_778 : vector<1x256x2048xf32> to vector<256x2048xf32>
    %reshape3A_780 = vector.shape_cast %get3A_779 : vector<256x2048xf32> to vector<32x8x2048xf32>
    %reduce_sum3A_781 = arith.constant dense<0.000000e+00> : vector<8x2048xf32>
    %reduce_sum3A_782 = vector.multi_reduction <add>, %reshape3A_780, %reduce_sum3A_781 [0] : vector<32x8x2048xf32> to vector<8x2048xf32>
    %add3A_783 = arith.addf %add3A_761, %reduce_sum3A_782 : vector<8x2048xf32>
    %dma_wait3A_784 = arith.constant 2 : i32
    %dma_wait3A_785 = arith.constant 7 : i32
    %dma_wait3A_786 = arith.constant 7 : i32
    %dma_wait3A_787 = tpu.memref_slice %arg3[%dma_wait3A_786] : memref<12x!tpu.dma_semaphore, #tpu.memory_space<semaphore_mem>> -> memref<1x!tpu.dma_semaphore, #tpu.memory_space<semaphore_mem>>
    %dma_wait3A_788 = tpu.memref_squeeze %dma_wait3A_787 : memref<1x!tpu.dma_semaphore, #tpu.memory_space<semaphore_mem>> -> memref<!tpu.dma_semaphore, #tpu.memory_space<semaphore_mem>>
    %dma_wait3A_789 = arith.constant 0 : i32
    %dma_wait3A_790 = arith.constant 0 : i32
    %dma_wait3A_791 = tpu.memref_slice %arg2[%dma_wait3A_785, %dma_wait3A_789, %dma_wait3A_790] : memref<12x256x2048xf32, #tpu.memory_space<vmem>> -> memref<1x256x2048xf32, #tpu.memory_space<vmem>>
    %dma_wait3A_792 = tpu.memref_squeeze %dma_wait3A_791 : memref<1x256x2048xf32, #tpu.memory_space<vmem>> -> memref<256x2048xf32, #tpu.memory_space<vmem>>
    %dma_wait3A_793 = arith.constant 1280 : i32
    %dma_wait3A_794 = arith.constant 0 : i32
    %dma_wait3A_795 = tpu.memref_slice %arg0[%dma_wait3A_784, %dma_wait3A_793, %dma_wait3A_794] : memref<4x2048x2048xf32, #tpu.memory_space<any>> -> memref<1x256x2048xf32, #tpu.memory_space<any>>
    %dma_wait3A_796 = tpu.memref_squeeze %dma_wait3A_795 : memref<1x256x2048xf32, #tpu.memory_space<any>> -> memref<256x2048xf32, #tpu.memory_space<any>>
    tpu.wait_dma2 semaphore(%dma_wait3A_788 : memref<!tpu.dma_semaphore, #tpu.memory_space<semaphore_mem>>) src(%dma_wait3A_796 : memref<256x2048xf32, #tpu.memory_space<any>>) dst(%dma_wait3A_792 : memref<256x2048xf32, #tpu.memory_space<vmem>>)
    %get3A_797 = arith.constant 7 : index
    %get3A_798 = arith.constant 0 : index
    %get3A_799 = arith.constant 0 : index
    %get3A_800 = vector.load %arg2[%get3A_797, %get3A_798, %get3A_799] : memref<12x256x2048xf32, #tpu.memory_space<vmem>>, vector<1x256x2048xf32>
    %get3A_801 = vector.shape_cast %get3A_800 : vector<1x256x2048xf32> to vector<256x2048xf32>
    %reshape3A_802 = vector.shape_cast %get3A_801 : vector<256x2048xf32> to vector<32x8x2048xf32>
    %reduce_sum3A_803 = arith.constant dense<0.000000e+00> : vector<8x2048xf32>
    %reduce_sum3A_804 = vector.multi_reduction <add>, %reshape3A_802, %reduce_sum3A_803 [0] : vector<32x8x2048xf32> to vector<8x2048xf32>
    %add3A_805 = arith.addf %add3A_783, %reduce_sum3A_804 : vector<8x2048xf32>
    %dma_wait3A_806 = arith.constant 2 : i32
    %dma_wait3A_807 = arith.constant 8 : i32
    %dma_wait3A_808 = arith.constant 8 : i32
    %dma_wait3A_809 = tpu.memref_slice %arg3[%dma_wait3A_808] : memref<12x!tpu.dma_semaphore, #tpu.memory_space<semaphore_mem>> -> memref<1x!tpu.dma_semaphore, #tpu.memory_space<semaphore_mem>>
    %dma_wait3A_810 = tpu.memref_squeeze %dma_wait3A_809 : memref<1x!tpu.dma_semaphore, #tpu.memory_space<semaphore_mem>> -> memref<!tpu.dma_semaphore, #tpu.memory_space<semaphore_mem>>
    %dma_wait3A_811 = arith.constant 0 : i32
    %dma_wait3A_812 = arith.constant 0 : i32
    %dma_wait3A_813 = tpu.memref_slice %arg2[%dma_wait3A_807, %dma_wait3A_811, %dma_wait3A_812] : memref<12x256x2048xf32, #tpu.memory_space<vmem>> -> memref<1x256x2048xf32, #tpu.memory_space<vmem>>
    %dma_wait3A_814 = tpu.memref_squeeze %dma_wait3A_813 : memref<1x256x2048xf32, #tpu.memory_space<vmem>> -> memref<256x2048xf32, #tpu.memory_space<vmem>>
    %dma_wait3A_815 = arith.constant 1536 : i32
    %dma_wait3A_816 = arith.constant 0 : i32
    %dma_wait3A_817 = tpu.memref_slice %arg0[%dma_wait3A_806, %dma_wait3A_815, %dma_wait3A_816] : memref<4x2048x2048xf32, #tpu.memory_space<any>> -> memref<1x256x2048xf32, #tpu.memory_space<any>>
    %dma_wait3A_818 = tpu.memref_squeeze %dma_wait3A_817 : memref<1x256x2048xf32, #tpu.memory_space<any>> -> memref<256x2048xf32, #tpu.memory_space<any>>
    tpu.wait_dma2 semaphore(%dma_wait3A_810 : memref<!tpu.dma_semaphore, #tpu.memory_space<semaphore_mem>>) src(%dma_wait3A_818 : memref<256x2048xf32, #tpu.memory_space<any>>) dst(%dma_wait3A_814 : memref<256x2048xf32, #tpu.memory_space<vmem>>)
    %get3A_819 = arith.constant 8 : index
    %get3A_820 = arith.constant 0 : index
    %get3A_821 = arith.constant 0 : index
    %get3A_822 = vector.load %arg2[%get3A_819, %get3A_820, %get3A_821] : memref<12x256x2048xf32, #tpu.memory_space<vmem>>, vector<1x256x2048xf32>
    %get3A_823 = vector.shape_cast %get3A_822 : vector<1x256x2048xf32> to vector<256x2048xf32>
    %reshape3A_824 = vector.shape_cast %get3A_823 : vector<256x2048xf32> to vector<32x8x2048xf32>
    %reduce_sum3A_825 = arith.constant dense<0.000000e+00> : vector<8x2048xf32>
    %reduce_sum3A_826 = vector.multi_reduction <add>, %reshape3A_824, %reduce_sum3A_825 [0] : vector<32x8x2048xf32> to vector<8x2048xf32>
    %add3A_827 = arith.addf %add3A_805, %reduce_sum3A_826 : vector<8x2048xf32>
    %swap3A_828 = arith.constant 2 : index
    %swap3A_829 = arith.constant 0 : index
    %swap3A_830 = arith.constant 0 : index
    %swap3A_831 = vector.load %arg1[%swap3A_828, %swap3A_829, %swap3A_830] : memref<4x8x2048xf32, #tpu.memory_space<vmem>>, vector<1x8x2048xf32>
    %swap3A_832 = vector.shape_cast %swap3A_831 : vector<1x8x2048xf32> to vector<8x2048xf32>
    %swap3A_833 = vector.shape_cast %add3A_827 : vector<8x2048xf32> to vector<1x8x2048xf32>
    tpu.vector_store %arg1[%swap3A_828, %swap3A_829, %swap3A_830], %swap3A_833 {strides = array<i32>} : memref<4x8x2048xf32, #tpu.memory_space<vmem>>, vector<1x8x2048xf32>,
    %dma_wait3A_834 = arith.constant 3 : i32
    %dma_wait3A_835 = arith.constant 9 : i32
    %dma_wait3A_836 = arith.constant 9 : i32
    %dma_wait3A_837 = tpu.memref_slice %arg3[%dma_wait3A_836] : memref<12x!tpu.dma_semaphore, #tpu.memory_space<semaphore_mem>> -> memref<1x!tpu.dma_semaphore, #tpu.memory_space<semaphore_mem>>
    %dma_wait3A_838 = tpu.memref_squeeze %dma_wait3A_837 : memref<1x!tpu.dma_semaphore, #tpu.memory_space<semaphore_mem>> -> memref<!tpu.dma_semaphore, #tpu.memory_space<semaphore_mem>>
    %dma_wait3A_839 = arith.constant 0 : i32
    %dma_wait3A_840 = arith.constant 0 : i32
    %dma_wait3A_841 = tpu.memref_slice %arg2[%dma_wait3A_835, %dma_wait3A_839, %dma_wait3A_840] : memref<12x256x2048xf32, #tpu.memory_space<vmem>> -> memref<1x256x2048xf32, #tpu.memory_space<vmem>>
    %dma_wait3A_842 = tpu.memref_squeeze %dma_wait3A_841 : memref<1x256x2048xf32, #tpu.memory_space<vmem>> -> memref<256x2048xf32, #tpu.memory_space<vmem>>
    %dma_wait3A_843 = arith.constant 0 : i32
    %dma_wait3A_844 = arith.constant 0 : i32
    %dma_wait3A_845 = tpu.memref_slice %arg0[%dma_wait3A_834, %dma_wait3A_843, %dma_wait3A_844] : memref<4x2048x2048xf32, #tpu.memory_space<any>> -> memref<1x256x2048xf32, #tpu.memory_space<any>>
    %dma_wait3A_846 = tpu.memref_squeeze %dma_wait3A_845 : memref<1x256x2048xf32, #tpu.memory_space<any>> -> memref<256x2048xf32, #tpu.memory_space<any>>
    tpu.wait_dma2 semaphore(%dma_wait3A_838 : memref<!tpu.dma_semaphore, #tpu.memory_space<semaphore_mem>>) src(%dma_wait3A_846 : memref<256x2048xf32, #tpu.memory_space<any>>) dst(%dma_wait3A_842 : memref<256x2048xf32, #tpu.memory_space<vmem>>)
    %get3A_847 = arith.constant 9 : index
    %get3A_848 = arith.constant 0 : index
    %get3A_849 = arith.constant 0 : index
    %get3A_850 = vector.load %arg2[%get3A_847, %get3A_848, %get3A_849] : memref<12x256x2048xf32, #tpu.memory_space<vmem>>, vector<1x256x2048xf32>
    %get3A_851 = vector.shape_cast %get3A_850 : vector<1x256x2048xf32> to vector<256x2048xf32>
    %reshape3A_852 = vector.shape_cast %get3A_851 : vector<256x2048xf32> to vector<32x8x2048xf32>
    %reduce_sum3A_853 = arith.constant dense<0.000000e+00> : vector<8x2048xf32>
    %reduce_sum3A_854 = vector.multi_reduction <add>, %reshape3A_852, %reduce_sum3A_853 [0] : vector<32x8x2048xf32> to vector<8x2048xf32>
    %dma_wait3A_855 = arith.constant 3 : i32
    %dma_wait3A_856 = arith.constant 10 : i32
    %dma_wait3A_857 = arith.constant 10 : i32
    %dma_wait3A_858 = tpu.memref_slice %arg3[%dma_wait3A_857] : memref<12x!tpu.dma_semaphore, #tpu.memory_space<semaphore_mem>> -> memref<1x!tpu.dma_semaphore, #tpu.memory_space<semaphore_mem>>
    %dma_wait3A_859 = tpu.memref_squeeze %dma_wait3A_858 : memref<1x!tpu.dma_semaphore, #tpu.memory_space<semaphore_mem>> -> memref<!tpu.dma_semaphore, #tpu.memory_space<semaphore_mem>>
    %dma_wait3A_860 = arith.constant 0 : i32
    %dma_wait3A_861 = arith.constant 0 : i32
    %dma_wait3A_862 = tpu.memref_slice %arg2[%dma_wait3A_856, %dma_wait3A_860, %dma_wait3A_861] : memref<12x256x2048xf32, #tpu.memory_space<vmem>> -> memref<1x256x2048xf32, #tpu.memory_space<vmem>>
    %dma_wait3A_863 = tpu.memref_squeeze %dma_wait3A_862 : memref<1x256x2048xf32, #tpu.memory_space<vmem>> -> memref<256x2048xf32, #tpu.memory_space<vmem>>
    %dma_wait3A_864 = arith.constant 256 : i32
    %dma_wait3A_865 = arith.constant 0 : i32
    %dma_wait3A_866 = tpu.memref_slice %arg0[%dma_wait3A_855, %dma_wait3A_864, %dma_wait3A_865] : memref<4x2048x2048xf32, #tpu.memory_space<any>> -> memref<1x256x2048xf32, #tpu.memory_space<any>>
    %dma_wait3A_867 = tpu.memref_squeeze %dma_wait3A_866 : memref<1x256x2048xf32, #tpu.memory_space<any>> -> memref<256x2048xf32, #tpu.memory_space<any>>
    tpu.wait_dma2 semaphore(%dma_wait3A_859 : memref<!tpu.dma_semaphore, #tpu.memory_space<semaphore_mem>>) src(%dma_wait3A_867 : memref<256x2048xf32, #tpu.memory_space<any>>) dst(%dma_wait3A_863 : memref<256x2048xf32, #tpu.memory_space<vmem>>)
    %get3A_868 = arith.constant 10 : index
    %get3A_869 = arith.constant 0 : index
    %get3A_870 = arith.constant 0 : index
    %get3A_871 = vector.load %arg2[%get3A_868, %get3A_869, %get3A_870] : memref<12x256x2048xf32, #tpu.memory_space<vmem>>, vector<1x256x2048xf32>
    %get3A_872 = vector.shape_cast %get3A_871 : vector<1x256x2048xf32> to vector<256x2048xf32>
    %reshape3A_873 = vector.shape_cast %get3A_872 : vector<256x2048xf32> to vector<32x8x2048xf32>
    %reduce_sum3A_874 = arith.constant dense<0.000000e+00> : vector<8x2048xf32>
    %reduce_sum3A_875 = vector.multi_reduction <add>, %reshape3A_873, %reduce_sum3A_874 [0] : vector<32x8x2048xf32> to vector<8x2048xf32>
    %add3A_876 = arith.addf %reduce_sum3A_854, %reduce_sum3A_875 : vector<8x2048xf32>
    %dma_wait3A_877 = arith.constant 3 : i32
    %dma_wait3A_878 = arith.constant 11 : i32
    %dma_wait3A_879 = arith.constant 11 : i32
    %dma_wait3A_880 = tpu.memref_slice %arg3[%dma_wait3A_879] : memref<12x!tpu.dma_semaphore, #tpu.memory_space<semaphore_mem>> -> memref<1x!tpu.dma_semaphore, #tpu.memory_space<semaphore_mem>>
    %dma_wait3A_881 = tpu.memref_squeeze %dma_wait3A_880 : memref<1x!tpu.dma_semaphore, #tpu.memory_space<semaphore_mem>> -> memref<!tpu.dma_semaphore, #tpu.memory_space<semaphore_mem>>
    %dma_wait3A_882 = arith.constant 0 : i32
    %dma_wait3A_883 = arith.constant 0 : i32
    %dma_wait3A_884 = tpu.memref_slice %arg2[%dma_wait3A_878, %dma_wait3A_882, %dma_wait3A_883] : memref<12x256x2048xf32, #tpu.memory_space<vmem>> -> memref<1x256x2048xf32, #tpu.memory_space<vmem>>
    %dma_wait3A_885 = tpu.memref_squeeze %dma_wait3A_884 : memref<1x256x2048xf32, #tpu.memory_space<vmem>> -> memref<256x2048xf32, #tpu.memory_space<vmem>>
    %dma_wait3A_886 = arith.constant 512 : i32
    %dma_wait3A_887 = arith.constant 0 : i32
    %dma_wait3A_888 = tpu.memref_slice %arg0[%dma_wait3A_877, %dma_wait3A_886, %dma_wait3A_887] : memref<4x2048x2048xf32, #tpu.memory_space<any>> -> memref<1x256x2048xf32, #tpu.memory_space<any>>
    %dma_wait3A_889 = tpu.memref_squeeze %dma_wait3A_888 : memref<1x256x2048xf32, #tpu.memory_space<any>> -> memref<256x2048xf32, #tpu.memory_space<any>>
    tpu.wait_dma2 semaphore(%dma_wait3A_881 : memref<!tpu.dma_semaphore, #tpu.memory_space<semaphore_mem>>) src(%dma_wait3A_889 : memref<256x2048xf32, #tpu.memory_space<any>>) dst(%dma_wait3A_885 : memref<256x2048xf32, #tpu.memory_space<vmem>>)
    %get3A_890 = arith.constant 11 : index
    %get3A_891 = arith.constant 0 : index
    %get3A_892 = arith.constant 0 : index
    %get3A_893 = vector.load %arg2[%get3A_890, %get3A_891, %get3A_892] : memref<12x256x2048xf32, #tpu.memory_space<vmem>>, vector<1x256x2048xf32>
    %get3A_894 = vector.shape_cast %get3A_893 : vector<1x256x2048xf32> to vector<256x2048xf32>
    %reshape3A_895 = vector.shape_cast %get3A_894 : vector<256x2048xf32> to vector<32x8x2048xf32>
    %reduce_sum3A_896 = arith.constant dense<0.000000e+00> : vector<8x2048xf32>
    %reduce_sum3A_897 = vector.multi_reduction <add>, %reshape3A_895, %reduce_sum3A_896 [0] : vector<32x8x2048xf32> to vector<8x2048xf32>
    %add3A_898 = arith.addf %add3A_876, %reduce_sum3A_897 : vector<8x2048xf32>
    %dma_wait3A_899 = arith.constant 3 : i32
    %dma_wait3A_900 = arith.constant 0 : i32
    %dma_wait3A_901 = arith.constant 0 : i32
    %dma_wait3A_902 = tpu.memref_slice %arg3[%dma_wait3A_901] : memref<12x!tpu.dma_semaphore, #tpu.memory_space<semaphore_mem>> -> memref<1x!tpu.dma_semaphore, #tpu.memory_space<semaphore_mem>>
    %dma_wait3A_903 = tpu.memref_squeeze %dma_wait3A_902 : memref<1x!tpu.dma_semaphore, #tpu.memory_space<semaphore_mem>> -> memref<!tpu.dma_semaphore, #tpu.memory_space<semaphore_mem>>
    %dma_wait3A_904 = arith.constant 0 : i32
    %dma_wait3A_905 = arith.constant 0 : i32
    %dma_wait3A_906 = tpu.memref_slice %arg2[%dma_wait3A_900, %dma_wait3A_904, %dma_wait3A_905] : memref<12x256x2048xf32, #tpu.memory_space<vmem>> -> memref<1x256x2048xf32, #tpu.memory_space<vmem>>
    %dma_wait3A_907 = tpu.memref_squeeze %dma_wait3A_906 : memref<1x256x2048xf32, #tpu.memory_space<vmem>> -> memref<256x2048xf32, #tpu.memory_space<vmem>>
    %dma_wait3A_908 = arith.constant 768 : i32
    %dma_wait3A_909 = arith.constant 0 : i32
    %dma_wait3A_910 = tpu.memref_slice %arg0[%dma_wait3A_899, %dma_wait3A_908, %dma_wait3A_909] : memref<4x2048x2048xf32, #tpu.memory_space<any>> -> memref<1x256x2048xf32, #tpu.memory_space<any>>
    %dma_wait3A_911 = tpu.memref_squeeze %dma_wait3A_910 : memref<1x256x2048xf32, #tpu.memory_space<any>> -> memref<256x2048xf32, #tpu.memory_space<any>>
    tpu.wait_dma2 semaphore(%dma_wait3A_903 : memref<!tpu.dma_semaphore, #tpu.memory_space<semaphore_mem>>) src(%dma_wait3A_911 : memref<256x2048xf32, #tpu.memory_space<any>>) dst(%dma_wait3A_907 : memref<256x2048xf32, #tpu.memory_space<vmem>>)
    %get3A_912 = arith.constant 0 : index
    %get3A_913 = arith.constant 0 : index
    %get3A_914 = arith.constant 0 : index
    %get3A_915 = vector.load %arg2[%get3A_912, %get3A_913, %get3A_914] : memref<12x256x2048xf32, #tpu.memory_space<vmem>>, vector<1x256x2048xf32>
    %get3A_916 = vector.shape_cast %get3A_915 : vector<1x256x2048xf32> to vector<256x2048xf32>
    %reshape3A_917 = vector.shape_cast %get3A_916 : vector<256x2048xf32> to vector<32x8x2048xf32>
    %reduce_sum3A_918 = arith.constant dense<0.000000e+00> : vector<8x2048xf32>
    %reduce_sum3A_919 = vector.multi_reduction <add>, %reshape3A_917, %reduce_sum3A_918 [0] : vector<32x8x2048xf32> to vector<8x2048xf32>
    %add3A_920 = arith.addf %add3A_898, %reduce_sum3A_919 : vector<8x2048xf32>
    %dma_wait3A_921 = arith.constant 3 : i32
    %dma_wait3A_922 = arith.constant 1 : i32
    %dma_wait3A_923 = arith.constant 1 : i32
    %dma_wait3A_924 = tpu.memref_slice %arg3[%dma_wait3A_923] : memref<12x!tpu.dma_semaphore, #tpu.memory_space<semaphore_mem>> -> memref<1x!tpu.dma_semaphore, #tpu.memory_space<semaphore_mem>>
    %dma_wait3A_925 = tpu.memref_squeeze %dma_wait3A_924 : memref<1x!tpu.dma_semaphore, #tpu.memory_space<semaphore_mem>> -> memref<!tpu.dma_semaphore, #tpu.memory_space<semaphore_mem>>
    %dma_wait3A_926 = arith.constant 0 : i32
    %dma_wait3A_927 = arith.constant 0 : i32
    %dma_wait3A_928 = tpu.memref_slice %arg2[%dma_wait3A_922, %dma_wait3A_926, %dma_wait3A_927] : memref<12x256x2048xf32, #tpu.memory_space<vmem>> -> memref<1x256x2048xf32, #tpu.memory_space<vmem>>
    %dma_wait3A_929 = tpu.memref_squeeze %dma_wait3A_928 : memref<1x256x2048xf32, #tpu.memory_space<vmem>> -> memref<256x2048xf32, #tpu.memory_space<vmem>>
    %dma_wait3A_930 = arith.constant 1024 : i32
    %dma_wait3A_931 = arith.constant 0 : i32
    %dma_wait3A_932 = tpu.memref_slice %arg0[%dma_wait3A_921, %dma_wait3A_930, %dma_wait3A_931] : memref<4x2048x2048xf32, #tpu.memory_space<any>> -> memref<1x256x2048xf32, #tpu.memory_space<any>>
    %dma_wait3A_933 = tpu.memref_squeeze %dma_wait3A_932 : memref<1x256x2048xf32, #tpu.memory_space<any>> -> memref<256x2048xf32, #tpu.memory_space<any>>
    tpu.wait_dma2 semaphore(%dma_wait3A_925 : memref<!tpu.dma_semaphore, #tpu.memory_space<semaphore_mem>>) src(%dma_wait3A_933 : memref<256x2048xf32, #tpu.memory_space<any>>) dst(%dma_wait3A_929 : memref<256x2048xf32, #tpu.memory_space<vmem>>)
    %get3A_934 = arith.constant 1 : index
    %get3A_935 = arith.constant 0 : index
    %get3A_936 = arith.constant 0 : index
    %get3A_937 = vector.load %arg2[%get3A_934, %get3A_935, %get3A_936] : memref<12x256x2048xf32, #tpu.memory_space<vmem>>, vector<1x256x2048xf32>
    %get3A_938 = vector.shape_cast %get3A_937 : vector<1x256x2048xf32> to vector<256x2048xf32>
    %reshape3A_939 = vector.shape_cast %get3A_938 : vector<256x2048xf32> to vector<32x8x2048xf32>
    %reduce_sum3A_940 = arith.constant dense<0.000000e+00> : vector<8x2048xf32>
    %reduce_sum3A_941 = vector.multi_reduction <add>, %reshape3A_939, %reduce_sum3A_940 [0] : vector<32x8x2048xf32> to vector<8x2048xf32>
    %add3A_942 = arith.addf %add3A_920, %reduce_sum3A_941 : vector<8x2048xf32>
    %dma_wait3A_943 = arith.constant 3 : i32
    %dma_wait3A_944 = arith.constant 2 : i32
    %dma_wait3A_945 = arith.constant 2 : i32
    %dma_wait3A_946 = tpu.memref_slice %arg3[%dma_wait3A_945] : memref<12x!tpu.dma_semaphore, #tpu.memory_space<semaphore_mem>> -> memref<1x!tpu.dma_semaphore, #tpu.memory_space<semaphore_mem>>
    %dma_wait3A_947 = tpu.memref_squeeze %dma_wait3A_946 : memref<1x!tpu.dma_semaphore, #tpu.memory_space<semaphore_mem>> -> memref<!tpu.dma_semaphore, #tpu.memory_space<semaphore_mem>>
    %dma_wait3A_948 = arith.constant 0 : i32
    %dma_wait3A_949 = arith.constant 0 : i32
    %dma_wait3A_950 = tpu.memref_slice %arg2[%dma_wait3A_944, %dma_wait3A_948, %dma_wait3A_949] : memref<12x256x2048xf32, #tpu.memory_space<vmem>> -> memref<1x256x2048xf32, #tpu.memory_space<vmem>>
    %dma_wait3A_951 = tpu.memref_squeeze %dma_wait3A_950 : memref<1x256x2048xf32, #tpu.memory_space<vmem>> -> memref<256x2048xf32, #tpu.memory_space<vmem>>
    %dma_wait3A_952 = arith.constant 1280 : i32
    %dma_wait3A_953 = arith.constant 0 : i32
    %dma_wait3A_954 = tpu.memref_slice %arg0[%dma_wait3A_943, %dma_wait3A_952, %dma_wait3A_953] : memref<4x2048x2048xf32, #tpu.memory_space<any>> -> memref<1x256x2048xf32, #tpu.memory_space<any>>
    %dma_wait3A_955 = tpu.memref_squeeze %dma_wait3A_954 : memref<1x256x2048xf32, #tpu.memory_space<any>> -> memref<256x2048xf32, #tpu.memory_space<any>>
    tpu.wait_dma2 semaphore(%dma_wait3A_947 : memref<!tpu.dma_semaphore, #tpu.memory_space<semaphore_mem>>) src(%dma_wait3A_955 : memref<256x2048xf32, #tpu.memory_space<any>>) dst(%dma_wait3A_951 : memref<256x2048xf32, #tpu.memory_space<vmem>>)
    %get3A_956 = arith.constant 2 : index
    %get3A_957 = arith.constant 0 : index
    %get3A_958 = arith.constant 0 : index
    %get3A_959 = vector.load %arg2[%get3A_956, %get3A_957, %get3A_958] : memref<12x256x2048xf32, #tpu.memory_space<vmem>>, vector<1x256x2048xf32>
    %get3A_960 = vector.shape_cast %get3A_959 : vector<1x256x2048xf32> to vector<256x2048xf32>
    %reshape3A_961 = vector.shape_cast %get3A_960 : vector<256x2048xf32> to vector<32x8x2048xf32>
    %reduce_sum3A_962 = arith.constant dense<0.000000e+00> : vector<8x2048xf32>
    %reduce_sum3A_963 = vector.multi_reduction <add>, %reshape3A_961, %reduce_sum3A_962 [0] : vector<32x8x2048xf32> to vector<8x2048xf32>
    %add3A_964 = arith.addf %add3A_942, %reduce_sum3A_963 : vector<8x2048xf32>
    %dma_wait3A_965 = arith.constant 3 : i32
    %dma_wait3A_966 = arith.constant 3 : i32
    %dma_wait3A_967 = arith.constant 3 : i32
    %dma_wait3A_968 = tpu.memref_slice %arg3[%dma_wait3A_967] : memref<12x!tpu.dma_semaphore, #tpu.memory_space<semaphore_mem>> -> memref<1x!tpu.dma_semaphore, #tpu.memory_space<semaphore_mem>>
    %dma_wait3A_969 = tpu.memref_squeeze %dma_wait3A_968 : memref<1x!tpu.dma_semaphore, #tpu.memory_space<semaphore_mem>> -> memref<!tpu.dma_semaphore, #tpu.memory_space<semaphore_mem>>
    %dma_wait3A_970 = arith.constant 0 : i32
    %dma_wait3A_971 = arith.constant 0 : i32
    %dma_wait3A_972 = tpu.memref_slice %arg2[%dma_wait3A_966, %dma_wait3A_970, %dma_wait3A_971] : memref<12x256x2048xf32, #tpu.memory_space<vmem>> -> memref<1x256x2048xf32, #tpu.memory_space<vmem>>
    %dma_wait3A_973 = tpu.memref_squeeze %dma_wait3A_972 : memref<1x256x2048xf32, #tpu.memory_space<vmem>> -> memref<256x2048xf32, #tpu.memory_space<vmem>>
    %dma_wait3A_974 = arith.constant 1536 : i32
    %dma_wait3A_975 = arith.constant 0 : i32
    %dma_wait3A_976 = tpu.memref_slice %arg0[%dma_wait3A_965, %dma_wait3A_974, %dma_wait3A_975] : memref<4x2048x2048xf32, #tpu.memory_space<any>> -> memref<1x256x2048xf32, #tpu.memory_space<any>>
    %dma_wait3A_977 = tpu.memref_squeeze %dma_wait3A_976 : memref<1x256x2048xf32, #tpu.memory_space<any>> -> memref<256x2048xf32, #tpu.memory_space<any>>
    tpu.wait_dma2 semaphore(%dma_wait3A_969 : memref<!tpu.dma_semaphore, #tpu.memory_space<semaphore_mem>>) src(%dma_wait3A_977 : memref<256x2048xf32, #tpu.memory_space<any>>) dst(%dma_wait3A_973 : memref<256x2048xf32, #tpu.memory_space<vmem>>)
    %get3A_978 = arith.constant 3 : index
    %get3A_979 = arith.constant 0 : index
    %get3A_980 = arith.constant 0 : index
    %get3A_981 = vector.load %arg2[%get3A_978, %get3A_979, %get3A_980] : memref<12x256x2048xf32, #tpu.memory_space<vmem>>, vector<1x256x2048xf32>
    %get3A_982 = vector.shape_cast %get3A_981 : vector<1x256x2048xf32> to vector<256x2048xf32>
    %reshape3A_983 = vector.shape_cast %get3A_982 : vector<256x2048xf32> to vector<32x8x2048xf32>
    %reduce_sum3A_984 = arith.constant dense<0.000000e+00> : vector<8x2048xf32>
    %reduce_sum3A_985 = vector.multi_reduction <add>, %reshape3A_983, %reduce_sum3A_984 [0] : vector<32x8x2048xf32> to vector<8x2048xf32>
    %add3A_986 = arith.addf %add3A_964, %reduce_sum3A_985 : vector<8x2048xf32>
    %swap3A_987 = arith.constant 3 : index
    %swap3A_988 = arith.constant 0 : index
    %swap3A_989 = arith.constant 0 : index
    %swap3A_990 = vector.load %arg1[%swap3A_987, %swap3A_988, %swap3A_989] : memref<4x8x2048xf32, #tpu.memory_space<vmem>>, vector<1x8x2048xf32>
    %swap3A_991 = vector.shape_cast %swap3A_990 : vector<1x8x2048xf32> to vector<8x2048xf32>
    %swap3A_992 = vector.shape_cast %add3A_986 : vector<8x2048xf32> to vector<1x8x2048xf32>
    tpu.vector_store %arg1[%swap3A_987, %swap3A_988, %swap3A_989], %swap3A_992 {strides = array<i32>} : memref<4x8x2048xf32, #tpu.memory_space<vmem>>, vector<1x8x2048xf32>,
    return
  }
}

</mosaic_0001>

<sc_bundles>
// kernel: kernel.5.cloned.1.call-start
scs
__scs_entry_jumppad:
0x0: {  	(pc) =	sbr.rel $0x88, $3  }
0x1: {  	(tag) =	ssettag $0x0;
	lr =	simm.s32 $0x1  }
0x2: {  	[smem:$0x3F97] =	sst lr;
	_ =	strace $0xD0000000  }
0x3: {  	_ = 	snop  }
0x4: {  	_ = 	snop  }
0x5: {  	_ = 	snop  }
0x6: {  	_ = 	snop  }
0x7: {  	_ = 	snop  }
__scs_overlays_trampoline_lowered:
0x8: {  	[smem:$0x3FA6] =	sst s0  }
0x9: {  	[smem:$0x3FA7] =	sst s1  }
0xa: {  	[smem:$0x3FA8] =	sst s2  }
0xb: {  	[smem:$0x3FA9] =	sst s3  }
0xc: {  	[smem:$0x3FAA] =	sst s4  }
0xd: {  	[smem:$0x3FAB] =	sst s5  }
0xe: {  	[smem:$0x3FAC] =	sst s6  }
0xf: {  	[smem:$0x3FAD] =	sst s7  }
0x10: {  	[smem:$0x3FAE] =	sst s8  }
0x11: {  	[smem:$0x3FAF] =	sst s9;
	s0 =	simm.s32 @!p0 $0x0  }
0x12: {  	s1 =	sld [smem:$0x3F95];
	s0 =	simm.s32 @p0 $0x1  }
0x13: {  	[smem:$0x3FB0] =	sst s0;
	s0 =	simm.s32 @!p1 $0x0  }
0x14: {  	s2 =	sld [smem:$0x3F94];
	s0 =	simm.s32 @p1 $0x1  }
0x15: {  	[smem:$0x3FB1] =	sst s0;
	s0 =	simm.s32 @!p2 $0x0  }
0x16: {  	s3 =	sld [smem:$0x3FDB];
	s0 =	simm.s32 @p2 $0x1  }
0x17: {  	s4 =	simm.s32 $0x1BF5;
	[smem:$0x3FB3] =	sst s0  }
0x18: {  	s0 =	sld [smem:$0x3F96];
	_ =	swait.ge [sflag:s4], $0x0  }
0x19: {  	s7 =	sld [smem:$0x3F97]  }
0x1a: {  	s8 =	sadd.s32 $0xFFFFE003, lr  }
0x1b: {  	s9 =	sadd.s32 $0xFFFFFEF7, lr;
	s5 =	simm.s32 $0xFFFFFFFF;
	p2 =	slt.u32 s8, $0xFFFFF086  }
0x1c: {  	p1 =	slt.u32 s9, $0xF7A;
	s5 =	simm.s32 @!p2 $0x0  }
0x1d: {  	s5 =	simm.s32 @p1 $0x1;
	p0 =	seq.s32 s7, s2  }
0x1e: {  	s7 =	smul.u32 @!p0 $0xF7A, s2;
	p2 =	seq.s32 @!p0 s5, $0x0  }
0x1f: {  	s9 =	smul.u32 $0xF7A, s1;
	s8 =	simm.s32 @!p0 $0x1BF5;
	p2 =	por !p2, p0  }
0x20: {  	[sflag:s8] =	ssyncset.s32 @!p0 $0xFFFFF086;
	s6 =	sadd.s32 @!p0 s3, s7;
	s7 =	simm.s32 @!p0 $0x108  }
0x21: {  	s3 =	sadd.s32 s3, s9;
	s6 =	sadd.s32 @!p0 $0x88, s6;
	s7 =	simm.s32 @p2 $0x1082  }
0x22: {  	[simem:s7], [sflag:s8] =	dma.local @!p0 [hbm:s6], $0xF7A  }
0x23: {  	s9 =	sor.u32 $0xD0000000, s2;
	s6 =	simm.s32 $0x108;
	_ =	swait.ge @!p0 [sflag:s8], $0x0  }
0x24: {  	s3 =	sadd.s32 $0x88, s3;
	s6 =	simm.s32 @!p1 $0x1082;
	[sflag:s4] =	ssyncset.s32 $0xFFFFF086  }
0x25: {  	[simem:s6], [sflag:s4] =	dma.local [hbm:s3], $0xF7A  }
0x26: {  	[smem:$0x3F97] =	sst s1;
	(tag) =	ssettag s2;
	_ =	strace s9  }
0x27: {  	s1 =	sld [smem:$0x3FA7]  }
0x28: {  	s2 =	sld [smem:$0x3FA8]  }
0x29: {  	s4 =	sld [smem:$0x3FAA]  }
0x2a: {  	p0 =	seq.s32 s5, $0x0;
	s5 =	sld [smem:$0x3FAB]  }
0x2b: {  	s6 =	sld [smem:$0x3FAC]  }
0x2c: {  	s7 =	sld [smem:$0x3FAD]  }
0x2d: {  	s3 =	simm.s32 $0x108;
	s8 =	sld [smem:$0x3FAE]  }
0x2e: {  	s3 =	simm.s32 @!p0 $0x1082;
	s9 =	sld [smem:$0x3FAF]  }
0x2f: {  	lr =	sadd.s32 s0, s3;
	s0 =	sld [smem:$0x3FA6]  }
0x30: {  	s3 =	sld [smem:$0x3FA9]  }
0x31: {  	[smem:$0x3FB2] =	sst s10  }
0x32: {  	s10 =	sld [smem:$0x3FB0];
	_ =	sdelay $0x3  }
0x33: {  	p0 =	seq.s32 s10, $0x1;
	s10 =	sld [smem:$0x3FB2];
	_ =	sdelay $0x3  }
0x34: {  	[smem:$0x3FB2] =	sst s10  }
0x35: {  	s10 =	sld [smem:$0x3FB1];
	_ =	sdelay $0x3  }
0x36: {  	p1 =	seq.s32 s10, $0x1;
	s10 =	sld [smem:$0x3FB2];
	_ =	sdelay $0x3  }
0x37: {  	[smem:$0x3FB2] =	sst s10  }
0x38: {  	s10 =	sld [smem:$0x3FB3]  }
0x39: {  	_ = 	snop;
	(pc) =	sbr.ind lr, $3  }
0x3a: {  	_ = 	snop  }
0x3b: {  	_ = 	snop  }
0x3c: {  	p2 =	seq.s32 s10, $0x1;
	s10 =	sld [smem:$0x3FB2]  }
0x3d: {  	_ =	shalt  }
0x3e: {  	_ =	shalt  }
0x3f: {  	_ =	shalt  }
0x40: {  	_ =	shalt  }
0x41: {  	_ =	shalt  }
0x42: {  	_ =	shalt  }
0x43: {  	_ =	shalt  }
0x44: {  	_ =	shalt  }
0x45: {  	_ =	shalt  }
0x46: {  	_ =	shalt  }
0x47: {  	_ =	shalt  }
0x48: {  	_ =	shalt  }
0x49: {  	_ =	shalt  }
0x4a: {  	_ =	shalt  }
0x4b: {  	_ =	shalt  }
0x4c: {  	_ =	shalt  }
0x4d: {  	_ =	shalt  }
0x4e: {  	_ =	shalt  }
0x4f: {  	_ =	shalt  }
0x50: {  	_ =	shalt  }
0x51: {  	_ =	shalt  }
0x52: {  	_ =	shalt  }
0x53: {  	_ =	shalt  }
0x54: {  	_ =	shalt  }
0x55: {  	_ =	shalt  }
0x56: {  	_ =	shalt  }
0x57: {  	_ =	shalt  }
0x58: {  	_ =	shalt  }
0x59: {  	_ =	shalt  }
0x5a: {  	_ =	shalt  }
0x5b: {  	_ =	shalt  }
0x5c: {  	_ =	shalt  }
0x5d: {  	_ =	shalt  }
0x5e: {  	_ =	shalt  }
0x5f: {  	_ =	shalt  }
0x60: {  	_ =	shalt  }
0x61: {  	_ =	shalt  }
0x62: {  	_ =	shalt  }
0x63: {  	_ =	shalt  }
0x64: {  	_ =	shalt  }
0x65: {  	_ =	shalt  }
0x66: {  	_ =	shalt  }
0x67: {  	_ =	shalt  }
0x68: {  	_ =	shalt  }
0x69: {  	_ =	shalt  }
0x6a: {  	_ =	shalt  }
0x6b: {  	_ =	shalt  }
0x6c: {  	_ =	shalt  }
0x6d: {  	_ =	shalt  }
0x6e: {  	_ =	shalt  }
0x6f: {  	_ =	shalt  }
0x70: {  	_ =	shalt  }
0x71: {  	_ =	shalt  }
0x72: {  	_ =	shalt  }
0x73: {  	_ =	shalt  }
0x74: {  	_ =	shalt  }
0x75: {  	_ =	shalt  }
0x76: {  	_ =	shalt  }
0x77: {  	_ =	shalt  }
0x78: {  	_ =	shalt  }
0x79: {  	_ =	shalt  }
0x7a: {  	_ =	shalt  }
0x7b: {  	_ =	shalt  }
0x7c: {  	_ =	shalt  }
0x7d: {  	_ =	shalt  }
0x7e: {  	_ =	shalt  }
0x7f: {  	_ =	shalt  }
0x80: {  	_ =	shalt  }
0x81: {  	_ =	shalt  }
0x82: {  	_ =	shalt  }
0x83: {  	_ =	shalt  }
0x84: {  	_ =	shalt  }
0x85: {  	_ =	shalt  }
0x86: {  	_ =	shalt  }
0x87: {  	_ =	shalt  }
.Lfunc_end0:
.L_simem_size_0:
called_computation_lowered:
.L_overlay_start_0:
0x88: {  	s2 =	sld [smem:$0x3FD9]  }
0x89: {  	s3 =	sld [smem:$0x3FFE];
	_ =	sdelay $0x1  }
0x8a: {  	s1 =	srdreg.scid  }
0x8b: {  	s0 =	sand.u32 $0x1, s1  }
0x8c: {  	s18 =	sshll.u32 s0, $0xA;
	s2 =	sadd.s32 s3, s2  }
0x8d: {  	s2 =	sadd.s32 s2, s18  }
0x8e: {  	[smem:$0x3FBE] =	sst s2  }
0x8f: {  	_ = 	snop  }
0x90: {  	s2 =	sld [smem:$0x3FC8]  }
0x91: {  	s19 =	sld [smem:$0x3FD0];
	(tm) =	ssettm $0x1  }
0x92: {  	s4 =	sld [smem:$0x3FFB];
	_ =	sdelay $0x3  }
0x93: {  	_ =	strace s4  }
0x94: {  	s4 =	sld [smem:$0x3FFC];
	_ =	sdelay $0x3  }
0x95: {  	_ =	strace s4  }
0x96: {  	s4 =	sld [smem:$0x3FFD];
	_ =	sdelay $0x3  }
0x97: {  	_ =	strace s4  }
0x98: {  	_ =	strace $0x8FFFFFFF  }
0x99: {  	s20 =	sld [smem:$0x3FDB];
	_ =	sdelay $0x1  }
0x9a: {  	s5 =	simm.s32 $_scs_section_size  }
0x9b: {  	s6 =	simm.s32 $_size__tile_overlayer_lowered;
	s7 =	simm.s32 $_tile_overlayer_lowered  }
0x9c: {  	s23 =	simm.s32 $0x1BFF;
	s22 =	sshll.u32 s7, $0x1;
	s4 =	sadd.s32 s5, s20  }
0x9d: {  	s8 =	simm.s32 $0x0;
	s21 =	sshll.u32 s6, $0x1;
	s6 =	sadd.s32 s22, s4  }
0x9e: {  	[timem:s8], [sflag:s23] =	dma.local [hbm:s6], s21  }
0x9f: {  	_ =	swait.ge [sflag:s23], s21  }
0xa0: {  	s5 =	ssub.s32 $0x0, s21;
	[sflag:s23] =	ssyncset.done $0x0  }
0xa1: {  	[sflag:s23] =	ssyncadd.s32 s5;
	_ =	sdelay $0x1  }
0xa2: {  	s24 =	simm.s32 $0x1B8B  }
0xa3: {  	_ =	swait.ge [sflag:s24], $0x1  }
0xa4: {  	[sflag:s24] =	ssyncset.done $0x0  }
0xa5: {  	s25 =	simm.s32 $0x1B8E;
	[sflag:s24] =	ssyncadd.s32 $0xFFFFFFFF  }
0xa6: {  	s26 =	simm.s32 $execute0_lowered;
	[smem:$0x3FD2] =	sst s25  }
0xa7: {  	s5 =	sshll.u32 s26, $0x1;
	_ =	strace $0x80000046;
	[dreg:$0x1] =	wrdreg $0xFFFFFFFF  }
0xa8: {  	s28 =	simm.s32 $_size_execute0_lowered;
	s4 =	sadd.s32 s4, s5;
	[dreg:$0x0] =	wrdreg $0x0  }
0xa9: {  	s5 =	sshll.u32 s28, $0x1;
	[dreg:$0x2] =	wrdreg s4  }
0xaa: {  	[dreg:$0x3] =	wrdreg s5  }
0xab: {  	[dreg:$0x4] =	wrdreg $0xC0  }
0xac: {  	_ =	task [dreg:s8], $0x5FFFF  }
0xad: {  	[dreg:$0x1] =	wrdreg $0xFFFFFFFF  }
0xae: {  	[dreg:$0x0] =	wrdreg $0x60  }
0xaf: {  	[dreg:$0x2] =	wrdreg s2  }
0xb0: {  	[dreg:$0x3] =	wrdreg s19  }
0xb1: {  	[dreg:$0x4] =	wrdreg $0x9  }
0xb2: {  	_ =	task.clear_ibuf [dreg:s8], $0x5FFFF;
	_ =	strace $0x90000046  }
0xb3: {  	s29 =	simm.s32 $0x9;
	_ =	strace $0x80000048  }
0xb4: {  	_ =	swait.ge [sflag:s29], $0x1  }
0xb5: {  	[sflag:s29] =	ssyncadd.s32 $0xFFFFFFFF  }
0xb6: {  	_ =	strace $0x90000048  }
0xb7: {  	_ =	sfence  }
0xb8: {  	s30 =	sld [smem:$0x0];
	_ =	sdelay $0x2  }
0xb9: {  	s31 =	sshll.u32 s1, $0xD;
	s1 =	sshrl.u32 s1, $0x2  }
0xba: {  	s3 =	sand.u32 $0x4000, s31;
	s1 =	sadd.s32 s1, s30  }
0xbb: {  	s0 =	sor.u32 s3, s0;
	s1 =	sshll.u32 s1, $0x11  }
0xbc: {  	s0 =	sor.u32 s1, s0  }
0xbd: {  	s0 =	sadd.s32 $0x8F2B, s0  }
0xbe: {  	[sflag:s0] =	ssyncadd.remote.s32 $0x1  }
0xbf: {  	_ =	sfence.sel $0xFFFF  }
0xc0: {  	[dreg:$0x0] =	wrdreg $0xFFFFFFFF;
	(pc) =	sbr.abs _section_cstart, $3  }
0xc1: {  	[dreg:$0x1] =	wrdreg $0xFFFFFFFF  }
0xc2: {  	_ =	task.clear_ibuf [dreg:s8], $0x2FFFF;
	_ =	strace $0x9FFFFFFF  }
0xc3: {  	(tm) =	ssettm $0x7FFFFFFF  }
tec
execute0_lowered:
.L_overlay_start_1:
0x0: {  	(tag) =	ssettag $0x1  }
0x1: {  	s0 =	stileid.u32;
	s3 =	rddreg [dreg:$0x0]  }
0x2: {  	s1 =	srdreg.scid;
	s5 =	rddreg [dreg:$0x1]  }
0x3: {  	s11 =	simm.s32 $0x8000;
	s12 =	simm.s32 $0xC000;
	s13 =	simm.s32 $0x1  }
0x4: {  	s14 =	simm.s32 $0x2;
	s15 =	simm.s32 $0x3;
	s16 =	simm.s32 $0x4  }
0x5: {  	s17 =	simm.s32 $0x10000;
	s18 =	simm.s32 $0x5;
	s19 =	simm.s32 $0x0  }
0x6: {  	s2 =	sshll.u32 s0, $0x1;
	s4 =	sand.u32 $0x1, s1;
	s7 =	sshrl.u32 s0, $0x3  }
0x7: {  	s1 =	rddreg [dreg:$0x2];
	s2 =	sand.u32 $0xE, s2;
	s8 =	sshll.u32 s7, $0xF  }
0x8: {  	s7 =	sshll.u32 s7, $0xA;
	s6 =	sor.u32 s4, s2;
	s2 =	simm.s32 $0x0  }
0x9: {  	s4 =	ssub.s32 $0x2, s4;
	s7 =	sadd.s32 s5, s7;
	s9 =	sshll.u32 s6, $0x7  }
0xa: {  	[smem:$0x7FF] =	sst s2;
	s31 =	sshrl.u32 s4, $0x1;
	s10 =	sshll.u32 s6, $0x6  }
0xb: {  	s8 =	sor.u32 s8, s9;
	_ =	strace $0x80000047;
	s9 =	ssub.s32 s4, s31  }
0xc: {  	s7 =	sadd.s32 s10, s7;
	s10 =	simm.s32 $0x4000;
	s8 =	sadd.s32 s8, s3  }
0xd: {  	s3 =	sadd.s32 $0x70000, s8;
	s4 =	sadd.s32 $0xF0000, s8;
	s5 =	sadd.s32 $0x170000, s8  }
0xe: {  	s6 =	sadd.s32 $0x1F0000, s8;
	s8 =	smax.u32 s9, $0x1;
	s9 =	simm.s32 $0x400  }
.LBB2_1:
0xf: {  	[tilespmem:s2], [sflag:$0x1] =	stream.strided.gather [hbm4b:s3+s9], $0x4000, s10, s9, $0x38;
	[tilespmem:$0x10200] =	vst v63  }
0x10: {  	_ = 	snop  }
0x11: {  	[tilespmem:s10], [sflag:$0x2] =	stream.strided.gather [hbm4b:s4+s9], $0x4000, s10, s9, $0x38;
	[tilespmem:$0x10200] =	vst v63  }
0x12: {  	_ = 	snop  }
0x13: {  	[tilespmem:s11], [sflag:$0x3] =	stream.strided.gather [hbm4b:s5+s9], $0x4000, s10, s9, $0x38;
	[tilespmem:$0x10200] =	vst v63  }
0x14: {  	_ = 	snop  }
0x15: {  	[tilespmem:s12], [sflag:$0x4] =	stream.strided.gather [hbm4b:s6+s9], $0x4000, s10, s9, $0x38;
	[tilespmem:$0x10200] =	vst v63  }
0x16: {  	_ =	swait.ge [sflag:s13], $0x4000  }
0x17: {  	[sflag:s13] =	ssyncset.done $0x0  }
0x18: {  	s22 =	simm.s32 $0x0;
	[sflag:s13] =	ssyncadd.s32 $0xFFFFC000  }
0x19: {  	v0 =	vld [tilespmem:s22+$0x70]  }
0x1a: {  	v2 =	vld [tilespmem:s22+$0x0]  }
0x1b: {  	v3 =	vld [tilespmem:s22+$0x10]  }
0x1c: {  	v11 =	vld [tilespmem:s22+$0x20]  }
0x1d: {  	v10 =	vld [tilespmem:s22+$0x30]  }
0x1e: {  	v1 =	vimm.f32 $0.0e+00;
	v6 =	vimm.f32 $0.0e+00;
	v7 =	vld [tilespmem:s22+$0x40]  }
0x1f: {  	v8 =	vimm.f32 $0.0e+00;
	v4 =	vimm.f32 $0.0e+00;
	v9 =	vld [tilespmem:s22+$0x50];
	v0 =	vadd.f32 v0, v1  }
0x20: {  	s20 =	simm.s32 $0x80;
	s21 =	simm.s32 $0x400;
	v12 =	vld [tilespmem:s22+$0x60];
	v5 =	vadd.f32 v2, v1;
	v3 =	vadd.f32 v3, v1;
	v2 =	vimm.f32 $0.0e+00  }
.LBB2_2:
0x21: {  	p0 =	sne.s32 s21, $0xFE00;
	v13 =	vld [tilespmem:s20+$0x70];
	v1 =	vadd.f32 v11, v1  }
0x22: {  	v14 =	vld [tilespmem:s20+$0x0];
	v6 =	vadd.f32 v10, v6  }
0x23: {  	v15 =	vld [tilespmem:s20+$0x10];
	v8 =	vadd.f32 v7, v8  }
.Ltmp0:
0x24: {  	v11 =	vld [tilespmem:s20+$0x20];
	v4 =	vadd.f32 v9, v4;
	(pc) =	sbr.rel @p0 .LBB2_2-.Ltmp0, $4  }
0x25: {  	v10 =	vld [tilespmem:s20+$0x30];
	v2 =	vadd.f32 v12, v2  }
0x26: {  	v7 =	vld [tilespmem:s20+$0x40];
	v0 =	vadd.f32 v13, v0  }
0x27: {  	v5 =	vadd.f32 v14, v5;
	v9 =	vld [tilespmem:s20+$0x50]  }
0x28: {  	v3 =	vadd.f32 v15, v3;
	v12 =	vld [tilespmem:s20+$0x60];
	s20 =	sshra.s32 s21, $0x2;
	s21 =	sadd.s32 $0x200, s21  }
0x29: {  	v14 =	vld [tilespmem:s20+$0x0]  }
0x2a: {  	v15 =	vld [tilespmem:s20+$0x10]  }
0x2b: {  	v16 =	vld [tilespmem:s20+$0x20]  }
0x2c: {  	v13 =	vld [tilespmem:s20+$0x70]  }
0x2d: {  	v6 =	vadd.f32 v10, v6;
	v10 =	vld [tilespmem:s20+$0x60]  }
0x2e: {  	v17 =	vld [tilespmem:s20+$0x30];
	v1 =	vadd.f32 v11, v1;
	v5 =	vadd.f32 v14, v5  }
0x2f: {  	v18 =	vld [tilespmem:s20+$0x40];
	v3 =	vadd.f32 v15, v3  }
0x30: {  	v11 =	vld [tilespmem:s20+$0x50];
	v2 =	vadd.f32 v12, v2;
	v1 =	vadd.f32 v16, v1;
	[tilespmem:$0x10000] =	vst v5  }
0x31: {  	v0 =	vadd.f32 v13, v0;
	[tilespmem:$0x10010] =	vst v3  }
0x32: {  	v7 =	vadd.f32 v7, v8;
	v2 =	vadd.f32 v10, v2;
	[tilespmem:$0x10020] =	vst v1  }
0x33: {  	v4 =	vadd.f32 v9, v4;
	v5 =	vadd.f32 v17, v6;
	[tilespmem:$0x10070] =	vst v0  }
0x34: {  	v3 =	vadd.f32 v18, v7;
	[tilespmem:$0x10060] =	vst v2  }
0x35: {  	v1 =	vadd.f32 v11, v4;
	[tilespmem:$0x10030] =	vst v5  }
0x36: {  	[tilespmem:$0x10040] =	vst v3  }
0x37: {  	[tilespmem:$0x10050] =	vst v1  }
0x38: {  	_ =	swait.ge [sflag:s14], $0x4000  }
0x39: {  	[sflag:s14] =	ssyncset.done $0x0  }
0x3a: {  	s22 =	simm.s32 $0x0;
	[sflag:s14] =	ssyncadd.s32 $0xFFFFC000  }
0x3b: {  	v0 =	vld [tilespmem:s22+$0x4070]  }
0x3c: {  	v2 =	vld [tilespmem:s22+$0x4000]  }
0x3d: {  	v3 =	vld [tilespmem:s22+$0x4010]  }
0x3e: {  	v11 =	vld [tilespmem:s22+$0x4020]  }
0x3f: {  	v10 =	vld [tilespmem:s22+$0x4030]  }
0x40: {  	v8 =	vimm.f32 $0.0e+00;
	v1 =	vimm.f32 $0.0e+00;
	v7 =	vld [tilespmem:s22+$0x4040]  }
0x41: {  	v6 =	vimm.f32 $0.0e+00;
	v4 =	vimm.f32 $0.0e+00;
	v9 =	vld [tilespmem:s22+$0x4050];
	v0 =	vadd.f32 v0, v1  }
0x42: {  	s21 =	simm.s32 $0x400;
	s20 =	simm.s32 $0x80;
	v12 =	vld [tilespmem:s22+$0x4060];
	v5 =	vadd.f32 v2, v1;
	v3 =	vadd.f32 v3, v1;
	v2 =	vimm.f32 $0.0e+00  }
.LBB2_4:
0x43: {  	p0 =	sne.s32 s21, $0xFE00;
	v13 =	vld [tilespmem:s20+$0x4070];
	v1 =	vadd.f32 v11, v1  }
0x44: {  	v14 =	vld [tilespmem:s20+$0x4000];
	v6 =	vadd.f32 v10, v6  }
0x45: {  	v15 =	vld [tilespmem:s20+$0x4010];
	v8 =	vadd.f32 v7, v8  }
.Ltmp1:
0x46: {  	v11 =	vld [tilespmem:s20+$0x4020];
	v4 =	vadd.f32 v9, v4;
	(pc) =	sbr.rel @p0 .LBB2_4-.Ltmp1, $4  }
0x47: {  	v10 =	vld [tilespmem:s20+$0x4030];
	v2 =	vadd.f32 v12, v2  }
0x48: {  	v7 =	vld [tilespmem:s20+$0x4040];
	v0 =	vadd.f32 v13, v0  }
0x49: {  	v5 =	vadd.f32 v14, v5;
	v9 =	vld [tilespmem:s20+$0x4050]  }
0x4a: {  	v3 =	vadd.f32 v15, v3;
	v12 =	vld [tilespmem:s20+$0x4060];
	s20 =	sshra.s32 s21, $0x2;
	s21 =	sadd.s32 $0x200, s21  }
0x4b: {  	v14 =	vld [tilespmem:s20+$0x4000]  }
0x4c: {  	v15 =	vld [tilespmem:s20+$0x4010]  }
0x4d: {  	v16 =	vld [tilespmem:s20+$0x4020]  }
0x4e: {  	v13 =	vld [tilespmem:s20+$0x4070]  }
0x4f: {  	v6 =	vadd.f32 v10, v6;
	v10 =	vld [tilespmem:s20+$0x4060]  }
0x50: {  	v17 =	vld [tilespmem:s20+$0x4030];
	v1 =	vadd.f32 v11, v1;
	v5 =	vadd.f32 v14, v5  }
0x51: {  	v18 =	vld [tilespmem:s20+$0x4040];
	v3 =	vadd.f32 v15, v3  }
0x52: {  	v11 =	vld [tilespmem:s20+$0x4050];
	v2 =	vadd.f32 v12, v2;
	v1 =	vadd.f32 v16, v1;
	[tilespmem:$0x10080] =	vst v5  }
0x53: {  	v0 =	vadd.f32 v13, v0;
	[tilespmem:$0x10090] =	vst v3  }
0x54: {  	v7 =	vadd.f32 v7, v8;
	v2 =	vadd.f32 v10, v2;
	[tilespmem:$0x100A0] =	vst v1  }
0x55: {  	v4 =	vadd.f32 v9, v4;
	v5 =	vadd.f32 v17, v6;
	[tilespmem:$0x100F0] =	vst v0  }
0x56: {  	v3 =	vadd.f32 v18, v7;
	[tilespmem:$0x100E0] =	vst v2  }
0x57: {  	v1 =	vadd.f32 v11, v4;
	[tilespmem:$0x100B0] =	vst v5  }
0x58: {  	[tilespmem:$0x100C0] =	vst v3  }
0x59: {  	[tilespmem:$0x100D0] =	vst v1  }
0x5a: {  	_ =	swait.ge [sflag:s15], $0x4000  }
0x5b: {  	[sflag:s15] =	ssyncset.done $0x0  }
0x5c: {  	s22 =	simm.s32 $0x0;
	[sflag:s15] =	ssyncadd.s32 $0xFFFFC000  }
0x5d: {  	v0 =	vld [tilespmem:s22+$0x8070]  }
0x5e: {  	v2 =	vld [tilespmem:s22+$0x8000]  }
0x5f: {  	v3 =	vld [tilespmem:s22+$0x8010]  }
0x60: {  	v11 =	vld [tilespmem:s22+$0x8020]  }
0x61: {  	v10 =	vld [tilespmem:s22+$0x8030]  }
0x62: {  	v8 =	vimm.f32 $0.0e+00;
	v1 =	vimm.f32 $0.0e+00;
	v7 =	vld [tilespmem:s22+$0x8040]  }
0x63: {  	v6 =	vimm.f32 $0.0e+00;
	v4 =	vimm.f32 $0.0e+00;
	v9 =	vld [tilespmem:s22+$0x8050];
	v0 =	vadd.f32 v0, v1  }
0x64: {  	s21 =	simm.s32 $0x400;
	s20 =	simm.s32 $0x80;
	v12 =	vld [tilespmem:s22+$0x8060];
	v5 =	vadd.f32 v2, v1;
	v3 =	vadd.f32 v3, v1;
	v2 =	vimm.f32 $0.0e+00  }
.LBB2_6:
0x65: {  	p0 =	sne.s32 s21, $0xFE00;
	v13 =	vld [tilespmem:s20+$0x8070];
	v1 =	vadd.f32 v11, v1  }
0x66: {  	v14 =	vld [tilespmem:s20+$0x8000];
	v6 =	vadd.f32 v10, v6  }
0x67: {  	v15 =	vld [tilespmem:s20+$0x8010];
	v8 =	vadd.f32 v7, v8  }
.Ltmp2:
0x68: {  	v11 =	vld [tilespmem:s20+$0x8020];
	v4 =	vadd.f32 v9, v4;
	(pc) =	sbr.rel @p0 .LBB2_6-.Ltmp2, $4  }
0x69: {  	v10 =	vld [tilespmem:s20+$0x8030];
	v2 =	vadd.f32 v12, v2  }
0x6a: {  	v7 =	vld [tilespmem:s20+$0x8040];
	v0 =	vadd.f32 v13, v0  }
0x6b: {  	v5 =	vadd.f32 v14, v5;
	v9 =	vld [tilespmem:s20+$0x8050]  }
0x6c: {  	v3 =	vadd.f32 v15, v3;
	v12 =	vld [tilespmem:s20+$0x8060];
	s20 =	sshra.s32 s21, $0x2;
	s21 =	sadd.s32 $0x200, s21  }
0x6d: {  	v14 =	vld [tilespmem:s20+$0x8000]  }
0x6e: {  	v15 =	vld [tilespmem:s20+$0x8010]  }
0x6f: {  	v16 =	vld [tilespmem:s20+$0x8020]  }
0x70: {  	v13 =	vld [tilespmem:s20+$0x8070]  }
0x71: {  	v6 =	vadd.f32 v10, v6;
	v10 =	vld [tilespmem:s20+$0x8060]  }
0x72: {  	v17 =	vld [tilespmem:s20+$0x8030];
	v1 =	vadd.f32 v11, v1;
	v5 =	vadd.f32 v14, v5  }
0x73: {  	v18 =	vld [tilespmem:s20+$0x8040];
	v3 =	vadd.f32 v15, v3  }
0x74: {  	v11 =	vld [tilespmem:s20+$0x8050];
	v2 =	vadd.f32 v12, v2;
	v1 =	vadd.f32 v16, v1;
	[tilespmem:$0x10100] =	vst v5  }
0x75: {  	v0 =	vadd.f32 v13, v0;
	[tilespmem:$0x10110] =	vst v3  }
0x76: {  	v7 =	vadd.f32 v7, v8;
	v2 =	vadd.f32 v10, v2;
	[tilespmem:$0x10120] =	vst v1  }
0x77: {  	v4 =	vadd.f32 v9, v4;
	v5 =	vadd.f32 v17, v6;
	[tilespmem:$0x10170] =	vst v0  }
0x78: {  	v3 =	vadd.f32 v18, v7;
	[tilespmem:$0x10160] =	vst v2  }
0x79: {  	v1 =	vadd.f32 v11, v4;
	[tilespmem:$0x10130] =	vst v5  }
0x7a: {  	[tilespmem:$0x10140] =	vst v3  }
0x7b: {  	[tilespmem:$0x10150] =	vst v1  }
0x7c: {  	_ =	swait.ge [sflag:s16], $0x4000  }
0x7d: {  	[sflag:s16] =	ssyncset.done $0x0  }
0x7e: {  	s22 =	simm.s32 $0x0;
	[sflag:s16] =	ssyncadd.s32 $0xFFFFC000  }
0x7f: {  	v0 =	vld [tilespmem:s22+$0xC070]  }
0x80: {  	v2 =	vld [tilespmem:s22+$0xC000]  }
0x81: {  	v3 =	vld [tilespmem:s22+$0xC010]  }
0x82: {  	v11 =	vld [tilespmem:s22+$0xC020]  }
0x83: {  	v10 =	vld [tilespmem:s22+$0xC030]  }
0x84: {  	v8 =	vimm.f32 $0.0e+00;
	v1 =	vimm.f32 $0.0e+00;
	v7 =	vld [tilespmem:s22+$0xC040]  }
0x85: {  	v6 =	vimm.f32 $0.0e+00;
	v4 =	vimm.f32 $0.0e+00;
	v9 =	vld [tilespmem:s22+$0xC050];
	v0 =	vadd.f32 v0, v1  }
0x86: {  	s21 =	simm.s32 $0x400;
	s20 =	simm.s32 $0x80;
	v12 =	vld [tilespmem:s22+$0xC060];
	v5 =	vadd.f32 v2, v1;
	v3 =	vadd.f32 v3, v1;
	v2 =	vimm.f32 $0.0e+00  }
.LBB2_8:
0x87: {  	p0 =	sne.s32 s21, $0xFE00;
	v13 =	vld [tilespmem:s20+$0xC070];
	v1 =	vadd.f32 v11, v1  }
0x88: {  	v14 =	vld [tilespmem:s20+$0xC000];
	v6 =	vadd.f32 v10, v6  }
0x89: {  	v15 =	vld [tilespmem:s20+$0xC010];
	v8 =	vadd.f32 v7, v8  }
.Ltmp3:
0x8a: {  	v11 =	vld [tilespmem:s20+$0xC020];
	v4 =	vadd.f32 v9, v4;
	(pc) =	sbr.rel @p0 .LBB2_8-.Ltmp3, $4  }
0x8b: {  	v10 =	vld [tilespmem:s20+$0xC030];
	v2 =	vadd.f32 v12, v2  }
0x8c: {  	v7 =	vld [tilespmem:s20+$0xC040];
	v0 =	vadd.f32 v13, v0  }
0x8d: {  	v5 =	vadd.f32 v14, v5;
	v9 =	vld [tilespmem:s20+$0xC050]  }
0x8e: {  	v3 =	vadd.f32 v15, v3;
	v12 =	vld [tilespmem:s20+$0xC060];
	s20 =	sshra.s32 s21, $0x2;
	s21 =	sadd.s32 $0x200, s21  }
0x8f: {  	v14 =	vld [tilespmem:s20+$0xC000]  }
0x90: {  	v15 =	vld [tilespmem:s20+$0xC010]  }
0x91: {  	v16 =	vld [tilespmem:s20+$0xC020]  }
0x92: {  	v17 =	vld [tilespmem:s20+$0xC030]  }
0x93: {  	v18 =	vld [tilespmem:s20+$0xC040]  }
0x94: {  	v1 =	vadd.f32 v11, v1;
	v59 =	vld [tilespmem:s20+$0xC050];
	v5 =	vadd.f32 v14, v5  }
0x95: {  	v13 =	vld [tilespmem:s20+$0xC070];
	v6 =	vadd.f32 v10, v6;
	v3 =	vadd.f32 v15, v3  }
0x96: {  	v60 =	vld [tilespmem:s20+$0xC060];
	v7 =	vadd.f32 v7, v8;
	v1 =	vadd.f32 v16, v1;
	[tilespmem:$0x10180] =	vst v5  }
0x97: {  	v4 =	vadd.f32 v9, v4;
	v61 =	vadd.f32 v17, v6;
	[tilespmem:$0x10190] =	vst v3  }
0x98: {  	v62 =	vadd.f32 v18, v7;
	[tilespmem:$0x101A0] =	vst v1  }
0x99: {  	v2 =	vadd.f32 v12, v2;
	v63 =	vadd.f32 v59, v4;
	[tilespmem:$0x101B0] =	vst v61  }
0x9a: {  	v0 =	vadd.f32 v13, v0;
	[tilespmem:$0x101C0] =	vst v62  }
0x9b: {  	s19 =	sadd.s32 $0x1, s19;
	v2 =	vadd.f32 v60, v2;
	[tilespmem:$0x101D0] =	vst v63  }
0x9c: {  	p0 =	sne.s32 s19, s8;
	[tilespmem:$0x101F0] =	vst v0  }
.Ltmp4:
0x9d: {  	[tilespmem:$0x101E0] =	vst v2;
	(pc) =	sbr.rel @p0 .LBB2_1-.Ltmp4, $4  }
0x9e: {  	[hbm4b:s7+s2] =	stream.linear.scatter [tilespmem:s17], [sflag:$0x5], $0x200, $0x38;
	[tilespmem:$0x10200] =	vst v63  }
0x9f: {  	_ =	swait.ge [sflag:s18], $0x200  }
0xa0: {  	[sflag:s18] =	ssyncset.done $0x0  }
0xa1: {  	[sflag:s18] =	ssyncadd.s32 $0xFFFFFE00  }
0xa2: {  	_ =	sfence.sel $0x180000  }
0xa3: {  	[bflag:$0x0] =	sbarrier.arrive $0xFFFF  }
0xa4: {  	p0 =	sne.s32 s0, $0x0;
	_ =	strace $0x90000047  }
0xa5: {  	s0 =	sadd.s32 @!p0 $0x100000, s1;
	[bflag:$0x2] =	sbarrier.arrive $0xFFFF  }
0xa6: {  	[sflag:s0] =	ssyncadd.tile.s32 @!p0 $0x1;
	_ =	shalt  }
.Lfunc_end2:
_tile_overlayer_lowered:
.L_overlay_start_2:
0xa7: {  	(tag) =	ssettag $0x2  }
0xa8: {  	s0 =	rddreg [dreg:$0x0];
	s2 =	stileid.u32  }
0xa9: {  	s1 =	rddreg [dreg:$0x1];
	p0 =	sne.s32 s2, $0x0  }
0xaa: {  	s3 =	rddreg [dreg:$0x2];
	[bflag:$0x3] =	sbarrier.arrive $0xFFFF;
	s2 =	simm.s32 @!p0 $0x1C05  }
0xab: {  	[timem:s3], [sflag:s2] =	dma.local @!p0 [hbm:s0], s1  }
0xac: {  	s0 =	simm.s32 @!p0 $0x5  }
0xad: {  	_ =	swait.ge @!p0 [sflag:s0], s1  }
0xae: {  	s1 =	ssub.s32 @!p0 $0x0, s1;
	[sflag:s0] =	ssyncset.done @!p0 $0x0  }
0xaf: {  	[sflag:s0] =	ssyncadd.s32 @!p0 s1  }
0xb0: {  	[bflag:$0x3] =	sbarrier.arrive $0xFFFF  }
0xb1: {  	_ =	shalt  }

</sc_bundles>
